<compile_context>
chip_gen: v7x
topology: tpu7x:2x2x1
jax: 0.10.2.dev20260603
libtpu: 0.0.44.dev20260713+nightly
codegen_flags: <defaults>
</compile_context>

<pallas_src>
import jax
import jax.numpy as jnp
from jax import lax
from jax.experimental import pallas as pl
from jax.experimental.pallas import tpu as pltpu
from jax.experimental.pallas import tpu_sc as plsc

N_ATOMS = 1200
N_BONDS = 1250
N_ANGLES = 1000
N_TORS = 800

NBC = 40
NAC = 32
NTC = 25

OFF_BT = 500
OFF_AT = 600
OFF_TT = 800
TAB = 1040

_PI = 3.14159265358979
_PI_HI = 3.140625
_PI_LO = 9.67653589793e-4


def _rsqrt(x):
    y = lax.bitcast_convert_type(x, jnp.int32)
    y = jnp.int32(0x5F3759DF) - (y >> 1)
    r = lax.bitcast_convert_type(y, jnp.float32)
    r = r * (1.5 - 0.5 * x * r * r)
    r = r * (1.5 - 0.5 * x * r * r)
    return r


def _sqrt(x):
    return x * _rsqrt(x)


def _atan2(y, x):
    ax = jnp.abs(x)
    ay = jnp.abs(y)
    mx = jnp.maximum(ax, ay)
    mn = jnp.minimum(ax, ay)
    t = mn / jnp.maximum(mx, 1e-37)
    big = t > 0.41421356
    t2 = jnp.where(big, (t - 1.0) / (t + 1.0), t)
    z = t2 * t2
    p = (((8.05374449538e-2 * z - 1.38776856032e-1) * z
          + 1.99777106478e-1) * z - 3.33329491539e-1) * z * t2 + t2
    r = jnp.where(big, p + _PI / 4, p)
    r = jnp.where(ay > ax, _PI / 2 - r, r)
    r = jnp.where(x < 0.0, _PI - r, r)
    r = jnp.where(y < 0.0, -r, r)
    return r


def _acos(x):
    s = _sqrt((1.0 - x) * (1.0 + x))
    return _atan2(s, x)


def _cos(x):
    t = x * (1.0 / _PI)
    kf = (t + jnp.where(t >= 0.0, 0.5, -0.5)).astype(jnp.int32)
    kff = kf.astype(jnp.float32)
    r = (x - kff * _PI_HI) - kff * _PI_LO
    z = r * r
    c = 1.0 + z * (-0.5 + z * (1.0 / 24 + z * (-1.0 / 720 + z * (
        1.0 / 40320 + z * (-1.0 / 3628800)))))
    return jnp.where((kf & 1) == 1, -c, c)


def _sc_body(coords_h, bonds_h, angles_h, tors_h, tab_h, out_h,
             coords_v, bonds_v, angles_v, tors_v, tab_v,
             kb_v, rb_v, ka_v, ta_v, vt_v, pt_v, ft_v, res_v, sem):
    c = lax.axis_index("c")
    s = lax.axis_index("s")

    coff = pl.multiple_of(s * 3712, 8)
    boff = pl.multiple_of(s * 3840 + c * 1920, 8)
    aoff = pl.multiple_of(s * 4096 + c * 2048, 8)
    toff = pl.multiple_of(s * 4096 + c * 2000, 8)
    cp1 = pltpu.async_copy(coords_h.at[pl.ds(coff, 3600)], coords_v, sem)
    cp2 = pltpu.async_copy(bonds_h.at[pl.ds(boff, 1920)], bonds_v, sem)
    cp3 = pltpu.async_copy(angles_h.at[pl.ds(aoff, 2048)], angles_v, sem)
    cp4 = pltpu.async_copy(tors_h.at[pl.ds(toff, 2000)], tors_v, sem)
    cp5 = pltpu.async_copy(tab_h, tab_v, sem)
    cp5.wait()
    cp1.wait()
    cp2.wait()
    cp3.wait()
    cp4.wait()

    lanes = lax.iota(jnp.int32, 16)
    zero = jnp.zeros((16,), jnp.float32)

    def resolve(dst_v, n_chunks, base, stride, field):
        def body(i, carry):
            t16 = i * 16 + lanes
            fidx = plsc.load_gather(tab_v, [base + t16 * stride + field])
            val = plsc.load_gather(tab_v, [fidx.astype(jnp.int32)])
            dst_v[pl.ds(pl.multiple_of(i * 16, 8), 16)] = val
            return carry
        lax.fori_loop(0, n_chunks, body, 0)

    resolve(kb_v, 4, OFF_BT, 2, 0)
    resolve(rb_v, 4, OFF_BT, 2, 1)
    resolve(ka_v, 7, OFF_AT, 2, 0)
    resolve(ta_v, 7, OFF_AT, 2, 1)
    resolve(vt_v, 5, OFF_TT, 3, 0)
    resolve(pt_v, 5, OFF_TT, 3, 1)
    resolve(ft_v, 5, OFF_TT, 3, 2)

    def cgather(ia):
        i3 = ia * 3
        return (plsc.load_gather(coords_v, [i3]),
                plsc.load_gather(coords_v, [i3 + 1]),
                plsc.load_gather(coords_v, [i3 + 2]))

    def bond_body(i, acc):
        el = i * 16 + lanes
        e3 = el * 3
        ia = plsc.load_gather(bonds_v, [e3])
        ja = plsc.load_gather(bonds_v, [e3 + 1])
        tb = plsc.load_gather(bonds_v, [e3 + 2])
        xi, yi, zi = cgather(ia)
        xj, yj, zj = cgather(ja)
        dx = xi - xj
        dy = yi - yj
        dz = zi - zj
        s2 = dx * dx + dy * dy + dz * dz + 1e-12
        r = _sqrt(s2)
        k = plsc.load_gather(kb_v, [tb])
        r0 = plsc.load_gather(rb_v, [tb])
        d = r - r0
        return acc + jnp.where(c * 640 + el < N_BONDS, k * d * d, zero)

    def angle_body(i, acc):
        el = i * 16 + lanes
        e4 = el * 4
        aa = plsc.load_gather(angles_v, [e4])
        ab = plsc.load_gather(angles_v, [e4 + 1])
        ac = plsc.load_gather(angles_v, [e4 + 2])
        ta = plsc.load_gather(angles_v, [e4 + 3])
        xa, ya, za = cgather(aa)
        xb, yb, zb = cgather(ab)
        xc, yc, zc = cgather(ac)
        v1x = xa - xb
        v1y = ya - yb
        v1z = za - zb
        v2x = xc - xb
        v2y = yc - yb
        v2z = zc - zb
        r1 = v1x * v1x + v1y * v1y + v1z * v1z + 1e-12
        r2 = v2x * v2x + v2y * v2y + v2z * v2z + 1e-12
        dot = v1x * v2x + v1y * v2y + v1z * v2z
        cos_t = dot * _rsqrt(r1) * _rsqrt(r2)
        cos_t = jnp.clip(cos_t, -1.0 + 1e-6, 1.0 - 1e-6)
        th = _acos(cos_t)
        k = plsc.load_gather(ka_v, [ta])
        th0 = plsc.load_gather(ta_v, [ta])
        d = th - th0
        return acc + jnp.where(c * 512 + el < N_ANGLES, k * d * d, zero)

    def tor_body(i, acc):
        el = i * 16 + lanes
        e5 = el * 5
        ti = plsc.load_gather(tors_v, [e5])
        tj = plsc.load_gather(tors_v, [e5 + 1])
        tk = plsc.load_gather(tors_v, [e5 + 2])
        tl = plsc.load_gather(tors_v, [e5 + 3])
        tt = plsc.load_gather(tors_v, [e5 + 4])
        xi, yi, zi = cgather(ti)
        xj, yj, zj = cgather(tj)
        xk, yk, zk = cgather(tk)
        xl, yl, zl = cgather(tl)
        b1x = xj - xi
        b1y = yj - yi
        b1z = zj - zi
        b2x = xk - xj
        b2y = yk - yj
        b2z = zk - zj
        b3x = xl - xk
        b3y = yl - yk
        b3z = zl - zk
        n1x = b1y * b2z - b1z * b2y
        n1y = b1z * b2x - b1x * b2z
        n1z = b1x * b2y - b1y * b2x
        n2x = b2y * b3z - b2z * b3y
        n2y = b2z * b3x - b2x * b3z
        n2z = b2x * b3y - b2y * b3x
        inv = _rsqrt(b2x * b2x + b2y * b2y + b2z * b2z + 1e-12)
        ux = b2x * inv
        uy = b2y * inv
        uz = b2z * inv
        m1x = n1y * uz - n1z * uy
        m1y = n1z * ux - n1x * uz
        m1z = n1x * uy - n1y * ux
        xx = n1x * n2x + n1y * n2y + n1z * n2z
        yy = m1x * n2x + m1y * n2y + m1z * n2z
        phi = _atan2(yy, xx + 1e-12)
        V = plsc.load_gather(vt_v, [tt])
        per = plsc.load_gather(pt_v, [tt])
        phase = plsc.load_gather(ft_v, [tt])
        return acc + V * (1.0 + _cos(per * phi - phase))

    acc = lax.fori_loop(0, NBC, bond_body, zero, unroll=2)
    acc = lax.fori_loop(0, NAC, angle_body, acc, unroll=2)
    acc = lax.fori_loop(0, NTC, tor_body, acc)

    res_v[...] = acc
    pltpu.sync_copy(res_v, out_h.at[c, s])


def kernel(features, lengths, opt_pars, bond_type, angle_type, tor_type):
    del lengths
    f = features
    coords = f[:, :3712, 5].reshape(-1)
    bonds = f[:, :3840, 6].astype(jnp.int32).reshape(-1)
    angles = f[:, :4096, 7].astype(jnp.int32).reshape(-1)
    tors = f[:, :4096, 8].astype(jnp.int32).reshape(-1)
    tab = jnp.concatenate([opt_pars, bond_type.reshape(-1),
                           angle_type.reshape(-1), tor_type.reshape(-1)])

    mesh = plsc.VectorSubcoreMesh(core_axis_name="c", subcore_axis_name="s")
    run = pl.kernel(
        _sc_body,
        out_type=jax.ShapeDtypeStruct((2, 16, 16), jnp.float32),
        mesh=mesh,
        compiler_params=pltpu.CompilerParams(
            needs_layout_passes=False,
            disable_bounds_checks=True,
            disable_semaphore_checks=True,
        ),
        scratch_types=[
            pltpu.VMEM((3 * N_ATOMS,), jnp.float32),
            pltpu.VMEM((1920,), jnp.int32),
            pltpu.VMEM((2048,), jnp.int32),
            pltpu.VMEM((2000,), jnp.int32),
            pltpu.VMEM((TAB,), jnp.float32),
            pltpu.VMEM((64,), jnp.float32),
            pltpu.VMEM((64,), jnp.float32),
            pltpu.VMEM((112,), jnp.float32),
            pltpu.VMEM((112,), jnp.float32),
            pltpu.VMEM((80,), jnp.float32),
            pltpu.VMEM((80,), jnp.float32),
            pltpu.VMEM((80,), jnp.float32),
            pltpu.VMEM((16,), jnp.float32),
            pltpu.SemaphoreType.DMA,
        ],
    )
    partial = run(coords, bonds, angles, tors, tab)
    return partial.sum(axis=(0, 2))

# --- scband reference (transcript-rebuilt; emitter-appended) ---
"""Pipeline reference for scband-local-energy-opt-32770600469174 (READ-ONLY COPY).

The authoritative reference and input builder live on the scoring server;
editing this copy changes nothing except your own understanding.
"""

import jax, jax.numpy as jnp
import numpy as np

B = 16
MAXLEN = 4096
N_ATOMS = 1200
N_BONDS = 1250
N_ANGLES = 1000
N_TORS = 800
P = 500
N_BT = 50
N_AT = 100
N_TT = 80


def setup_inputs() -> dict:
    rng = np.random.default_rng(0)
    features = np.zeros((B, MAXLEN, 9), dtype=np.float32)
    for b in range(B):
        features[b, :N_ATOMS, 0] = rng.integers(0, 20, N_ATOMS)
        features[b, :3 * N_ATOMS, 5] = (rng.standard_normal(3 * N_ATOMS) * 3.0).astype(np.float32)
        bi = rng.integers(0, N_ATOMS, N_BONDS)
        bj = (bi + 1 + rng.integers(0, N_ATOMS - 1, N_BONDS)) % N_ATOMS
        bt = rng.integers(0, N_BT, N_BONDS)
        features[b, :3 * N_BONDS, 6] = np.stack([bi, bj, bt], 1).reshape(-1)
        aa = rng.integers(0, N_ATOMS, N_ANGLES)
        ab = (aa + 1 + rng.integers(0, N_ATOMS - 1, N_ANGLES)) % N_ATOMS
        ac = (ab + 1 + rng.integers(0, N_ATOMS - 1, N_ANGLES)) % N_ATOMS
        at = rng.integers(0, N_AT, N_ANGLES)
        features[b, :4 * N_ANGLES, 7] = np.stack([aa, ab, ac, at], 1).reshape(-1)
        ti = rng.integers(0, N_ATOMS, N_TORS)
        tj = (ti + 1 + rng.integers(0, N_ATOMS - 1, N_TORS)) % N_ATOMS
        tk = (tj + 1 + rng.integers(0, N_ATOMS - 1, N_TORS)) % N_ATOMS
        tl = (tk + 1 + rng.integers(0, N_ATOMS - 1, N_TORS)) % N_ATOMS
        tt = rng.integers(0, N_TT, N_TORS)
        features[b, :5 * N_TORS, 8] = np.stack([ti, tj, tk, tl, tt], 1).reshape(-1)
    lengths = np.tile(np.array([N_ATOMS, 0, 0, 0, 0, 3 * N_ATOMS, 3 * N_BONDS, 4 * N_ANGLES, 5 * N_TORS], dtype=np.int64), (B, 1))
    opt_pars = (rng.standard_normal(P) * 0.5 + 1.0).astype(np.float32)
    bond_type = rng.integers(0, P, (N_BT, 2)).astype(np.float32)
    angle_type = rng.integers(0, P, (N_AT, 2)).astype(np.float32)
    tor_type = rng.integers(0, P, (N_TT, 3)).astype(np.float32)
    return {
        "features": jnp.asarray(features),
        "lengths": jnp.asarray(lengths),
        "opt_pars": jnp.asarray(opt_pars),
        "bond_type": jnp.asarray(bond_type),
        "angle_type": jnp.asarray(angle_type),
        "tor_type": jnp.asarray(tor_type),
    }


def _bonds_energy(coords, bonds, bond_type, opt_pars):
    i = bonds[:, 0]
    j = bonds[:, 1]
    t = bonds[:, 2]
    idx = jax.lax.stop_gradient(bond_type[t]).astype(jnp.int32)
    k = opt_pars[idx[:, 0]]
    r0 = opt_pars[idx[:, 1]]
    d = coords[i] - coords[j]
    r = jnp.sqrt(jnp.sum(d * d, axis=-1) + 1e-12)
    return jnp.sum(k * (r - r0) ** 2)


def _angles_energy(atoms, coords, angles, angle_type, opt_pars):
    a = angles[:, 0]
    b = angles[:, 1]
    c = angles[:, 2]
    t = angles[:, 3]
    idx = jax.lax.stop_gradient(angle_type[t]).astype(jnp.int32)
    k = opt_pars[idx[:, 0]]
    th0 = opt_pars[idx[:, 1]]
    v1 = coords[a] - coords[b]
    v2 = coords[c] - coords[b]
    n1 = jnp.sqrt(jnp.sum(v1 * v1, axis=-1) + 1e-12)
    n2 = jnp.sqrt(jnp.sum(v2 * v2, axis=-1) + 1e-12)
    cos_t = jnp.clip(jnp.sum(v1 * v2, axis=-1) / (n1 * n2), -1.0 + 1e-6, 1.0 - 1e-6)
    theta = jnp.arccos(cos_t)
    return jnp.sum(k * (theta - th0) ** 2)


def _torsions_energy(atoms, coords, tors, tor_type, opt_pars):
    i = tors[:, 0]
    j = tors[:, 1]
    k_ = tors[:, 2]
    l = tors[:, 3]
    t = tors[:, 4]
    idx = jax.lax.stop_gradient(tor_type[t]).astype(jnp.int32)
    V = opt_pars[idx[:, 0]]
    per = opt_pars[idx[:, 1]]
    phase = opt_pars[idx[:, 2]]
    b1 = coords[j] - coords[i]
    b2 = coords[k_] - coords[j]
    b3 = coords[l] - coords[k_]
    n1 = jnp.cross(b1, b2)
    n2 = jnp.cross(b2, b3)
    b2n = b2 / jnp.sqrt(jnp.sum(b2 * b2, axis=-1, keepdims=True) + 1e-12)
    m1 = jnp.cross(n1, b2n)
    x = jnp.sum(n1 * n2, axis=-1)
    y = jnp.sum(m1 * n2, axis=-1)
    phi = jnp.arctan2(y, x + 1e-12)
    return jnp.sum(V * (1.0 + jnp.cos(per * phi - phase)))


def _masked_segment(col, size, length):
    valid = (jnp.arange(size) < length)
    return col[:size] * valid.astype(col.dtype)


def _forward(features, lengths_np, opt_pars, bond_type, angle_type, tor_type):
    outs = []
    for i in range(features.shape[0]):
        f = features[i]
        L = lengths_np[i]
        atoms = jax.lax.stop_gradient(_masked_segment(f[:, 0], N_ATOMS, L[0])).astype(jnp.int32)
        coords = _masked_segment(f[:, 5], 3 * N_ATOMS, L[5]).reshape(-1, 3)
        bonds = jax.lax.stop_gradient(_masked_segment(f[:, 6], 3 * N_BONDS, L[6])).astype(jnp.int32).reshape(-1, 3)
        angles = jax.lax.stop_gradient(_masked_segment(f[:, 7], 4 * N_ANGLES, L[7])).astype(jnp.int32).reshape(-1, 4)
        tors = jax.lax.stop_gradient(_masked_segment(f[:, 8], 5 * N_TORS, L[8])).astype(jnp.int32).reshape(-1, 5)
        e = (
            _bonds_energy(coords, bonds, bond_type, opt_pars)
            + _angles_energy(atoms, coords, angles, angle_type, opt_pars)
            + _torsions_energy(atoms, coords, tors, tor_type, opt_pars)
        )
        outs.append(e)
    return jnp.stack(outs)


def reference(features, lengths, opt_pars, bond_type, angle_type, tor_type):
    return _forward(features, lengths, opt_pars, bond_type, angle_type, tor_type)

if __name__ == "__main__":
    import jax
    _d = setup_inputs()
    print(jax.jit(kernel)(*tuple(_d.values())))

</pallas_src>

<mosaic_0001>
#map = affine_map<(d0, d1) -> (0)>
#map1 = affine_map<(d0, d1) -> (0, 0, 0)>
module attributes {stable_mosaic.version = 14 : i64} {
  func.func @_sc_body(%arg0: i32, %arg1: i32, %arg2: memref<59392xf32, #tpu.memory_space<hbm>>, %arg3: memref<61440xi32, #tpu.memory_space<hbm>>, %arg4: memref<65536xi32, #tpu.memory_space<hbm>>, %arg5: memref<65536xi32, #tpu.memory_space<hbm>>, %arg6: memref<1040xf32, #tpu.memory_space<hbm>>, %arg7: memref<2x16x16xf32, #tpu.memory_space<hbm>>, %arg8: memref<3600xf32, #tpu.memory_space<vmem>>, %arg9: memref<1920xi32, #tpu.memory_space<vmem>>, %arg10: memref<2048xi32, #tpu.memory_space<vmem>>, %arg11: memref<2000xi32, #tpu.memory_space<vmem>>, %arg12: memref<1040xf32, #tpu.memory_space<vmem>>, %arg13: memref<64xf32, #tpu.memory_space<vmem>>, %arg14: memref<64xf32, #tpu.memory_space<vmem>>, %arg15: memref<112xf32, #tpu.memory_space<vmem>>, %arg16: memref<112xf32, #tpu.memory_space<vmem>>, %arg17: memref<80xf32, #tpu.memory_space<vmem>>, %arg18: memref<80xf32, #tpu.memory_space<vmem>>, %arg19: memref<80xf32, #tpu.memory_space<vmem>>, %arg20: memref<16xf32, #tpu.memory_space<vmem>>, %arg21: memref<!tpu.dma_semaphore, #tpu.memory_space<semaphore_mem>>) attributes {dimension_semantics = [#tpu.dimension_semantics<core_parallel>, #tpu.dimension_semantics<subcore_parallel>], iteration_bounds = array<i64: 2, 16>, scalar_prefetch = 0 : i64, scratch_operands = 14 : i64, tpu.core_type = #tpu.core_type<sc_vector_subcore>, window_params = [{transform_indices = #map}, {transform_indices = #map}, {transform_indices = #map}, {transform_indices = #map}, {transform_indices = #map}, {transform_indices = #map1}]} {
    %mul3A = arith.constant 3712 : i32
    %mul3A_0 = arith.muli %arg1, %mul3A : i32
    %multiple_of3A = tpu.assume_multiple %mul3A_0, 8 : i32
    %mul3A_1 = arith.constant 3840 : i32
    %mul3A_2 = arith.muli %arg1, %mul3A_1 : i32
    %mul3A_3 = arith.constant 1920 : i32
    %mul3A_4 = arith.muli %arg0, %mul3A_3 : i32
    %add3A = arith.addi %mul3A_2, %mul3A_4 : i32
    %multiple_of3A_5 = tpu.assume_multiple %add3A, 8 : i32
    %mul3A_6 = arith.constant 4096 : i32
    %mul3A_7 = arith.muli %arg1, %mul3A_6 : i32
    %mul3A_8 = arith.constant 2048 : i32
    %mul3A_9 = arith.muli %arg0, %mul3A_8 : i32
    %add3A_10 = arith.addi %mul3A_7, %mul3A_9 : i32
    %multiple_of3A_11 = tpu.assume_multiple %add3A_10, 8 : i32
    %mul3A_12 = arith.constant 4096 : i32
    %mul3A_13 = arith.muli %arg1, %mul3A_12 : i32
    %mul3A_14 = arith.constant 2000 : i32
    %mul3A_15 = arith.muli %arg0, %mul3A_14 : i32
    %add3A_16 = arith.addi %mul3A_13, %mul3A_15 : i32
    %multiple_of3A_17 = tpu.assume_multiple %add3A_16, 8 : i32
    %dma_start3A = tpu.memref_slice %arg2[%multiple_of3A] : memref<59392xf32, #tpu.memory_space<hbm>> -> memref<3600xf32, #tpu.memory_space<hbm>>
    %dma_start3A_18 = tpu.memref_slice %arg2[%multiple_of3A] : memref<59392xf32, #tpu.memory_space<hbm>> -> memref<3600xf32, #tpu.memory_space<hbm>>
    tpu.enqueue_dma source(%dma_start3A_18 : memref<3600xf32, #tpu.memory_space<hbm>>) target(%arg8 : memref<3600xf32, #tpu.memory_space<vmem>>) target_semaphore(%arg21 : memref<!tpu.dma_semaphore, #tpu.memory_space<semaphore_mem>>)
    %dma_start3A_19 = tpu.memref_slice %arg3[%multiple_of3A_5] : memref<61440xi32, #tpu.memory_space<hbm>> -> memref<1920xi32, #tpu.memory_space<hbm>>
    %dma_start3A_20 = tpu.memref_slice %arg3[%multiple_of3A_5] : memref<61440xi32, #tpu.memory_space<hbm>> -> memref<1920xi32, #tpu.memory_space<hbm>>
    tpu.enqueue_dma source(%dma_start3A_20 : memref<1920xi32, #tpu.memory_space<hbm>>) target(%arg9 : memref<1920xi32, #tpu.memory_space<vmem>>) target_semaphore(%arg21 : memref<!tpu.dma_semaphore, #tpu.memory_space<semaphore_mem>>)
    %dma_start3A_21 = tpu.memref_slice %arg4[%multiple_of3A_11] : memref<65536xi32, #tpu.memory_space<hbm>> -> memref<2048xi32, #tpu.memory_space<hbm>>
    %dma_start3A_22 = tpu.memref_slice %arg4[%multiple_of3A_11] : memref<65536xi32, #tpu.memory_space<hbm>> -> memref<2048xi32, #tpu.memory_space<hbm>>
    tpu.enqueue_dma source(%dma_start3A_22 : memref<2048xi32, #tpu.memory_space<hbm>>) target(%arg10 : memref<2048xi32, #tpu.memory_space<vmem>>) target_semaphore(%arg21 : memref<!tpu.dma_semaphore, #tpu.memory_space<semaphore_mem>>)
    %dma_start3A_23 = tpu.memref_slice %arg5[%multiple_of3A_17] : memref<65536xi32, #tpu.memory_space<hbm>> -> memref<2000xi32, #tpu.memory_space<hbm>>
    %dma_start3A_24 = tpu.memref_slice %arg5[%multiple_of3A_17] : memref<65536xi32, #tpu.memory_space<hbm>> -> memref<2000xi32, #tpu.memory_space<hbm>>
    tpu.enqueue_dma source(%dma_start3A_24 : memref<2000xi32, #tpu.memory_space<hbm>>) target(%arg11 : memref<2000xi32, #tpu.memory_space<vmem>>) target_semaphore(%arg21 : memref<!tpu.dma_semaphore, #tpu.memory_space<semaphore_mem>>)
    tpu.enqueue_dma source(%arg6 : memref<1040xf32, #tpu.memory_space<hbm>>) target(%arg12 : memref<1040xf32, #tpu.memory_space<vmem>>) target_semaphore(%arg21 : memref<!tpu.dma_semaphore, #tpu.memory_space<semaphore_mem>>)
    tpu.wait_dma2 semaphore(%arg21 : memref<!tpu.dma_semaphore, #tpu.memory_space<semaphore_mem>>) src(%arg6 : memref<1040xf32, #tpu.memory_space<hbm>>) dst(%arg12 : memref<1040xf32, #tpu.memory_space<vmem>>)
    %dma_wait3A = tpu.memref_slice %arg2[%multiple_of3A] : memref<59392xf32, #tpu.memory_space<hbm>> -> memref<3600xf32, #tpu.memory_space<hbm>>
    %dma_wait3A_25 = tpu.memref_slice %arg2[%multiple_of3A] : memref<59392xf32, #tpu.memory_space<hbm>> -> memref<3600xf32, #tpu.memory_space<hbm>>
    tpu.wait_dma2 semaphore(%arg21 : memref<!tpu.dma_semaphore, #tpu.memory_space<semaphore_mem>>) src(%dma_wait3A_25 : memref<3600xf32, #tpu.memory_space<hbm>>) dst(%arg8 : memref<3600xf32, #tpu.memory_space<vmem>>)
    %dma_wait3A_26 = tpu.memref_slice %arg3[%multiple_of3A_5] : memref<61440xi32, #tpu.memory_space<hbm>> -> memref<1920xi32, #tpu.memory_space<hbm>>
    %dma_wait3A_27 = tpu.memref_slice %arg3[%multiple_of3A_5] : memref<61440xi32, #tpu.memory_space<hbm>> -> memref<1920xi32, #tpu.memory_space<hbm>>
    tpu.wait_dma2 semaphore(%arg21 : memref<!tpu.dma_semaphore, #tpu.memory_space<semaphore_mem>>) src(%dma_wait3A_27 : memref<1920xi32, #tpu.memory_space<hbm>>) dst(%arg9 : memref<1920xi32, #tpu.memory_space<vmem>>)
    %dma_wait3A_28 = tpu.memref_slice %arg4[%multiple_of3A_11] : memref<65536xi32, #tpu.memory_space<hbm>> -> memref<2048xi32, #tpu.memory_space<hbm>>
    %dma_wait3A_29 = tpu.memref_slice %arg4[%multiple_of3A_11] : memref<65536xi32, #tpu.memory_space<hbm>> -> memref<2048xi32, #tpu.memory_space<hbm>>
    tpu.wait_dma2 semaphore(%arg21 : memref<!tpu.dma_semaphore, #tpu.memory_space<semaphore_mem>>) src(%dma_wait3A_29 : memref<2048xi32, #tpu.memory_space<hbm>>) dst(%arg10 : memref<2048xi32, #tpu.memory_space<vmem>>)
    %dma_wait3A_30 = tpu.memref_slice %arg5[%multiple_of3A_17] : memref<65536xi32, #tpu.memory_space<hbm>> -> memref<2000xi32, #tpu.memory_space<hbm>>
    %dma_wait3A_31 = tpu.memref_slice %arg5[%multiple_of3A_17] : memref<65536xi32, #tpu.memory_space<hbm>> -> memref<2000xi32, #tpu.memory_space<hbm>>
    tpu.wait_dma2 semaphore(%arg21 : memref<!tpu.dma_semaphore, #tpu.memory_space<semaphore_mem>>) src(%dma_wait3A_31 : memref<2000xi32, #tpu.memory_space<hbm>>) dst(%arg11 : memref<2000xi32, #tpu.memory_space<vmem>>)
    %iota3A = tpu.iota {dimensions = array<i32: 0>} : vector<16xi32>
    %broadcast_in_dim3A = arith.constant 0.000000e+00 : f32
    %broadcast_in_dim3A_32 = vector.broadcast %broadcast_in_dim3A : f32 to vector<16xf32>
    %scan3A = arith.constant 0 : i32
    %scan3A_33 = arith.constant 0 : i32
    %scan3A_34 = arith.constant 4 : i32
    %scan3A_35 = arith.addi %scan3A_33, %scan3A_34 : i32
    %scan3A_36 = arith.constant 1 : i32
    scf.for %scan3A_93 = %scan3A_33 to %scan3A_35 step %scan3A_36  : i32 {
      %mul3A_94 = arith.constant 16 : i32
      %mul3A_95 = arith.muli %scan3A_93, %mul3A_94 : i32
      %add3A_96 = vector.broadcast %mul3A_95 : i32 to vector<16xi32>
      %add3A_97 = arith.addi %add3A_96, %iota3A : vector<16xi32>
      %mul3A_98 = arith.constant 2 : i32
      %mul3A_99 = vector.broadcast %mul3A_98 : i32 to vector<16xi32>
      %mul3A_100 = arith.muli %add3A_97, %mul3A_99 : vector<16xi32>
      %add3A_101 = arith.constant 500 : i32
      %add3A_102 = vector.broadcast %add3A_101 : i32 to vector<16xi32>
      %add3A_103 = arith.addi %add3A_102, %mul3A_100 : vector<16xi32>
      %add3A_104 = arith.constant 0 : i32
      %add3A_105 = vector.broadcast %add3A_104 : i32 to vector<16xi32>
      %add3A_106 = arith.addi %add3A_103, %add3A_105 : vector<16xi32>
      %gather3A = tpu.vector_load_idx %arg12[%add3A_106] : memref<1040xf32, #tpu.memory_space<vmem>>[vector<16xi32>], vector<16xf32>,
      %convert_element_type3A = arith.fptosi %gather3A : vector<16xf32> to vector<16xi32>
      %gather3A_107 = tpu.vector_load_idx %arg12[%convert_element_type3A] : memref<1040xf32, #tpu.memory_space<vmem>>[vector<16xi32>], vector<16xf32>,
      %mul3A_108 = arith.constant 16 : i32
      %mul3A_109 = arith.muli %scan3A_93, %mul3A_108 : i32
      %multiple_of3A_110 = tpu.assume_multiple %mul3A_109, 8 : i32
      %swap3A_111 = arith.index_cast %multiple_of3A_110 : i32 to index
      %swap3A_112 = tpu.vector_load %arg13[%swap3A_111] {strides = array<i32>} : memref<64xf32, #tpu.memory_space<vmem>>, vector<16xf32>,
      tpu.vector_store %arg13[%swap3A_111], %gather3A_107 {strides = array<i32>} : memref<64xf32, #tpu.memory_space<vmem>>, vector<16xf32>,
    }
    %scan3A_37 = arith.constant 4 : i32
    %scan3A_38 = arith.constant 0 : i32
    %scan3A_39 = arith.constant 0 : i32
    %scan3A_40 = arith.constant 4 : i32
    %scan3A_41 = arith.addi %scan3A_39, %scan3A_40 : i32
    %scan3A_42 = arith.constant 1 : i32
    scf.for %scan3A_93 = %scan3A_39 to %scan3A_41 step %scan3A_42  : i32 {
      %mul3A_94 = arith.constant 16 : i32
      %mul3A_95 = arith.muli %scan3A_93, %mul3A_94 : i32
      %add3A_96 = vector.broadcast %mul3A_95 : i32 to vector<16xi32>
      %add3A_97 = arith.addi %add3A_96, %iota3A : vector<16xi32>
      %mul3A_98 = arith.constant 2 : i32
      %mul3A_99 = vector.broadcast %mul3A_98 : i32 to vector<16xi32>
      %mul3A_100 = arith.muli %add3A_97, %mul3A_99 : vector<16xi32>
      %add3A_101 = arith.constant 500 : i32
      %add3A_102 = vector.broadcast %add3A_101 : i32 to vector<16xi32>
      %add3A_103 = arith.addi %add3A_102, %mul3A_100 : vector<16xi32>
      %add3A_104 = arith.constant 1 : i32
      %add3A_105 = vector.broadcast %add3A_104 : i32 to vector<16xi32>
      %add3A_106 = arith.addi %add3A_103, %add3A_105 : vector<16xi32>
      %gather3A = tpu.vector_load_idx %arg12[%add3A_106] : memref<1040xf32, #tpu.memory_space<vmem>>[vector<16xi32>], vector<16xf32>,
      %convert_element_type3A = arith.fptosi %gather3A : vector<16xf32> to vector<16xi32>
      %gather3A_107 = tpu.vector_load_idx %arg12[%convert_element_type3A] : memref<1040xf32, #tpu.memory_space<vmem>>[vector<16xi32>], vector<16xf32>,
      %mul3A_108 = arith.constant 16 : i32
      %mul3A_109 = arith.muli %scan3A_93, %mul3A_108 : i32
      %multiple_of3A_110 = tpu.assume_multiple %mul3A_109, 8 : i32
      %swap3A_111 = arith.index_cast %multiple_of3A_110 : i32 to index
      %swap3A_112 = tpu.vector_load %arg14[%swap3A_111] {strides = array<i32>} : memref<64xf32, #tpu.memory_space<vmem>>, vector<16xf32>,
      tpu.vector_store %arg14[%swap3A_111], %gather3A_107 {strides = array<i32>} : memref<64xf32, #tpu.memory_space<vmem>>, vector<16xf32>,
    }
    %scan3A_43 = arith.constant 4 : i32
    %scan3A_44 = arith.constant 0 : i32
    %scan3A_45 = arith.constant 0 : i32
    %scan3A_46 = arith.constant 7 : i32
    %scan3A_47 = arith.addi %scan3A_45, %scan3A_46 : i32
    %scan3A_48 = arith.constant 1 : i32
    scf.for %scan3A_93 = %scan3A_45 to %scan3A_47 step %scan3A_48  : i32 {
      %mul3A_94 = arith.constant 16 : i32
      %mul3A_95 = arith.muli %scan3A_93, %mul3A_94 : i32
      %add3A_96 = vector.broadcast %mul3A_95 : i32 to vector<16xi32>
      %add3A_97 = arith.addi %add3A_96, %iota3A : vector<16xi32>
      %mul3A_98 = arith.constant 2 : i32
      %mul3A_99 = vector.broadcast %mul3A_98 : i32 to vector<16xi32>
      %mul3A_100 = arith.muli %add3A_97, %mul3A_99 : vector<16xi32>
      %add3A_101 = arith.constant 600 : i32
      %add3A_102 = vector.broadcast %add3A_101 : i32 to vector<16xi32>
      %add3A_103 = arith.addi %add3A_102, %mul3A_100 : vector<16xi32>
      %add3A_104 = arith.constant 0 : i32
      %add3A_105 = vector.broadcast %add3A_104 : i32 to vector<16xi32>
      %add3A_106 = arith.addi %add3A_103, %add3A_105 : vector<16xi32>
      %gather3A = tpu.vector_load_idx %arg12[%add3A_106] : memref<1040xf32, #tpu.memory_space<vmem>>[vector<16xi32>], vector<16xf32>,
      %convert_element_type3A = arith.fptosi %gather3A : vector<16xf32> to vector<16xi32>
      %gather3A_107 = tpu.vector_load_idx %arg12[%convert_element_type3A] : memref<1040xf32, #tpu.memory_space<vmem>>[vector<16xi32>], vector<16xf32>,
      %mul3A_108 = arith.constant 16 : i32
      %mul3A_109 = arith.muli %scan3A_93, %mul3A_108 : i32
      %multiple_of3A_110 = tpu.assume_multiple %mul3A_109, 8 : i32
      %swap3A_111 = arith.index_cast %multiple_of3A_110 : i32 to index
      %swap3A_112 = tpu.vector_load %arg15[%swap3A_111] {strides = array<i32>} : memref<112xf32, #tpu.memory_space<vmem>>, vector<16xf32>,
      tpu.vector_store %arg15[%swap3A_111], %gather3A_107 {strides = array<i32>} : memref<112xf32, #tpu.memory_space<vmem>>, vector<16xf32>,
    }
    %scan3A_49 = arith.constant 7 : i32
    %scan3A_50 = arith.constant 0 : i32
    %scan3A_51 = arith.constant 0 : i32
    %scan3A_52 = arith.constant 7 : i32
    %scan3A_53 = arith.addi %scan3A_51, %scan3A_52 : i32
    %scan3A_54 = arith.constant 1 : i32
    scf.for %scan3A_93 = %scan3A_51 to %scan3A_53 step %scan3A_54  : i32 {
      %mul3A_94 = arith.constant 16 : i32
      %mul3A_95 = arith.muli %scan3A_93, %mul3A_94 : i32
      %add3A_96 = vector.broadcast %mul3A_95 : i32 to vector<16xi32>
      %add3A_97 = arith.addi %add3A_96, %iota3A : vector<16xi32>
      %mul3A_98 = arith.constant 2 : i32
      %mul3A_99 = vector.broadcast %mul3A_98 : i32 to vector<16xi32>
      %mul3A_100 = arith.muli %add3A_97, %mul3A_99 : vector<16xi32>
      %add3A_101 = arith.constant 600 : i32
      %add3A_102 = vector.broadcast %add3A_101 : i32 to vector<16xi32>
      %add3A_103 = arith.addi %add3A_102, %mul3A_100 : vector<16xi32>
      %add3A_104 = arith.constant 1 : i32
      %add3A_105 = vector.broadcast %add3A_104 : i32 to vector<16xi32>
      %add3A_106 = arith.addi %add3A_103, %add3A_105 : vector<16xi32>
      %gather3A = tpu.vector_load_idx %arg12[%add3A_106] : memref<1040xf32, #tpu.memory_space<vmem>>[vector<16xi32>], vector<16xf32>,
      %convert_element_type3A = arith.fptosi %gather3A : vector<16xf32> to vector<16xi32>
      %gather3A_107 = tpu.vector_load_idx %arg12[%convert_element_type3A] : memref<1040xf32, #tpu.memory_space<vmem>>[vector<16xi32>], vector<16xf32>,
      %mul3A_108 = arith.constant 16 : i32
      %mul3A_109 = arith.muli %scan3A_93, %mul3A_108 : i32
      %multiple_of3A_110 = tpu.assume_multiple %mul3A_109, 8 : i32
      %swap3A_111 = arith.index_cast %multiple_of3A_110 : i32 to index
      %swap3A_112 = tpu.vector_load %arg16[%swap3A_111] {strides = array<i32>} : memref<112xf32, #tpu.memory_space<vmem>>, vector<16xf32>,
      tpu.vector_store %arg16[%swap3A_111], %gather3A_107 {strides = array<i32>} : memref<112xf32, #tpu.memory_space<vmem>>, vector<16xf32>,
    }
    %scan3A_55 = arith.constant 7 : i32
    %scan3A_56 = arith.constant 0 : i32
    %scan3A_57 = arith.constant 0 : i32
    %scan3A_58 = arith.constant 5 : i32
    %scan3A_59 = arith.addi %scan3A_57, %scan3A_58 : i32
    %scan3A_60 = arith.constant 1 : i32
    scf.for %scan3A_93 = %scan3A_57 to %scan3A_59 step %scan3A_60  : i32 {
      %mul3A_94 = arith.constant 16 : i32
      %mul3A_95 = arith.muli %scan3A_93, %mul3A_94 : i32
      %add3A_96 = vector.broadcast %mul3A_95 : i32 to vector<16xi32>
      %add3A_97 = arith.addi %add3A_96, %iota3A : vector<16xi32>
      %mul3A_98 = arith.constant 3 : i32
      %mul3A_99 = vector.broadcast %mul3A_98 : i32 to vector<16xi32>
      %mul3A_100 = arith.muli %add3A_97, %mul3A_99 : vector<16xi32>
      %add3A_101 = arith.constant 800 : i32
      %add3A_102 = vector.broadcast %add3A_101 : i32 to vector<16xi32>
      %add3A_103 = arith.addi %add3A_102, %mul3A_100 : vector<16xi32>
      %add3A_104 = arith.constant 0 : i32
      %add3A_105 = vector.broadcast %add3A_104 : i32 to vector<16xi32>
      %add3A_106 = arith.addi %add3A_103, %add3A_105 : vector<16xi32>
      %gather3A = tpu.vector_load_idx %arg12[%add3A_106] : memref<1040xf32, #tpu.memory_space<vmem>>[vector<16xi32>], vector<16xf32>,
      %convert_element_type3A = arith.fptosi %gather3A : vector<16xf32> to vector<16xi32>
      %gather3A_107 = tpu.vector_load_idx %arg12[%convert_element_type3A] : memref<1040xf32, #tpu.memory_space<vmem>>[vector<16xi32>], vector<16xf32>,
      %mul3A_108 = arith.constant 16 : i32
      %mul3A_109 = arith.muli %scan3A_93, %mul3A_108 : i32
      %multiple_of3A_110 = tpu.assume_multiple %mul3A_109, 8 : i32
      %swap3A_111 = arith.index_cast %multiple_of3A_110 : i32 to index
      %swap3A_112 = tpu.vector_load %arg17[%swap3A_111] {strides = array<i32>} : memref<80xf32, #tpu.memory_space<vmem>>, vector<16xf32>,
      tpu.vector_store %arg17[%swap3A_111], %gather3A_107 {strides = array<i32>} : memref<80xf32, #tpu.memory_space<vmem>>, vector<16xf32>,
    }
    %scan3A_61 = arith.constant 5 : i32
    %scan3A_62 = arith.constant 0 : i32
    %scan3A_63 = arith.constant 0 : i32
    %scan3A_64 = arith.constant 5 : i32
    %scan3A_65 = arith.addi %scan3A_63, %scan3A_64 : i32
    %scan3A_66 = arith.constant 1 : i32
    scf.for %scan3A_93 = %scan3A_63 to %scan3A_65 step %scan3A_66  : i32 {
      %mul3A_94 = arith.constant 16 : i32
      %mul3A_95 = arith.muli %scan3A_93, %mul3A_94 : i32
      %add3A_96 = vector.broadcast %mul3A_95 : i32 to vector<16xi32>
      %add3A_97 = arith.addi %add3A_96, %iota3A : vector<16xi32>
      %mul3A_98 = arith.constant 3 : i32
      %mul3A_99 = vector.broadcast %mul3A_98 : i32 to vector<16xi32>
      %mul3A_100 = arith.muli %add3A_97, %mul3A_99 : vector<16xi32>
      %add3A_101 = arith.constant 800 : i32
      %add3A_102 = vector.broadcast %add3A_101 : i32 to vector<16xi32>
      %add3A_103 = arith.addi %add3A_102, %mul3A_100 : vector<16xi32>
      %add3A_104 = arith.constant 1 : i32
      %add3A_105 = vector.broadcast %add3A_104 : i32 to vector<16xi32>
      %add3A_106 = arith.addi %add3A_103, %add3A_105 : vector<16xi32>
      %gather3A = tpu.vector_load_idx %arg12[%add3A_106] : memref<1040xf32, #tpu.memory_space<vmem>>[vector<16xi32>], vector<16xf32>,
      %convert_element_type3A = arith.fptosi %gather3A : vector<16xf32> to vector<16xi32>
      %gather3A_107 = tpu.vector_load_idx %arg12[%convert_element_type3A] : memref<1040xf32, #tpu.memory_space<vmem>>[vector<16xi32>], vector<16xf32>,
      %mul3A_108 = arith.constant 16 : i32
      %mul3A_109 = arith.muli %scan3A_93, %mul3A_108 : i32
      %multiple_of3A_110 = tpu.assume_multiple %mul3A_109, 8 : i32
      %swap3A_111 = arith.index_cast %multiple_of3A_110 : i32 to index
      %swap3A_112 = tpu.vector_load %arg18[%swap3A_111] {strides = array<i32>} : memref<80xf32, #tpu.memory_space<vmem>>, vector<16xf32>,
      tpu.vector_store %arg18[%swap3A_111], %gather3A_107 {strides = array<i32>} : memref<80xf32, #tpu.memory_space<vmem>>, vector<16xf32>,
    }
    %scan3A_67 = arith.constant 5 : i32
    %scan3A_68 = arith.constant 0 : i32
    %scan3A_69 = arith.constant 0 : i32
    %scan3A_70 = arith.constant 5 : i32
    %scan3A_71 = arith.addi %scan3A_69, %scan3A_70 : i32
    %scan3A_72 = arith.constant 1 : i32
    scf.for %scan3A_93 = %scan3A_69 to %scan3A_71 step %scan3A_72  : i32 {
      %mul3A_94 = arith.constant 16 : i32
      %mul3A_95 = arith.muli %scan3A_93, %mul3A_94 : i32
      %add3A_96 = vector.broadcast %mul3A_95 : i32 to vector<16xi32>
      %add3A_97 = arith.addi %add3A_96, %iota3A : vector<16xi32>
      %mul3A_98 = arith.constant 3 : i32
      %mul3A_99 = vector.broadcast %mul3A_98 : i32 to vector<16xi32>
      %mul3A_100 = arith.muli %add3A_97, %mul3A_99 : vector<16xi32>
      %add3A_101 = arith.constant 800 : i32
      %add3A_102 = vector.broadcast %add3A_101 : i32 to vector<16xi32>
      %add3A_103 = arith.addi %add3A_102, %mul3A_100 : vector<16xi32>
      %add3A_104 = arith.constant 2 : i32
      %add3A_105 = vector.broadcast %add3A_104 : i32 to vector<16xi32>
      %add3A_106 = arith.addi %add3A_103, %add3A_105 : vector<16xi32>
      %gather3A = tpu.vector_load_idx %arg12[%add3A_106] : memref<1040xf32, #tpu.memory_space<vmem>>[vector<16xi32>], vector<16xf32>,
      %convert_element_type3A = arith.fptosi %gather3A : vector<16xf32> to vector<16xi32>
      %gather3A_107 = tpu.vector_load_idx %arg12[%convert_element_type3A] : memref<1040xf32, #tpu.memory_space<vmem>>[vector<16xi32>], vector<16xf32>,
      %mul3A_108 = arith.constant 16 : i32
      %mul3A_109 = arith.muli %scan3A_93, %mul3A_108 : i32
      %multiple_of3A_110 = tpu.assume_multiple %mul3A_109, 8 : i32
      %swap3A_111 = arith.index_cast %multiple_of3A_110 : i32 to index
      %swap3A_112 = tpu.vector_load %arg19[%swap3A_111] {strides = array<i32>} : memref<80xf32, #tpu.memory_space<vmem>>, vector<16xf32>,
      tpu.vector_store %arg19[%swap3A_111], %gather3A_107 {strides = array<i32>} : memref<80xf32, #tpu.memory_space<vmem>>, vector<16xf32>,
    }
    %scan3A_73 = arith.constant 5 : i32
    %scan3A_74 = arith.constant 0 : i32
    %scan3A_75 = arith.constant 40 : i32
    %scan3A_76 = arith.addi %scan3A_74, %scan3A_75 : i32
    %scan3A_77 = arith.constant 2 : i32
    %scan3A_78 = scf.for %scan3A_93 = %scan3A_74 to %scan3A_76 step %scan3A_77 iter_args(%scan3A_94 = %broadcast_in_dim3A_32) -> (vector<16xf32>)  : i32 {
      %mul3A_95 = arith.constant 16 : i32
      %mul3A_96 = arith.muli %scan3A_93, %mul3A_95 : i32
      %add3A_97 = vector.broadcast %mul3A_96 : i32 to vector<16xi32>
      %add3A_98 = arith.addi %add3A_97, %iota3A : vector<16xi32>
      %mul3A_99 = arith.constant 3 : i32
      %mul3A_100 = vector.broadcast %mul3A_99 : i32 to vector<16xi32>
      %mul3A_101 = arith.muli %add3A_98, %mul3A_100 : vector<16xi32>
      %gather3A = tpu.vector_load_idx %arg9[%mul3A_101] : memref<1920xi32, #tpu.memory_space<vmem>>[vector<16xi32>], vector<16xi32>,
      %add3A_102 = arith.constant 1 : i32
      %add3A_103 = vector.broadcast %add3A_102 : i32 to vector<16xi32>
      %add3A_104 = arith.addi %mul3A_101, %add3A_103 : vector<16xi32>
      %gather3A_105 = tpu.vector_load_idx %arg9[%add3A_104] : memref<1920xi32, #tpu.memory_space<vmem>>[vector<16xi32>], vector<16xi32>,
      %add3A_106 = arith.constant 2 : i32
      %add3A_107 = vector.broadcast %add3A_106 : i32 to vector<16xi32>
      %add3A_108 = arith.addi %mul3A_101, %add3A_107 : vector<16xi32>
      %gather3A_109 = tpu.vector_load_idx %arg9[%add3A_108] : memref<1920xi32, #tpu.memory_space<vmem>>[vector<16xi32>], vector<16xi32>,
      %mul3A_110 = arith.constant 3 : i32
      %mul3A_111 = vector.broadcast %mul3A_110 : i32 to vector<16xi32>
      %mul3A_112 = arith.muli %gather3A, %mul3A_111 : vector<16xi32>
      %gather3A_113 = tpu.vector_load_idx %arg8[%mul3A_112] : memref<3600xf32, #tpu.memory_space<vmem>>[vector<16xi32>], vector<16xf32>,
      %add3A_114 = arith.constant 1 : i32
      %add3A_115 = vector.broadcast %add3A_114 : i32 to vector<16xi32>
      %add3A_116 = arith.addi %mul3A_112, %add3A_115 : vector<16xi32>
      %gather3A_117 = tpu.vector_load_idx %arg8[%add3A_116] : memref<3600xf32, #tpu.memory_space<vmem>>[vector<16xi32>], vector<16xf32>,
      %add3A_118 = arith.constant 2 : i32
      %add3A_119 = vector.broadcast %add3A_118 : i32 to vector<16xi32>
      %add3A_120 = arith.addi %mul3A_112, %add3A_119 : vector<16xi32>
      %gather3A_121 = tpu.vector_load_idx %arg8[%add3A_120] : memref<3600xf32, #tpu.memory_space<vmem>>[vector<16xi32>], vector<16xf32>,
      %mul3A_122 = arith.constant 3 : i32
      %mul3A_123 = vector.broadcast %mul3A_122 : i32 to vector<16xi32>
      %mul3A_124 = arith.muli %gather3A_105, %mul3A_123 : vector<16xi32>
      %gather3A_125 = tpu.vector_load_idx %arg8[%mul3A_124] : memref<3600xf32, #tpu.memory_space<vmem>>[vector<16xi32>], vector<16xf32>,
      %add3A_126 = arith.constant 1 : i32
      %add3A_127 = vector.broadcast %add3A_126 : i32 to vector<16xi32>
      %add3A_128 = arith.addi %mul3A_124, %add3A_127 : vector<16xi32>
      %gather3A_129 = tpu.vector_load_idx %arg8[%add3A_128] : memref<3600xf32, #tpu.memory_space<vmem>>[vector<16xi32>], vector<16xf32>,
      %add3A_130 = arith.constant 2 : i32
      %add3A_131 = vector.broadcast %add3A_130 : i32 to vector<16xi32>
      %add3A_132 = arith.addi %mul3A_124, %add3A_131 : vector<16xi32>
      %gather3A_133 = tpu.vector_load_idx %arg8[%add3A_132] : memref<3600xf32, #tpu.memory_space<vmem>>[vector<16xi32>], vector<16xf32>,
      %sub3A = arith.subf %gather3A_113, %gather3A_125 : vector<16xf32>
      %sub3A_134 = arith.subf %gather3A_117, %gather3A_129 : vector<16xf32>
      %sub3A_135 = arith.subf %gather3A_121, %gather3A_133 : vector<16xf32>
      %mul3A_136 = arith.mulf %sub3A, %sub3A : vector<16xf32>
      %mul3A_137 = arith.mulf %sub3A_134, %sub3A_134 : vector<16xf32>
      %add3A_138 = arith.addf %mul3A_136, %mul3A_137 : vector<16xf32>
      %mul3A_139 = arith.mulf %sub3A_135, %sub3A_135 : vector<16xf32>
      %add3A_140 = arith.addf %add3A_138, %mul3A_139 : vector<16xf32>
      %add3A_141 = arith.constant 9.99999996E-13 : f32
      %add3A_142 = vector.broadcast %add3A_141 : f32 to vector<16xf32>
      %add3A_143 = arith.addf %add3A_140, %add3A_142 : vector<16xf32>
      %bitcast_convert_type3A = tpu.bitcast %add3A_143 : vector<16xf32> -> vector<16xi32>
      %shift_right_arithmetic3A = arith.constant 1 : i32
      %shift_right_arithmetic3A_144 = vector.broadcast %shift_right_arithmetic3A : i32 to vector<16xi32>
      %shift_right_arithmetic3A_145 = arith.shrsi %bitcast_convert_type3A, %shift_right_arithmetic3A_144 : vector<16xi32>
      %sub3A_146 = arith.constant 1597463007 : i32
      %sub3A_147 = vector.broadcast %sub3A_146 : i32 to vector<16xi32>
      %sub3A_148 = arith.subi %sub3A_147, %shift_right_arithmetic3A_145 : vector<16xi32>
      %bitcast_convert_type3A_149 = tpu.bitcast %sub3A_148 : vector<16xi32> -> vector<16xf32>
      %mul3A_150 = arith.constant 5.000000e-01 : f32
      %mul3A_151 = vector.broadcast %mul3A_150 : f32 to vector<16xf32>
      %mul3A_152 = arith.mulf %mul3A_151, %add3A_143 : vector<16xf32>
      %mul3A_153 = arith.mulf %mul3A_152, %bitcast_convert_type3A_149 : vector<16xf32>
      %mul3A_154 = arith.mulf %mul3A_153, %bitcast_convert_type3A_149 : vector<16xf32>
      %sub3A_155 = arith.constant 1.500000e+00 : f32
      %sub3A_156 = vector.broadcast %sub3A_155 : f32 to vector<16xf32>
      %sub3A_157 = arith.subf %sub3A_156, %mul3A_154 : vector<16xf32>
      %mul3A_158 = arith.mulf %bitcast_convert_type3A_149, %sub3A_157 : vector<16xf32>
      %mul3A_159 = arith.constant 5.000000e-01 : f32
      %mul3A_160 = vector.broadcast %mul3A_159 : f32 to vector<16xf32>
      %mul3A_161 = arith.mulf %mul3A_160, %add3A_143 : vector<16xf32>
      %mul3A_162 = arith.mulf %mul3A_161, %mul3A_158 : vector<16xf32>
      %mul3A_163 = arith.mulf %mul3A_162, %mul3A_158 : vector<16xf32>
      %sub3A_164 = arith.constant 1.500000e+00 : f32
      %sub3A_165 = vector.broadcast %sub3A_164 : f32 to vector<16xf32>
      %sub3A_166 = arith.subf %sub3A_165, %mul3A_163 : vector<16xf32>
      %mul3A_167 = arith.mulf %mul3A_158, %sub3A_166 : vector<16xf32>
      %mul3A_168 = arith.mulf %add3A_143, %mul3A_167 : vector<16xf32>
      %gather3A_169 = tpu.vector_load_idx %arg13[%gather3A_109] : memref<64xf32, #tpu.memory_space<vmem>>[vector<16xi32>], vector<16xf32>,
      %gather3A_170 = tpu.vector_load_idx %arg14[%gather3A_109] : memref<64xf32, #tpu.memory_space<vmem>>[vector<16xi32>], vector<16xf32>,
      %sub3A_171 = arith.subf %mul3A_168, %gather3A_170 : vector<16xf32>
      %mul3A_172 = arith.constant 640 : i32
      %mul3A_173 = arith.muli %arg0, %mul3A_172 : i32
      %add3A_174 = vector.broadcast %mul3A_173 : i32 to vector<16xi32>
      %add3A_175 = arith.addi %add3A_174, %add3A_98 : vector<16xi32>
      %lt3A = arith.constant 1250 : i32
      %lt3A_176 = vector.broadcast %lt3A : i32 to vector<16xi32>
      %lt3A_177 = arith.cmpi slt, %add3A_175, %lt3A_176 : vector<16xi32>
      %mul3A_178 = arith.mulf %gather3A_169, %sub3A_171 : vector<16xf32>
      %mul3A_179 = arith.mulf %mul3A_178, %sub3A_171 : vector<16xf32>
      %select_n3A = arith.select %lt3A_177, %mul3A_179, %broadcast_in_dim3A_32 : vector<16xi1>, vector<16xf32>
      %add3A_180 = arith.addf %scan3A_94, %select_n3A : vector<16xf32>
      %scan3A_181 = arith.constant 1 : i32
      %scan3A_182 = arith.addi %scan3A_93, %scan3A_181 : i32
      %mul3A_183 = arith.constant 16 : i32
      %mul3A_184 = arith.muli %scan3A_182, %mul3A_183 : i32
      %add3A_185 = vector.broadcast %mul3A_184 : i32 to vector<16xi32>
      %add3A_186 = arith.addi %add3A_185, %iota3A : vector<16xi32>
      %mul3A_187 = arith.constant 3 : i32
      %mul3A_188 = vector.broadcast %mul3A_187 : i32 to vector<16xi32>
      %mul3A_189 = arith.muli %add3A_186, %mul3A_188 : vector<16xi32>
      %gather3A_190 = tpu.vector_load_idx %arg9[%mul3A_189] : memref<1920xi32, #tpu.memory_space<vmem>>[vector<16xi32>], vector<16xi32>,
      %add3A_191 = arith.constant 1 : i32
      %add3A_192 = vector.broadcast %add3A_191 : i32 to vector<16xi32>
      %add3A_193 = arith.addi %mul3A_189, %add3A_192 : vector<16xi32>
      %gather3A_194 = tpu.vector_load_idx %arg9[%add3A_193] : memref<1920xi32, #tpu.memory_space<vmem>>[vector<16xi32>], vector<16xi32>,
      %add3A_195 = arith.constant 2 : i32
      %add3A_196 = vector.broadcast %add3A_195 : i32 to vector<16xi32>
      %add3A_197 = arith.addi %mul3A_189, %add3A_196 : vector<16xi32>
      %gather3A_198 = tpu.vector_load_idx %arg9[%add3A_197] : memref<1920xi32, #tpu.memory_space<vmem>>[vector<16xi32>], vector<16xi32>,
      %mul3A_199 = arith.constant 3 : i32
      %mul3A_200 = vector.broadcast %mul3A_199 : i32 to vector<16xi32>
      %mul3A_201 = arith.muli %gather3A_190, %mul3A_200 : vector<16xi32>
      %gather3A_202 = tpu.vector_load_idx %arg8[%mul3A_201] : memref<3600xf32, #tpu.memory_space<vmem>>[vector<16xi32>], vector<16xf32>,
      %add3A_203 = arith.constant 1 : i32
      %add3A_204 = vector.broadcast %add3A_203 : i32 to vector<16xi32>
      %add3A_205 = arith.addi %mul3A_201, %add3A_204 : vector<16xi32>
      %gather3A_206 = tpu.vector_load_idx %arg8[%add3A_205] : memref<3600xf32, #tpu.memory_space<vmem>>[vector<16xi32>], vector<16xf32>,
      %add3A_207 = arith.constant 2 : i32
      %add3A_208 = vector.broadcast %add3A_207 : i32 to vector<16xi32>
      %add3A_209 = arith.addi %mul3A_201, %add3A_208 : vector<16xi32>
      %gather3A_210 = tpu.vector_load_idx %arg8[%add3A_209] : memref<3600xf32, #tpu.memory_space<vmem>>[vector<16xi32>], vector<16xf32>,
      %mul3A_211 = arith.constant 3 : i32
      %mul3A_212 = vector.broadcast %mul3A_211 : i32 to vector<16xi32>
      %mul3A_213 = arith.muli %gather3A_194, %mul3A_212 : vector<16xi32>
      %gather3A_214 = tpu.vector_load_idx %arg8[%mul3A_213] : memref<3600xf32, #tpu.memory_space<vmem>>[vector<16xi32>], vector<16xf32>,
      %add3A_215 = arith.constant 1 : i32
      %add3A_216 = vector.broadcast %add3A_215 : i32 to vector<16xi32>
      %add3A_217 = arith.addi %mul3A_213, %add3A_216 : vector<16xi32>
      %gather3A_218 = tpu.vector_load_idx %arg8[%add3A_217] : memref<3600xf32, #tpu.memory_space<vmem>>[vector<16xi32>], vector<16xf32>,
      %add3A_219 = arith.constant 2 : i32
      %add3A_220 = vector.broadcast %add3A_219 : i32 to vector<16xi32>
      %add3A_221 = arith.addi %mul3A_213, %add3A_220 : vector<16xi32>
      %gather3A_222 = tpu.vector_load_idx %arg8[%add3A_221] : memref<3600xf32, #tpu.memory_space<vmem>>[vector<16xi32>], vector<16xf32>,
      %sub3A_223 = arith.subf %gather3A_202, %gather3A_214 : vector<16xf32>
      %sub3A_224 = arith.subf %gather3A_206, %gather3A_218 : vector<16xf32>
      %sub3A_225 = arith.subf %gather3A_210, %gather3A_222 : vector<16xf32>
      %mul3A_226 = arith.mulf %sub3A_223, %sub3A_223 : vector<16xf32>
      %mul3A_227 = arith.mulf %sub3A_224, %sub3A_224 : vector<16xf32>
      %add3A_228 = arith.addf %mul3A_226, %mul3A_227 : vector<16xf32>
      %mul3A_229 = arith.mulf %sub3A_225, %sub3A_225 : vector<16xf32>
      %add3A_230 = arith.addf %add3A_228, %mul3A_229 : vector<16xf32>
      %add3A_231 = arith.constant 9.99999996E-13 : f32
      %add3A_232 = vector.broadcast %add3A_231 : f32 to vector<16xf32>
      %add3A_233 = arith.addf %add3A_230, %add3A_232 : vector<16xf32>
      %bitcast_convert_type3A_234 = tpu.bitcast %add3A_233 : vector<16xf32> -> vector<16xi32>
      %shift_right_arithmetic3A_235 = arith.constant 1 : i32
      %shift_right_arithmetic3A_236 = vector.broadcast %shift_right_arithmetic3A_235 : i32 to vector<16xi32>
      %shift_right_arithmetic3A_237 = arith.shrsi %bitcast_convert_type3A_234, %shift_right_arithmetic3A_236 : vector<16xi32>
      %sub3A_238 = arith.constant 1597463007 : i32
      %sub3A_239 = vector.broadcast %sub3A_238 : i32 to vector<16xi32>
      %sub3A_240 = arith.subi %sub3A_239, %shift_right_arithmetic3A_237 : vector<16xi32>
      %bitcast_convert_type3A_241 = tpu.bitcast %sub3A_240 : vector<16xi32> -> vector<16xf32>
      %mul3A_242 = arith.constant 5.000000e-01 : f32
      %mul3A_243 = vector.broadcast %mul3A_242 : f32 to vector<16xf32>
      %mul3A_244 = arith.mulf %mul3A_243, %add3A_233 : vector<16xf32>
      %mul3A_245 = arith.mulf %mul3A_244, %bitcast_convert_type3A_241 : vector<16xf32>
      %mul3A_246 = arith.mulf %mul3A_245, %bitcast_convert_type3A_241 : vector<16xf32>
      %sub3A_247 = arith.constant 1.500000e+00 : f32
      %sub3A_248 = vector.broadcast %sub3A_247 : f32 to vector<16xf32>
      %sub3A_249 = arith.subf %sub3A_248, %mul3A_246 : vector<16xf32>
      %mul3A_250 = arith.mulf %bitcast_convert_type3A_241, %sub3A_249 : vector<16xf32>
      %mul3A_251 = arith.constant 5.000000e-01 : f32
      %mul3A_252 = vector.broadcast %mul3A_251 : f32 to vector<16xf32>
      %mul3A_253 = arith.mulf %mul3A_252, %add3A_233 : vector<16xf32>
      %mul3A_254 = arith.mulf %mul3A_253, %mul3A_250 : vector<16xf32>
      %mul3A_255 = arith.mulf %mul3A_254, %mul3A_250 : vector<16xf32>
      %sub3A_256 = arith.constant 1.500000e+00 : f32
      %sub3A_257 = vector.broadcast %sub3A_256 : f32 to vector<16xf32>
      %sub3A_258 = arith.subf %sub3A_257, %mul3A_255 : vector<16xf32>
      %mul3A_259 = arith.mulf %mul3A_250, %sub3A_258 : vector<16xf32>
      %mul3A_260 = arith.mulf %add3A_233, %mul3A_259 : vector<16xf32>
      %gather3A_261 = tpu.vector_load_idx %arg13[%gather3A_198] : memref<64xf32, #tpu.memory_space<vmem>>[vector<16xi32>], vector<16xf32>,
      %gather3A_262 = tpu.vector_load_idx %arg14[%gather3A_198] : memref<64xf32, #tpu.memory_space<vmem>>[vector<16xi32>], vector<16xf32>,
      %sub3A_263 = arith.subf %mul3A_260, %gather3A_262 : vector<16xf32>
      %mul3A_264 = arith.constant 640 : i32
      %mul3A_265 = arith.muli %arg0, %mul3A_264 : i32
      %add3A_266 = vector.broadcast %mul3A_265 : i32 to vector<16xi32>
      %add3A_267 = arith.addi %add3A_266, %add3A_186 : vector<16xi32>
      %lt3A_268 = arith.constant 1250 : i32
      %lt3A_269 = vector.broadcast %lt3A_268 : i32 to vector<16xi32>
      %lt3A_270 = arith.cmpi slt, %add3A_267, %lt3A_269 : vector<16xi32>
      %mul3A_271 = arith.mulf %gather3A_261, %sub3A_263 : vector<16xf32>
      %mul3A_272 = arith.mulf %mul3A_271, %sub3A_263 : vector<16xf32>
      %select_n3A_273 = arith.select %lt3A_270, %mul3A_272, %broadcast_in_dim3A_32 : vector<16xi1>, vector<16xf32>
      %add3A_274 = arith.addf %add3A_180, %select_n3A_273 : vector<16xf32>
      scf.yield %add3A_274 : vector<16xf32>
    }
    %scan3A_79 = arith.constant 40 : i32
    %scan3A_80 = arith.constant 0 : i32
    %scan3A_81 = arith.constant 32 : i32
    %scan3A_82 = arith.addi %scan3A_80, %scan3A_81 : i32
    %scan3A_83 = arith.constant 2 : i32
    %scan3A_84 = scf.for %scan3A_93 = %scan3A_80 to %scan3A_82 step %scan3A_83 iter_args(%scan3A_94 = %scan3A_78) -> (vector<16xf32>)  : i32 {
      %mul3A_95 = arith.constant 16 : i32
      %mul3A_96 = arith.muli %scan3A_93, %mul3A_95 : i32
      %add3A_97 = vector.broadcast %mul3A_96 : i32 to vector<16xi32>
      %add3A_98 = arith.addi %add3A_97, %iota3A : vector<16xi32>
      %mul3A_99 = arith.constant 4 : i32
      %mul3A_100 = vector.broadcast %mul3A_99 : i32 to vector<16xi32>
      %mul3A_101 = arith.muli %add3A_98, %mul3A_100 : vector<16xi32>
      %gather3A = tpu.vector_load_idx %arg10[%mul3A_101] : memref<2048xi32, #tpu.memory_space<vmem>>[vector<16xi32>], vector<16xi32>,
      %add3A_102 = arith.constant 1 : i32
      %add3A_103 = vector.broadcast %add3A_102 : i32 to vector<16xi32>
      %add3A_104 = arith.addi %mul3A_101, %add3A_103 : vector<16xi32>
      %gather3A_105 = tpu.vector_load_idx %arg10[%add3A_104] : memref<2048xi32, #tpu.memory_space<vmem>>[vector<16xi32>], vector<16xi32>,
      %add3A_106 = arith.constant 2 : i32
      %add3A_107 = vector.broadcast %add3A_106 : i32 to vector<16xi32>
      %add3A_108 = arith.addi %mul3A_101, %add3A_107 : vector<16xi32>
      %gather3A_109 = tpu.vector_load_idx %arg10[%add3A_108] : memref<2048xi32, #tpu.memory_space<vmem>>[vector<16xi32>], vector<16xi32>,
      %add3A_110 = arith.constant 3 : i32
      %add3A_111 = vector.broadcast %add3A_110 : i32 to vector<16xi32>
      %add3A_112 = arith.addi %mul3A_101, %add3A_111 : vector<16xi32>
      %gather3A_113 = tpu.vector_load_idx %arg10[%add3A_112] : memref<2048xi32, #tpu.memory_space<vmem>>[vector<16xi32>], vector<16xi32>,
      %mul3A_114 = arith.constant 3 : i32
      %mul3A_115 = vector.broadcast %mul3A_114 : i32 to vector<16xi32>
      %mul3A_116 = arith.muli %gather3A, %mul3A_115 : vector<16xi32>
      %gather3A_117 = tpu.vector_load_idx %arg8[%mul3A_116] : memref<3600xf32, #tpu.memory_space<vmem>>[vector<16xi32>], vector<16xf32>,
      %add3A_118 = arith.constant 1 : i32
      %add3A_119 = vector.broadcast %add3A_118 : i32 to vector<16xi32>
      %add3A_120 = arith.addi %mul3A_116, %add3A_119 : vector<16xi32>
      %gather3A_121 = tpu.vector_load_idx %arg8[%add3A_120] : memref<3600xf32, #tpu.memory_space<vmem>>[vector<16xi32>], vector<16xf32>,
      %add3A_122 = arith.constant 2 : i32
      %add3A_123 = vector.broadcast %add3A_122 : i32 to vector<16xi32>
      %add3A_124 = arith.addi %mul3A_116, %add3A_123 : vector<16xi32>
      %gather3A_125 = tpu.vector_load_idx %arg8[%add3A_124] : memref<3600xf32, #tpu.memory_space<vmem>>[vector<16xi32>], vector<16xf32>,
      %mul3A_126 = arith.constant 3 : i32
      %mul3A_127 = vector.broadcast %mul3A_126 : i32 to vector<16xi32>
      %mul3A_128 = arith.muli %gather3A_105, %mul3A_127 : vector<16xi32>
      %gather3A_129 = tpu.vector_load_idx %arg8[%mul3A_128] : memref<3600xf32, #tpu.memory_space<vmem>>[vector<16xi32>], vector<16xf32>,
      %add3A_130 = arith.constant 1 : i32
      %add3A_131 = vector.broadcast %add3A_130 : i32 to vector<16xi32>
      %add3A_132 = arith.addi %mul3A_128, %add3A_131 : vector<16xi32>
      %gather3A_133 = tpu.vector_load_idx %arg8[%add3A_132] : memref<3600xf32, #tpu.memory_space<vmem>>[vector<16xi32>], vector<16xf32>,
      %add3A_134 = arith.constant 2 : i32
      %add3A_135 = vector.broadcast %add3A_134 : i32 to vector<16xi32>
      %add3A_136 = arith.addi %mul3A_128, %add3A_135 : vector<16xi32>
      %gather3A_137 = tpu.vector_load_idx %arg8[%add3A_136] : memref<3600xf32, #tpu.memory_space<vmem>>[vector<16xi32>], vector<16xf32>,
      %mul3A_138 = arith.constant 3 : i32
      %mul3A_139 = vector.broadcast %mul3A_138 : i32 to vector<16xi32>
      %mul3A_140 = arith.muli %gather3A_109, %mul3A_139 : vector<16xi32>
      %gather3A_141 = tpu.vector_load_idx %arg8[%mul3A_140] : memref<3600xf32, #tpu.memory_space<vmem>>[vector<16xi32>], vector<16xf32>,
      %add3A_142 = arith.constant 1 : i32
      %add3A_143 = vector.broadcast %add3A_142 : i32 to vector<16xi32>
      %add3A_144 = arith.addi %mul3A_140, %add3A_143 : vector<16xi32>
      %gather3A_145 = tpu.vector_load_idx %arg8[%add3A_144] : memref<3600xf32, #tpu.memory_space<vmem>>[vector<16xi32>], vector<16xf32>,
      %add3A_146 = arith.constant 2 : i32
      %add3A_147 = vector.broadcast %add3A_146 : i32 to vector<16xi32>
      %add3A_148 = arith.addi %mul3A_140, %add3A_147 : vector<16xi32>
      %gather3A_149 = tpu.vector_load_idx %arg8[%add3A_148] : memref<3600xf32, #tpu.memory_space<vmem>>[vector<16xi32>], vector<16xf32>,
      %sub3A = arith.subf %gather3A_117, %gather3A_129 : vector<16xf32>
      %sub3A_150 = arith.subf %gather3A_121, %gather3A_133 : vector<16xf32>
      %sub3A_151 = arith.subf %gather3A_125, %gather3A_137 : vector<16xf32>
      %sub3A_152 = arith.subf %gather3A_141, %gather3A_129 : vector<16xf32>
      %sub3A_153 = arith.subf %gather3A_145, %gather3A_133 : vector<16xf32>
      %sub3A_154 = arith.subf %gather3A_149, %gather3A_137 : vector<16xf32>
      %mul3A_155 = arith.mulf %sub3A, %sub3A : vector<16xf32>
      %mul3A_156 = arith.mulf %sub3A_150, %sub3A_150 : vector<16xf32>
      %add3A_157 = arith.addf %mul3A_155, %mul3A_156 : vector<16xf32>
      %mul3A_158 = arith.mulf %sub3A_151, %sub3A_151 : vector<16xf32>
      %add3A_159 = arith.addf %add3A_157, %mul3A_158 : vector<16xf32>
      %add3A_160 = arith.constant 9.99999996E-13 : f32
      %add3A_161 = vector.broadcast %add3A_160 : f32 to vector<16xf32>
      %add3A_162 = arith.addf %add3A_159, %add3A_161 : vector<16xf32>
      %mul3A_163 = arith.mulf %sub3A_152, %sub3A_152 : vector<16xf32>
      %mul3A_164 = arith.mulf %sub3A_153, %sub3A_153 : vector<16xf32>
      %add3A_165 = arith.addf %mul3A_163, %mul3A_164 : vector<16xf32>
      %mul3A_166 = arith.mulf %sub3A_154, %sub3A_154 : vector<16xf32>
      %add3A_167 = arith.addf %add3A_165, %mul3A_166 : vector<16xf32>
      %add3A_168 = arith.constant 9.99999996E-13 : f32
      %add3A_169 = vector.broadcast %add3A_168 : f32 to vector<16xf32>
      %add3A_170 = arith.addf %add3A_167, %add3A_169 : vector<16xf32>
      %mul3A_171 = arith.mulf %sub3A, %sub3A_152 : vector<16xf32>
      %mul3A_172 = arith.mulf %sub3A_150, %sub3A_153 : vector<16xf32>
      %add3A_173 = arith.addf %mul3A_171, %mul3A_172 : vector<16xf32>
      %mul3A_174 = arith.mulf %sub3A_151, %sub3A_154 : vector<16xf32>
      %add3A_175 = arith.addf %add3A_173, %mul3A_174 : vector<16xf32>
      %bitcast_convert_type3A = tpu.bitcast %add3A_162 : vector<16xf32> -> vector<16xi32>
      %shift_right_arithmetic3A = arith.constant 1 : i32
      %shift_right_arithmetic3A_176 = vector.broadcast %shift_right_arithmetic3A : i32 to vector<16xi32>
      %shift_right_arithmetic3A_177 = arith.shrsi %bitcast_convert_type3A, %shift_right_arithmetic3A_176 : vector<16xi32>
      %sub3A_178 = arith.constant 1597463007 : i32
      %sub3A_179 = vector.broadcast %sub3A_178 : i32 to vector<16xi32>
      %sub3A_180 = arith.subi %sub3A_179, %shift_right_arithmetic3A_177 : vector<16xi32>
      %bitcast_convert_type3A_181 = tpu.bitcast %sub3A_180 : vector<16xi32> -> vector<16xf32>
      %mul3A_182 = arith.constant 5.000000e-01 : f32
      %mul3A_183 = vector.broadcast %mul3A_182 : f32 to vector<16xf32>
      %mul3A_184 = arith.mulf %mul3A_183, %add3A_162 : vector<16xf32>
      %mul3A_185 = arith.mulf %mul3A_184, %bitcast_convert_type3A_181 : vector<16xf32>
      %mul3A_186 = arith.mulf %mul3A_185, %bitcast_convert_type3A_181 : vector<16xf32>
      %sub3A_187 = arith.constant 1.500000e+00 : f32
      %sub3A_188 = vector.broadcast %sub3A_187 : f32 to vector<16xf32>
      %sub3A_189 = arith.subf %sub3A_188, %mul3A_186 : vector<16xf32>
      %mul3A_190 = arith.mulf %bitcast_convert_type3A_181, %sub3A_189 : vector<16xf32>
      %mul3A_191 = arith.constant 5.000000e-01 : f32
      %mul3A_192 = vector.broadcast %mul3A_191 : f32 to vector<16xf32>
      %mul3A_193 = arith.mulf %mul3A_192, %add3A_162 : vector<16xf32>
      %mul3A_194 = arith.mulf %mul3A_193, %mul3A_190 : vector<16xf32>
      %mul3A_195 = arith.mulf %mul3A_194, %mul3A_190 : vector<16xf32>
      %sub3A_196 = arith.constant 1.500000e+00 : f32
      %sub3A_197 = vector.broadcast %sub3A_196 : f32 to vector<16xf32>
      %sub3A_198 = arith.subf %sub3A_197, %mul3A_195 : vector<16xf32>
      %mul3A_199 = arith.mulf %mul3A_190, %sub3A_198 : vector<16xf32>
      %mul3A_200 = arith.mulf %add3A_175, %mul3A_199 : vector<16xf32>
      %bitcast_convert_type3A_201 = tpu.bitcast %add3A_170 : vector<16xf32> -> vector<16xi32>
      %shift_right_arithmetic3A_202 = arith.constant 1 : i32
      %shift_right_arithmetic3A_203 = vector.broadcast %shift_right_arithmetic3A_202 : i32 to vector<16xi32>
      %shift_right_arithmetic3A_204 = arith.shrsi %bitcast_convert_type3A_201, %shift_right_arithmetic3A_203 : vector<16xi32>
      %sub3A_205 = arith.constant 1597463007 : i32
      %sub3A_206 = vector.broadcast %sub3A_205 : i32 to vector<16xi32>
      %sub3A_207 = arith.subi %sub3A_206, %shift_right_arithmetic3A_204 : vector<16xi32>
      %bitcast_convert_type3A_208 = tpu.bitcast %sub3A_207 : vector<16xi32> -> vector<16xf32>
      %mul3A_209 = arith.constant 5.000000e-01 : f32
      %mul3A_210 = vector.broadcast %mul3A_209 : f32 to vector<16xf32>
      %mul3A_211 = arith.mulf %mul3A_210, %add3A_170 : vector<16xf32>
      %mul3A_212 = arith.mulf %mul3A_211, %bitcast_convert_type3A_208 : vector<16xf32>
      %mul3A_213 = arith.mulf %mul3A_212, %bitcast_convert_type3A_208 : vector<16xf32>
      %sub3A_214 = arith.constant 1.500000e+00 : f32
      %sub3A_215 = vector.broadcast %sub3A_214 : f32 to vector<16xf32>
      %sub3A_216 = arith.subf %sub3A_215, %mul3A_213 : vector<16xf32>
      %mul3A_217 = arith.mulf %bitcast_convert_type3A_208, %sub3A_216 : vector<16xf32>
      %mul3A_218 = arith.constant 5.000000e-01 : f32
      %mul3A_219 = vector.broadcast %mul3A_218 : f32 to vector<16xf32>
      %mul3A_220 = arith.mulf %mul3A_219, %add3A_170 : vector<16xf32>
      %mul3A_221 = arith.mulf %mul3A_220, %mul3A_217 : vector<16xf32>
      %mul3A_222 = arith.mulf %mul3A_221, %mul3A_217 : vector<16xf32>
      %sub3A_223 = arith.constant 1.500000e+00 : f32
      %sub3A_224 = vector.broadcast %sub3A_223 : f32 to vector<16xf32>
      %sub3A_225 = arith.subf %sub3A_224, %mul3A_222 : vector<16xf32>
      %mul3A_226 = arith.mulf %mul3A_217, %sub3A_225 : vector<16xf32>
      %mul3A_227 = arith.mulf %mul3A_200, %mul3A_226 : vector<16xf32>
      %jit3A = arith.constant -0.999998986 : f32
      %jit3A_228 = arith.constant 0.999998986 : f32
      %max3A = vector.broadcast %jit3A : f32 to vector<16xf32>
      %max3A_229 = arith.maximumf %max3A, %mul3A_227 : vector<16xf32>
      %min3A = vector.broadcast %jit3A_228 : f32 to vector<16xf32>
      %min3A_230 = arith.minimumf %min3A, %max3A_229 : vector<16xf32>
      %sub3A_231 = arith.constant 1.000000e+00 : f32
      %sub3A_232 = vector.broadcast %sub3A_231 : f32 to vector<16xf32>
      %sub3A_233 = arith.subf %sub3A_232, %min3A_230 : vector<16xf32>
      %add3A_234 = arith.constant 1.000000e+00 : f32
      %add3A_235 = vector.broadcast %add3A_234 : f32 to vector<16xf32>
      %add3A_236 = arith.addf %add3A_235, %min3A_230 : vector<16xf32>
      %mul3A_237 = arith.mulf %sub3A_233, %add3A_236 : vector<16xf32>
      %bitcast_convert_type3A_238 = tpu.bitcast %mul3A_237 : vector<16xf32> -> vector<16xi32>
      %shift_right_arithmetic3A_239 = arith.constant 1 : i32
      %shift_right_arithmetic3A_240 = vector.broadcast %shift_right_arithmetic3A_239 : i32 to vector<16xi32>
      %shift_right_arithmetic3A_241 = arith.shrsi %bitcast_convert_type3A_238, %shift_right_arithmetic3A_240 : vector<16xi32>
      %sub3A_242 = arith.constant 1597463007 : i32
      %sub3A_243 = vector.broadcast %sub3A_242 : i32 to vector<16xi32>
      %sub3A_244 = arith.subi %sub3A_243, %shift_right_arithmetic3A_241 : vector<16xi32>
      %bitcast_convert_type3A_245 = tpu.bitcast %sub3A_244 : vector<16xi32> -> vector<16xf32>
      %mul3A_246 = arith.constant 5.000000e-01 : f32
      %mul3A_247 = vector.broadcast %mul3A_246 : f32 to vector<16xf32>
      %mul3A_248 = arith.mulf %mul3A_247, %mul3A_237 : vector<16xf32>
      %mul3A_249 = arith.mulf %mul3A_248, %bitcast_convert_type3A_245 : vector<16xf32>
      %mul3A_250 = arith.mulf %mul3A_249, %bitcast_convert_type3A_245 : vector<16xf32>
      %sub3A_251 = arith.constant 1.500000e+00 : f32
      %sub3A_252 = vector.broadcast %sub3A_251 : f32 to vector<16xf32>
      %sub3A_253 = arith.subf %sub3A_252, %mul3A_250 : vector<16xf32>
      %mul3A_254 = arith.mulf %bitcast_convert_type3A_245, %sub3A_253 : vector<16xf32>
      %mul3A_255 = arith.constant 5.000000e-01 : f32
      %mul3A_256 = vector.broadcast %mul3A_255 : f32 to vector<16xf32>
      %mul3A_257 = arith.mulf %mul3A_256, %mul3A_237 : vector<16xf32>
      %mul3A_258 = arith.mulf %mul3A_257, %mul3A_254 : vector<16xf32>
      %mul3A_259 = arith.mulf %mul3A_258, %mul3A_254 : vector<16xf32>
      %sub3A_260 = arith.constant 1.500000e+00 : f32
      %sub3A_261 = vector.broadcast %sub3A_260 : f32 to vector<16xf32>
      %sub3A_262 = arith.subf %sub3A_261, %mul3A_259 : vector<16xf32>
      %mul3A_263 = arith.mulf %mul3A_254, %sub3A_262 : vector<16xf32>
      %mul3A_264 = arith.mulf %mul3A_237, %mul3A_263 : vector<16xf32>
      %abs3A = math.absf %min3A_230 : vector<16xf32>
      %abs3A_265 = math.absf %mul3A_264 : vector<16xf32>
      %max3A_266 = arith.maximumf %abs3A, %abs3A_265 : vector<16xf32>
      %min3A_267 = arith.minimumf %abs3A, %abs3A_265 : vector<16xf32>
      %max3A_268 = arith.constant 9.99999991E-38 : f32
      %max3A_269 = vector.broadcast %max3A_268 : f32 to vector<16xf32>
      %max3A_270 = arith.maximumf %max3A_266, %max3A_269 : vector<16xf32>
      %div3A = arith.divf %min3A_267, %max3A_270 : vector<16xf32>
      %gt3A = arith.constant 0.414213568 : f32
      %gt3A_271 = vector.broadcast %gt3A : f32 to vector<16xf32>
      %gt3A_272 = arith.cmpf ogt, %div3A, %gt3A_271 : vector<16xf32>
      %sub3A_273 = arith.constant 1.000000e+00 : f32
      %sub3A_274 = vector.broadcast %sub3A_273 : f32 to vector<16xf32>
      %sub3A_275 = arith.subf %div3A, %sub3A_274 : vector<16xf32>
      %add3A_276 = arith.constant 1.000000e+00 : f32
      %add3A_277 = vector.broadcast %add3A_276 : f32 to vector<16xf32>
      %add3A_278 = arith.addf %div3A, %add3A_277 : vector<16xf32>
      %div3A_279 = arith.divf %sub3A_275, %add3A_278 : vector<16xf32>
      %select_n3A = arith.select %gt3A_272, %div3A_279, %div3A : vector<16xi1>, vector<16xf32>
      %mul3A_280 = arith.mulf %select_n3A, %select_n3A : vector<16xf32>
      %mul3A_281 = arith.constant 0.0805374458 : f32
      %mul3A_282 = vector.broadcast %mul3A_281 : f32 to vector<16xf32>
      %mul3A_283 = arith.mulf %mul3A_282, %mul3A_280 : vector<16xf32>
      %sub3A_284 = arith.constant 0.138776854 : f32
      %sub3A_285 = vector.broadcast %sub3A_284 : f32 to vector<16xf32>
      %sub3A_286 = arith.subf %mul3A_283, %sub3A_285 : vector<16xf32>
      %mul3A_287 = arith.mulf %sub3A_286, %mul3A_280 : vector<16xf32>
      %add3A_288 = arith.constant 0.199777111 : f32
      %add3A_289 = vector.broadcast %add3A_288 : f32 to vector<16xf32>
      %add3A_290 = arith.addf %mul3A_287, %add3A_289 : vector<16xf32>
      %mul3A_291 = arith.mulf %add3A_290, %mul3A_280 : vector<16xf32>
      %sub3A_292 = arith.constant 0.333329499 : f32
      %sub3A_293 = vector.broadcast %sub3A_292 : f32 to vector<16xf32>
      %sub3A_294 = arith.subf %mul3A_291, %sub3A_293 : vector<16xf32>
      %mul3A_295 = arith.mulf %sub3A_294, %mul3A_280 : vector<16xf32>
      %mul3A_296 = arith.mulf %mul3A_295, %select_n3A : vector<16xf32>
      %add3A_297 = arith.addf %mul3A_296, %select_n3A : vector<16xf32>
      %add3A_298 = arith.constant 0.785398185 : f32
      %add3A_299 = vector.broadcast %add3A_298 : f32 to vector<16xf32>
      %add3A_300 = arith.addf %add3A_297, %add3A_299 : vector<16xf32>
      %select_n3A_301 = arith.select %gt3A_272, %add3A_300, %add3A_297 : vector<16xi1>, vector<16xf32>
      %gt3A_302 = arith.cmpf ogt, %abs3A_265, %abs3A : vector<16xf32>
      %sub3A_303 = arith.constant 1.57079637 : f32
      %sub3A_304 = vector.broadcast %sub3A_303 : f32 to vector<16xf32>
      %sub3A_305 = arith.subf %sub3A_304, %select_n3A_301 : vector<16xf32>
      %select_n3A_306 = arith.select %gt3A_302, %sub3A_305, %select_n3A_301 : vector<16xi1>, vector<16xf32>
      %lt3A = arith.constant 0.000000e+00 : f32
      %lt3A_307 = vector.broadcast %lt3A : f32 to vector<16xf32>
      %lt3A_308 = arith.cmpf olt, %min3A_230, %lt3A_307 : vector<16xf32>
      %sub3A_309 = arith.constant 3.14159274 : f32
      %sub3A_310 = vector.broadcast %sub3A_309 : f32 to vector<16xf32>
      %sub3A_311 = arith.subf %sub3A_310, %select_n3A_306 : vector<16xf32>
      %select_n3A_312 = arith.select %lt3A_308, %sub3A_311, %select_n3A_306 : vector<16xi1>, vector<16xf32>
      %lt3A_313 = arith.constant 0.000000e+00 : f32
      %lt3A_314 = vector.broadcast %lt3A_313 : f32 to vector<16xf32>
      %lt3A_315 = arith.cmpf olt, %mul3A_264, %lt3A_314 : vector<16xf32>
      %neg3A = arith.constant 0.000000e+00 : f32
      %neg3A_316 = vector.broadcast %neg3A : f32 to vector<16xf32>
      %neg3A_317 = arith.subf %neg3A_316, %select_n3A_312 : vector<16xf32>
      %select_n3A_318 = arith.select %lt3A_315, %neg3A_317, %select_n3A_312 : vector<16xi1>, vector<16xf32>
      %gather3A_319 = tpu.vector_load_idx %arg15[%gather3A_113] : memref<112xf32, #tpu.memory_space<vmem>>[vector<16xi32>], vector<16xf32>,
      %gather3A_320 = tpu.vector_load_idx %arg16[%gather3A_113] : memref<112xf32, #tpu.memory_space<vmem>>[vector<16xi32>], vector<16xf32>,
      %sub3A_321 = arith.subf %select_n3A_318, %gather3A_320 : vector<16xf32>
      %mul3A_322 = arith.constant 512 : i32
      %mul3A_323 = arith.muli %arg0, %mul3A_322 : i32
      %add3A_324 = vector.broadcast %mul3A_323 : i32 to vector<16xi32>
      %add3A_325 = arith.addi %add3A_324, %add3A_98 : vector<16xi32>
      %lt3A_326 = arith.constant 1000 : i32
      %lt3A_327 = vector.broadcast %lt3A_326 : i32 to vector<16xi32>
      %lt3A_328 = arith.cmpi slt, %add3A_325, %lt3A_327 : vector<16xi32>
      %mul3A_329 = arith.mulf %gather3A_319, %sub3A_321 : vector<16xf32>
      %mul3A_330 = arith.mulf %mul3A_329, %sub3A_321 : vector<16xf32>
      %select_n3A_331 = arith.select %lt3A_328, %mul3A_330, %broadcast_in_dim3A_32 : vector<16xi1>, vector<16xf32>
      %add3A_332 = arith.addf %scan3A_94, %select_n3A_331 : vector<16xf32>
      %scan3A_333 = arith.constant 1 : i32
      %scan3A_334 = arith.addi %scan3A_93, %scan3A_333 : i32
      %mul3A_335 = arith.constant 16 : i32
      %mul3A_336 = arith.muli %scan3A_334, %mul3A_335 : i32
      %add3A_337 = vector.broadcast %mul3A_336 : i32 to vector<16xi32>
      %add3A_338 = arith.addi %add3A_337, %iota3A : vector<16xi32>
      %mul3A_339 = arith.constant 4 : i32
      %mul3A_340 = vector.broadcast %mul3A_339 : i32 to vector<16xi32>
      %mul3A_341 = arith.muli %add3A_338, %mul3A_340 : vector<16xi32>
      %gather3A_342 = tpu.vector_load_idx %arg10[%mul3A_341] : memref<2048xi32, #tpu.memory_space<vmem>>[vector<16xi32>], vector<16xi32>,
      %add3A_343 = arith.constant 1 : i32
      %add3A_344 = vector.broadcast %add3A_343 : i32 to vector<16xi32>
      %add3A_345 = arith.addi %mul3A_341, %add3A_344 : vector<16xi32>
      %gather3A_346 = tpu.vector_load_idx %arg10[%add3A_345] : memref<2048xi32, #tpu.memory_space<vmem>>[vector<16xi32>], vector<16xi32>,
      %add3A_347 = arith.constant 2 : i32
      %add3A_348 = vector.broadcast %add3A_347 : i32 to vector<16xi32>
      %add3A_349 = arith.addi %mul3A_341, %add3A_348 : vector<16xi32>
      %gather3A_350 = tpu.vector_load_idx %arg10[%add3A_349] : memref<2048xi32, #tpu.memory_space<vmem>>[vector<16xi32>], vector<16xi32>,
      %add3A_351 = arith.constant 3 : i32
      %add3A_352 = vector.broadcast %add3A_351 : i32 to vector<16xi32>
      %add3A_353 = arith.addi %mul3A_341, %add3A_352 : vector<16xi32>
      %gather3A_354 = tpu.vector_load_idx %arg10[%add3A_353] : memref<2048xi32, #tpu.memory_space<vmem>>[vector<16xi32>], vector<16xi32>,
      %mul3A_355 = arith.constant 3 : i32
      %mul3A_356 = vector.broadcast %mul3A_355 : i32 to vector<16xi32>
      %mul3A_357 = arith.muli %gather3A_342, %mul3A_356 : vector<16xi32>
      %gather3A_358 = tpu.vector_load_idx %arg8[%mul3A_357] : memref<3600xf32, #tpu.memory_space<vmem>>[vector<16xi32>], vector<16xf32>,
      %add3A_359 = arith.constant 1 : i32
      %add3A_360 = vector.broadcast %add3A_359 : i32 to vector<16xi32>
      %add3A_361 = arith.addi %mul3A_357, %add3A_360 : vector<16xi32>
      %gather3A_362 = tpu.vector_load_idx %arg8[%add3A_361] : memref<3600xf32, #tpu.memory_space<vmem>>[vector<16xi32>], vector<16xf32>,
      %add3A_363 = arith.constant 2 : i32
      %add3A_364 = vector.broadcast %add3A_363 : i32 to vector<16xi32>
      %add3A_365 = arith.addi %mul3A_357, %add3A_364 : vector<16xi32>
      %gather3A_366 = tpu.vector_load_idx %arg8[%add3A_365] : memref<3600xf32, #tpu.memory_space<vmem>>[vector<16xi32>], vector<16xf32>,
      %mul3A_367 = arith.constant 3 : i32
      %mul3A_368 = vector.broadcast %mul3A_367 : i32 to vector<16xi32>
      %mul3A_369 = arith.muli %gather3A_346, %mul3A_368 : vector<16xi32>
      %gather3A_370 = tpu.vector_load_idx %arg8[%mul3A_369] : memref<3600xf32, #tpu.memory_space<vmem>>[vector<16xi32>], vector<16xf32>,
      %add3A_371 = arith.constant 1 : i32
      %add3A_372 = vector.broadcast %add3A_371 : i32 to vector<16xi32>
      %add3A_373 = arith.addi %mul3A_369, %add3A_372 : vector<16xi32>
      %gather3A_374 = tpu.vector_load_idx %arg8[%add3A_373] : memref<3600xf32, #tpu.memory_space<vmem>>[vector<16xi32>], vector<16xf32>,
      %add3A_375 = arith.constant 2 : i32
      %add3A_376 = vector.broadcast %add3A_375 : i32 to vector<16xi32>
      %add3A_377 = arith.addi %mul3A_369, %add3A_376 : vector<16xi32>
      %gather3A_378 = tpu.vector_load_idx %arg8[%add3A_377] : memref<3600xf32, #tpu.memory_space<vmem>>[vector<16xi32>], vector<16xf32>,
      %mul3A_379 = arith.constant 3 : i32
      %mul3A_380 = vector.broadcast %mul3A_379 : i32 to vector<16xi32>
      %mul3A_381 = arith.muli %gather3A_350, %mul3A_380 : vector<16xi32>
      %gather3A_382 = tpu.vector_load_idx %arg8[%mul3A_381] : memref<3600xf32, #tpu.memory_space<vmem>>[vector<16xi32>], vector<16xf32>,
      %add3A_383 = arith.constant 1 : i32
      %add3A_384 = vector.broadcast %add3A_383 : i32 to vector<16xi32>
      %add3A_385 = arith.addi %mul3A_381, %add3A_384 : vector<16xi32>
      %gather3A_386 = tpu.vector_load_idx %arg8[%add3A_385] : memref<3600xf32, #tpu.memory_space<vmem>>[vector<16xi32>], vector<16xf32>,
      %add3A_387 = arith.constant 2 : i32
      %add3A_388 = vector.broadcast %add3A_387 : i32 to vector<16xi32>
      %add3A_389 = arith.addi %mul3A_381, %add3A_388 : vector<16xi32>
      %gather3A_390 = tpu.vector_load_idx %arg8[%add3A_389] : memref<3600xf32, #tpu.memory_space<vmem>>[vector<16xi32>], vector<16xf32>,
      %sub3A_391 = arith.subf %gather3A_358, %gather3A_370 : vector<16xf32>
      %sub3A_392 = arith.subf %gather3A_362, %gather3A_374 : vector<16xf32>
      %sub3A_393 = arith.subf %gather3A_366, %gather3A_378 : vector<16xf32>
      %sub3A_394 = arith.subf %gather3A_382, %gather3A_370 : vector<16xf32>
      %sub3A_395 = arith.subf %gather3A_386, %gather3A_374 : vector<16xf32>
      %sub3A_396 = arith.subf %gather3A_390, %gather3A_378 : vector<16xf32>
      %mul3A_397 = arith.mulf %sub3A_391, %sub3A_391 : vector<16xf32>
      %mul3A_398 = arith.mulf %sub3A_392, %sub3A_392 : vector<16xf32>
      %add3A_399 = arith.addf %mul3A_397, %mul3A_398 : vector<16xf32>
      %mul3A_400 = arith.mulf %sub3A_393, %sub3A_393 : vector<16xf32>
      %add3A_401 = arith.addf %add3A_399, %mul3A_400 : vector<16xf32>
      %add3A_402 = arith.constant 9.99999996E-13 : f32
      %add3A_403 = vector.broadcast %add3A_402 : f32 to vector<16xf32>
      %add3A_404 = arith.addf %add3A_401, %add3A_403 : vector<16xf32>
      %mul3A_405 = arith.mulf %sub3A_394, %sub3A_394 : vector<16xf32>
      %mul3A_406 = arith.mulf %sub3A_395, %sub3A_395 : vector<16xf32>
      %add3A_407 = arith.addf %mul3A_405, %mul3A_406 : vector<16xf32>
      %mul3A_408 = arith.mulf %sub3A_396, %sub3A_396 : vector<16xf32>
      %add3A_409 = arith.addf %add3A_407, %mul3A_408 : vector<16xf32>
      %add3A_410 = arith.constant 9.99999996E-13 : f32
      %add3A_411 = vector.broadcast %add3A_410 : f32 to vector<16xf32>
      %add3A_412 = arith.addf %add3A_409, %add3A_411 : vector<16xf32>
      %mul3A_413 = arith.mulf %sub3A_391, %sub3A_394 : vector<16xf32>
      %mul3A_414 = arith.mulf %sub3A_392, %sub3A_395 : vector<16xf32>
      %add3A_415 = arith.addf %mul3A_413, %mul3A_414 : vector<16xf32>
      %mul3A_416 = arith.mulf %sub3A_393, %sub3A_396 : vector<16xf32>
      %add3A_417 = arith.addf %add3A_415, %mul3A_416 : vector<16xf32>
      %bitcast_convert_type3A_418 = tpu.bitcast %add3A_404 : vector<16xf32> -> vector<16xi32>
      %shift_right_arithmetic3A_419 = arith.constant 1 : i32
      %shift_right_arithmetic3A_420 = vector.broadcast %shift_right_arithmetic3A_419 : i32 to vector<16xi32>
      %shift_right_arithmetic3A_421 = arith.shrsi %bitcast_convert_type3A_418, %shift_right_arithmetic3A_420 : vector<16xi32>
      %sub3A_422 = arith.constant 1597463007 : i32
      %sub3A_423 = vector.broadcast %sub3A_422 : i32 to vector<16xi32>
      %sub3A_424 = arith.subi %sub3A_423, %shift_right_arithmetic3A_421 : vector<16xi32>
      %bitcast_convert_type3A_425 = tpu.bitcast %sub3A_424 : vector<16xi32> -> vector<16xf32>
      %mul3A_426 = arith.constant 5.000000e-01 : f32
      %mul3A_427 = vector.broadcast %mul3A_426 : f32 to vector<16xf32>
      %mul3A_428 = arith.mulf %mul3A_427, %add3A_404 : vector<16xf32>
      %mul3A_429 = arith.mulf %mul3A_428, %bitcast_convert_type3A_425 : vector<16xf32>
      %mul3A_430 = arith.mulf %mul3A_429, %bitcast_convert_type3A_425 : vector<16xf32>
      %sub3A_431 = arith.constant 1.500000e+00 : f32
      %sub3A_432 = vector.broadcast %sub3A_431 : f32 to vector<16xf32>
      %sub3A_433 = arith.subf %sub3A_432, %mul3A_430 : vector<16xf32>
      %mul3A_434 = arith.mulf %bitcast_convert_type3A_425, %sub3A_433 : vector<16xf32>
      %mul3A_435 = arith.constant 5.000000e-01 : f32
      %mul3A_436 = vector.broadcast %mul3A_435 : f32 to vector<16xf32>
      %mul3A_437 = arith.mulf %mul3A_436, %add3A_404 : vector<16xf32>
      %mul3A_438 = arith.mulf %mul3A_437, %mul3A_434 : vector<16xf32>
      %mul3A_439 = arith.mulf %mul3A_438, %mul3A_434 : vector<16xf32>
      %sub3A_440 = arith.constant 1.500000e+00 : f32
      %sub3A_441 = vector.broadcast %sub3A_440 : f32 to vector<16xf32>
      %sub3A_442 = arith.subf %sub3A_441, %mul3A_439 : vector<16xf32>
      %mul3A_443 = arith.mulf %mul3A_434, %sub3A_442 : vector<16xf32>
      %mul3A_444 = arith.mulf %add3A_417, %mul3A_443 : vector<16xf32>
      %bitcast_convert_type3A_445 = tpu.bitcast %add3A_412 : vector<16xf32> -> vector<16xi32>
      %shift_right_arithmetic3A_446 = arith.constant 1 : i32
      %shift_right_arithmetic3A_447 = vector.broadcast %shift_right_arithmetic3A_446 : i32 to vector<16xi32>
      %shift_right_arithmetic3A_448 = arith.shrsi %bitcast_convert_type3A_445, %shift_right_arithmetic3A_447 : vector<16xi32>
      %sub3A_449 = arith.constant 1597463007 : i32
      %sub3A_450 = vector.broadcast %sub3A_449 : i32 to vector<16xi32>
      %sub3A_451 = arith.subi %sub3A_450, %shift_right_arithmetic3A_448 : vector<16xi32>
      %bitcast_convert_type3A_452 = tpu.bitcast %sub3A_451 : vector<16xi32> -> vector<16xf32>
      %mul3A_453 = arith.constant 5.000000e-01 : f32
      %mul3A_454 = vector.broadcast %mul3A_453 : f32 to vector<16xf32>
      %mul3A_455 = arith.mulf %mul3A_454, %add3A_412 : vector<16xf32>
      %mul3A_456 = arith.mulf %mul3A_455, %bitcast_convert_type3A_452 : vector<16xf32>
      %mul3A_457 = arith.mulf %mul3A_456, %bitcast_convert_type3A_452 : vector<16xf32>
      %sub3A_458 = arith.constant 1.500000e+00 : f32
      %sub3A_459 = vector.broadcast %sub3A_458 : f32 to vector<16xf32>
      %sub3A_460 = arith.subf %sub3A_459, %mul3A_457 : vector<16xf32>
      %mul3A_461 = arith.mulf %bitcast_convert_type3A_452, %sub3A_460 : vector<16xf32>
      %mul3A_462 = arith.constant 5.000000e-01 : f32
      %mul3A_463 = vector.broadcast %mul3A_462 : f32 to vector<16xf32>
      %mul3A_464 = arith.mulf %mul3A_463, %add3A_412 : vector<16xf32>
      %mul3A_465 = arith.mulf %mul3A_464, %mul3A_461 : vector<16xf32>
      %mul3A_466 = arith.mulf %mul3A_465, %mul3A_461 : vector<16xf32>
      %sub3A_467 = arith.constant 1.500000e+00 : f32
      %sub3A_468 = vector.broadcast %sub3A_467 : f32 to vector<16xf32>
      %sub3A_469 = arith.subf %sub3A_468, %mul3A_466 : vector<16xf32>
      %mul3A_470 = arith.mulf %mul3A_461, %sub3A_469 : vector<16xf32>
      %mul3A_471 = arith.mulf %mul3A_444, %mul3A_470 : vector<16xf32>
      %jit3A_472 = arith.constant -0.999998986 : f32
      %jit3A_473 = arith.constant 0.999998986 : f32
      %max3A_474 = vector.broadcast %jit3A_472 : f32 to vector<16xf32>
      %max3A_475 = arith.maximumf %max3A_474, %mul3A_471 : vector<16xf32>
      %min3A_476 = vector.broadcast %jit3A_473 : f32 to vector<16xf32>
      %min3A_477 = arith.minimumf %min3A_476, %max3A_475 : vector<16xf32>
      %sub3A_478 = arith.constant 1.000000e+00 : f32
      %sub3A_479 = vector.broadcast %sub3A_478 : f32 to vector<16xf32>
      %sub3A_480 = arith.subf %sub3A_479, %min3A_477 : vector<16xf32>
      %add3A_481 = arith.constant 1.000000e+00 : f32
      %add3A_482 = vector.broadcast %add3A_481 : f32 to vector<16xf32>
      %add3A_483 = arith.addf %add3A_482, %min3A_477 : vector<16xf32>
      %mul3A_484 = arith.mulf %sub3A_480, %add3A_483 : vector<16xf32>
      %bitcast_convert_type3A_485 = tpu.bitcast %mul3A_484 : vector<16xf32> -> vector<16xi32>
      %shift_right_arithmetic3A_486 = arith.constant 1 : i32
      %shift_right_arithmetic3A_487 = vector.broadcast %shift_right_arithmetic3A_486 : i32 to vector<16xi32>
      %shift_right_arithmetic3A_488 = arith.shrsi %bitcast_convert_type3A_485, %shift_right_arithmetic3A_487 : vector<16xi32>
      %sub3A_489 = arith.constant 1597463007 : i32
      %sub3A_490 = vector.broadcast %sub3A_489 : i32 to vector<16xi32>
      %sub3A_491 = arith.subi %sub3A_490, %shift_right_arithmetic3A_488 : vector<16xi32>
      %bitcast_convert_type3A_492 = tpu.bitcast %sub3A_491 : vector<16xi32> -> vector<16xf32>
      %mul3A_493 = arith.constant 5.000000e-01 : f32
      %mul3A_494 = vector.broadcast %mul3A_493 : f32 to vector<16xf32>
      %mul3A_495 = arith.mulf %mul3A_494, %mul3A_484 : vector<16xf32>
      %mul3A_496 = arith.mulf %mul3A_495, %bitcast_convert_type3A_492 : vector<16xf32>
      %mul3A_497 = arith.mulf %mul3A_496, %bitcast_convert_type3A_492 : vector<16xf32>
      %sub3A_498 = arith.constant 1.500000e+00 : f32
      %sub3A_499 = vector.broadcast %sub3A_498 : f32 to vector<16xf32>
      %sub3A_500 = arith.subf %sub3A_499, %mul3A_497 : vector<16xf32>
      %mul3A_501 = arith.mulf %bitcast_convert_type3A_492, %sub3A_500 : vector<16xf32>
      %mul3A_502 = arith.constant 5.000000e-01 : f32
      %mul3A_503 = vector.broadcast %mul3A_502 : f32 to vector<16xf32>
      %mul3A_504 = arith.mulf %mul3A_503, %mul3A_484 : vector<16xf32>
      %mul3A_505 = arith.mulf %mul3A_504, %mul3A_501 : vector<16xf32>
      %mul3A_506 = arith.mulf %mul3A_505, %mul3A_501 : vector<16xf32>
      %sub3A_507 = arith.constant 1.500000e+00 : f32
      %sub3A_508 = vector.broadcast %sub3A_507 : f32 to vector<16xf32>
      %sub3A_509 = arith.subf %sub3A_508, %mul3A_506 : vector<16xf32>
      %mul3A_510 = arith.mulf %mul3A_501, %sub3A_509 : vector<16xf32>
      %mul3A_511 = arith.mulf %mul3A_484, %mul3A_510 : vector<16xf32>
      %abs3A_512 = math.absf %min3A_477 : vector<16xf32>
      %abs3A_513 = math.absf %mul3A_511 : vector<16xf32>
      %max3A_514 = arith.maximumf %abs3A_512, %abs3A_513 : vector<16xf32>
      %min3A_515 = arith.minimumf %abs3A_512, %abs3A_513 : vector<16xf32>
      %max3A_516 = arith.constant 9.99999991E-38 : f32
      %max3A_517 = vector.broadcast %max3A_516 : f32 to vector<16xf32>
      %max3A_518 = arith.maximumf %max3A_514, %max3A_517 : vector<16xf32>
      %div3A_519 = arith.divf %min3A_515, %max3A_518 : vector<16xf32>
      %gt3A_520 = arith.constant 0.414213568 : f32
      %gt3A_521 = vector.broadcast %gt3A_520 : f32 to vector<16xf32>
      %gt3A_522 = arith.cmpf ogt, %div3A_519, %gt3A_521 : vector<16xf32>
      %sub3A_523 = arith.constant 1.000000e+00 : f32
      %sub3A_524 = vector.broadcast %sub3A_523 : f32 to vector<16xf32>
      %sub3A_525 = arith.subf %div3A_519, %sub3A_524 : vector<16xf32>
      %add3A_526 = arith.constant 1.000000e+00 : f32
      %add3A_527 = vector.broadcast %add3A_526 : f32 to vector<16xf32>
      %add3A_528 = arith.addf %div3A_519, %add3A_527 : vector<16xf32>
      %div3A_529 = arith.divf %sub3A_525, %add3A_528 : vector<16xf32>
      %select_n3A_530 = arith.select %gt3A_522, %div3A_529, %div3A_519 : vector<16xi1>, vector<16xf32>
      %mul3A_531 = arith.mulf %select_n3A_530, %select_n3A_530 : vector<16xf32>
      %mul3A_532 = arith.constant 0.0805374458 : f32
      %mul3A_533 = vector.broadcast %mul3A_532 : f32 to vector<16xf32>
      %mul3A_534 = arith.mulf %mul3A_533, %mul3A_531 : vector<16xf32>
      %sub3A_535 = arith.constant 0.138776854 : f32
      %sub3A_536 = vector.broadcast %sub3A_535 : f32 to vector<16xf32>
      %sub3A_537 = arith.subf %mul3A_534, %sub3A_536 : vector<16xf32>
      %mul3A_538 = arith.mulf %sub3A_537, %mul3A_531 : vector<16xf32>
      %add3A_539 = arith.constant 0.199777111 : f32
      %add3A_540 = vector.broadcast %add3A_539 : f32 to vector<16xf32>
      %add3A_541 = arith.addf %mul3A_538, %add3A_540 : vector<16xf32>
      %mul3A_542 = arith.mulf %add3A_541, %mul3A_531 : vector<16xf32>
      %sub3A_543 = arith.constant 0.333329499 : f32
      %sub3A_544 = vector.broadcast %sub3A_543 : f32 to vector<16xf32>
      %sub3A_545 = arith.subf %mul3A_542, %sub3A_544 : vector<16xf32>
      %mul3A_546 = arith.mulf %sub3A_545, %mul3A_531 : vector<16xf32>
      %mul3A_547 = arith.mulf %mul3A_546, %select_n3A_530 : vector<16xf32>
      %add3A_548 = arith.addf %mul3A_547, %select_n3A_530 : vector<16xf32>
      %add3A_549 = arith.constant 0.785398185 : f32
      %add3A_550 = vector.broadcast %add3A_549 : f32 to vector<16xf32>
      %add3A_551 = arith.addf %add3A_548, %add3A_550 : vector<16xf32>
      %select_n3A_552 = arith.select %gt3A_522, %add3A_551, %add3A_548 : vector<16xi1>, vector<16xf32>
      %gt3A_553 = arith.cmpf ogt, %abs3A_513, %abs3A_512 : vector<16xf32>
      %sub3A_554 = arith.constant 1.57079637 : f32
      %sub3A_555 = vector.broadcast %sub3A_554 : f32 to vector<16xf32>
      %sub3A_556 = arith.subf %sub3A_555, %select_n3A_552 : vector<16xf32>
      %select_n3A_557 = arith.select %gt3A_553, %sub3A_556, %select_n3A_552 : vector<16xi1>, vector<16xf32>
      %lt3A_558 = arith.constant 0.000000e+00 : f32
      %lt3A_559 = vector.broadcast %lt3A_558 : f32 to vector<16xf32>
      %lt3A_560 = arith.cmpf olt, %min3A_477, %lt3A_559 : vector<16xf32>
      %sub3A_561 = arith.constant 3.14159274 : f32
      %sub3A_562 = vector.broadcast %sub3A_561 : f32 to vector<16xf32>
      %sub3A_563 = arith.subf %sub3A_562, %select_n3A_557 : vector<16xf32>
      %select_n3A_564 = arith.select %lt3A_560, %sub3A_563, %select_n3A_557 : vector<16xi1>, vector<16xf32>
      %lt3A_565 = arith.constant 0.000000e+00 : f32
      %lt3A_566 = vector.broadcast %lt3A_565 : f32 to vector<16xf32>
      %lt3A_567 = arith.cmpf olt, %mul3A_511, %lt3A_566 : vector<16xf32>
      %neg3A_568 = arith.constant 0.000000e+00 : f32
      %neg3A_569 = vector.broadcast %neg3A_568 : f32 to vector<16xf32>
      %neg3A_570 = arith.subf %neg3A_569, %select_n3A_564 : vector<16xf32>
      %select_n3A_571 = arith.select %lt3A_567, %neg3A_570, %select_n3A_564 : vector<16xi1>, vector<16xf32>
      %gather3A_572 = tpu.vector_load_idx %arg15[%gather3A_354] : memref<112xf32, #tpu.memory_space<vmem>>[vector<16xi32>], vector<16xf32>,
      %gather3A_573 = tpu.vector_load_idx %arg16[%gather3A_354] : memref<112xf32, #tpu.memory_space<vmem>>[vector<16xi32>], vector<16xf32>,
      %sub3A_574 = arith.subf %select_n3A_571, %gather3A_573 : vector<16xf32>
      %mul3A_575 = arith.constant 512 : i32
      %mul3A_576 = arith.muli %arg0, %mul3A_575 : i32
      %add3A_577 = vector.broadcast %mul3A_576 : i32 to vector<16xi32>
      %add3A_578 = arith.addi %add3A_577, %add3A_338 : vector<16xi32>
      %lt3A_579 = arith.constant 1000 : i32
      %lt3A_580 = vector.broadcast %lt3A_579 : i32 to vector<16xi32>
      %lt3A_581 = arith.cmpi slt, %add3A_578, %lt3A_580 : vector<16xi32>
      %mul3A_582 = arith.mulf %gather3A_572, %sub3A_574 : vector<16xf32>
      %mul3A_583 = arith.mulf %mul3A_582, %sub3A_574 : vector<16xf32>
      %select_n3A_584 = arith.select %lt3A_581, %mul3A_583, %broadcast_in_dim3A_32 : vector<16xi1>, vector<16xf32>
      %add3A_585 = arith.addf %add3A_332, %select_n3A_584 : vector<16xf32>
      scf.yield %add3A_585 : vector<16xf32>
    }
    %scan3A_85 = arith.constant 32 : i32
    %scan3A_86 = arith.constant 0 : i32
    %scan3A_87 = arith.constant 25 : i32
    %scan3A_88 = arith.addi %scan3A_86, %scan3A_87 : i32
    %scan3A_89 = arith.constant 1 : i32
    %scan3A_90 = scf.for %scan3A_93 = %scan3A_86 to %scan3A_88 step %scan3A_89 iter_args(%scan3A_94 = %scan3A_84) -> (vector<16xf32>)  : i32 {
      %mul3A_95 = arith.constant 16 : i32
      %mul3A_96 = arith.muli %scan3A_93, %mul3A_95 : i32
      %add3A_97 = vector.broadcast %mul3A_96 : i32 to vector<16xi32>
      %add3A_98 = arith.addi %add3A_97, %iota3A : vector<16xi32>
      %mul3A_99 = arith.constant 5 : i32
      %mul3A_100 = vector.broadcast %mul3A_99 : i32 to vector<16xi32>
      %mul3A_101 = arith.muli %add3A_98, %mul3A_100 : vector<16xi32>
      %gather3A = tpu.vector_load_idx %arg11[%mul3A_101] : memref<2000xi32, #tpu.memory_space<vmem>>[vector<16xi32>], vector<16xi32>,
      %add3A_102 = arith.constant 1 : i32
      %add3A_103 = vector.broadcast %add3A_102 : i32 to vector<16xi32>
      %add3A_104 = arith.addi %mul3A_101, %add3A_103 : vector<16xi32>
      %gather3A_105 = tpu.vector_load_idx %arg11[%add3A_104] : memref<2000xi32, #tpu.memory_space<vmem>>[vector<16xi32>], vector<16xi32>,
      %add3A_106 = arith.constant 2 : i32
      %add3A_107 = vector.broadcast %add3A_106 : i32 to vector<16xi32>
      %add3A_108 = arith.addi %mul3A_101, %add3A_107 : vector<16xi32>
      %gather3A_109 = tpu.vector_load_idx %arg11[%add3A_108] : memref<2000xi32, #tpu.memory_space<vmem>>[vector<16xi32>], vector<16xi32>,
      %add3A_110 = arith.constant 3 : i32
      %add3A_111 = vector.broadcast %add3A_110 : i32 to vector<16xi32>
      %add3A_112 = arith.addi %mul3A_101, %add3A_111 : vector<16xi32>
      %gather3A_113 = tpu.vector_load_idx %arg11[%add3A_112] : memref<2000xi32, #tpu.memory_space<vmem>>[vector<16xi32>], vector<16xi32>,
      %add3A_114 = arith.constant 4 : i32
      %add3A_115 = vector.broadcast %add3A_114 : i32 to vector<16xi32>
      %add3A_116 = arith.addi %mul3A_101, %add3A_115 : vector<16xi32>
      %gather3A_117 = tpu.vector_load_idx %arg11[%add3A_116] : memref<2000xi32, #tpu.memory_space<vmem>>[vector<16xi32>], vector<16xi32>,
      %mul3A_118 = arith.constant 3 : i32
      %mul3A_119 = vector.broadcast %mul3A_118 : i32 to vector<16xi32>
      %mul3A_120 = arith.muli %gather3A, %mul3A_119 : vector<16xi32>
      %gather3A_121 = tpu.vector_load_idx %arg8[%mul3A_120] : memref<3600xf32, #tpu.memory_space<vmem>>[vector<16xi32>], vector<16xf32>,
      %add3A_122 = arith.constant 1 : i32
      %add3A_123 = vector.broadcast %add3A_122 : i32 to vector<16xi32>
      %add3A_124 = arith.addi %mul3A_120, %add3A_123 : vector<16xi32>
      %gather3A_125 = tpu.vector_load_idx %arg8[%add3A_124] : memref<3600xf32, #tpu.memory_space<vmem>>[vector<16xi32>], vector<16xf32>,
      %add3A_126 = arith.constant 2 : i32
      %add3A_127 = vector.broadcast %add3A_126 : i32 to vector<16xi32>
      %add3A_128 = arith.addi %mul3A_120, %add3A_127 : vector<16xi32>
      %gather3A_129 = tpu.vector_load_idx %arg8[%add3A_128] : memref<3600xf32, #tpu.memory_space<vmem>>[vector<16xi32>], vector<16xf32>,
      %mul3A_130 = arith.constant 3 : i32
      %mul3A_131 = vector.broadcast %mul3A_130 : i32 to vector<16xi32>
      %mul3A_132 = arith.muli %gather3A_105, %mul3A_131 : vector<16xi32>
      %gather3A_133 = tpu.vector_load_idx %arg8[%mul3A_132] : memref<3600xf32, #tpu.memory_space<vmem>>[vector<16xi32>], vector<16xf32>,
      %add3A_134 = arith.constant 1 : i32
      %add3A_135 = vector.broadcast %add3A_134 : i32 to vector<16xi32>
      %add3A_136 = arith.addi %mul3A_132, %add3A_135 : vector<16xi32>
      %gather3A_137 = tpu.vector_load_idx %arg8[%add3A_136] : memref<3600xf32, #tpu.memory_space<vmem>>[vector<16xi32>], vector<16xf32>,
      %add3A_138 = arith.constant 2 : i32
      %add3A_139 = vector.broadcast %add3A_138 : i32 to vector<16xi32>
      %add3A_140 = arith.addi %mul3A_132, %add3A_139 : vector<16xi32>
      %gather3A_141 = tpu.vector_load_idx %arg8[%add3A_140] : memref<3600xf32, #tpu.memory_space<vmem>>[vector<16xi32>], vector<16xf32>,
      %mul3A_142 = arith.constant 3 : i32
      %mul3A_143 = vector.broadcast %mul3A_142 : i32 to vector<16xi32>
      %mul3A_144 = arith.muli %gather3A_109, %mul3A_143 : vector<16xi32>
      %gather3A_145 = tpu.vector_load_idx %arg8[%mul3A_144] : memref<3600xf32, #tpu.memory_space<vmem>>[vector<16xi32>], vector<16xf32>,
      %add3A_146 = arith.constant 1 : i32
      %add3A_147 = vector.broadcast %add3A_146 : i32 to vector<16xi32>
      %add3A_148 = arith.addi %mul3A_144, %add3A_147 : vector<16xi32>
      %gather3A_149 = tpu.vector_load_idx %arg8[%add3A_148] : memref<3600xf32, #tpu.memory_space<vmem>>[vector<16xi32>], vector<16xf32>,
      %add3A_150 = arith.constant 2 : i32
      %add3A_151 = vector.broadcast %add3A_150 : i32 to vector<16xi32>
      %add3A_152 = arith.addi %mul3A_144, %add3A_151 : vector<16xi32>
      %gather3A_153 = tpu.vector_load_idx %arg8[%add3A_152] : memref<3600xf32, #tpu.memory_space<vmem>>[vector<16xi32>], vector<16xf32>,
      %mul3A_154 = arith.constant 3 : i32
      %mul3A_155 = vector.broadcast %mul3A_154 : i32 to vector<16xi32>
      %mul3A_156 = arith.muli %gather3A_113, %mul3A_155 : vector<16xi32>
      %gather3A_157 = tpu.vector_load_idx %arg8[%mul3A_156] : memref<3600xf32, #tpu.memory_space<vmem>>[vector<16xi32>], vector<16xf32>,
      %add3A_158 = arith.constant 1 : i32
      %add3A_159 = vector.broadcast %add3A_158 : i32 to vector<16xi32>
      %add3A_160 = arith.addi %mul3A_156, %add3A_159 : vector<16xi32>
      %gather3A_161 = tpu.vector_load_idx %arg8[%add3A_160] : memref<3600xf32, #tpu.memory_space<vmem>>[vector<16xi32>], vector<16xf32>,
      %add3A_162 = arith.constant 2 : i32
      %add3A_163 = vector.broadcast %add3A_162 : i32 to vector<16xi32>
      %add3A_164 = arith.addi %mul3A_156, %add3A_163 : vector<16xi32>
      %gather3A_165 = tpu.vector_load_idx %arg8[%add3A_164] : memref<3600xf32, #tpu.memory_space<vmem>>[vector<16xi32>], vector<16xf32>,
      %sub3A = arith.subf %gather3A_133, %gather3A_121 : vector<16xf32>
      %sub3A_166 = arith.subf %gather3A_137, %gather3A_125 : vector<16xf32>
      %sub3A_167 = arith.subf %gather3A_141, %gather3A_129 : vector<16xf32>
      %sub3A_168 = arith.subf %gather3A_145, %gather3A_133 : vector<16xf32>
      %sub3A_169 = arith.subf %gather3A_149, %gather3A_137 : vector<16xf32>
      %sub3A_170 = arith.subf %gather3A_153, %gather3A_141 : vector<16xf32>
      %sub3A_171 = arith.subf %gather3A_157, %gather3A_145 : vector<16xf32>
      %sub3A_172 = arith.subf %gather3A_161, %gather3A_149 : vector<16xf32>
      %sub3A_173 = arith.subf %gather3A_165, %gather3A_153 : vector<16xf32>
      %mul3A_174 = arith.mulf %sub3A_166, %sub3A_170 : vector<16xf32>
      %mul3A_175 = arith.mulf %sub3A_167, %sub3A_169 : vector<16xf32>
      %sub3A_176 = arith.subf %mul3A_174, %mul3A_175 : vector<16xf32>
      %mul3A_177 = arith.mulf %sub3A_167, %sub3A_168 : vector<16xf32>
      %mul3A_178 = arith.mulf %sub3A, %sub3A_170 : vector<16xf32>
      %sub3A_179 = arith.subf %mul3A_177, %mul3A_178 : vector<16xf32>
      %mul3A_180 = arith.mulf %sub3A, %sub3A_169 : vector<16xf32>
      %mul3A_181 = arith.mulf %sub3A_166, %sub3A_168 : vector<16xf32>
      %sub3A_182 = arith.subf %mul3A_180, %mul3A_181 : vector<16xf32>
      %mul3A_183 = arith.mulf %sub3A_169, %sub3A_173 : vector<16xf32>
      %mul3A_184 = arith.mulf %sub3A_170, %sub3A_172 : vector<16xf32>
      %sub3A_185 = arith.subf %mul3A_183, %mul3A_184 : vector<16xf32>
      %mul3A_186 = arith.mulf %sub3A_170, %sub3A_171 : vector<16xf32>
      %mul3A_187 = arith.mulf %sub3A_168, %sub3A_173 : vector<16xf32>
      %sub3A_188 = arith.subf %mul3A_186, %mul3A_187 : vector<16xf32>
      %mul3A_189 = arith.mulf %sub3A_168, %sub3A_172 : vector<16xf32>
      %mul3A_190 = arith.mulf %sub3A_169, %sub3A_171 : vector<16xf32>
      %sub3A_191 = arith.subf %mul3A_189, %mul3A_190 : vector<16xf32>
      %mul3A_192 = arith.mulf %sub3A_168, %sub3A_168 : vector<16xf32>
      %mul3A_193 = arith.mulf %sub3A_169, %sub3A_169 : vector<16xf32>
      %add3A_194 = arith.addf %mul3A_192, %mul3A_193 : vector<16xf32>
      %mul3A_195 = arith.mulf %sub3A_170, %sub3A_170 : vector<16xf32>
      %add3A_196 = arith.addf %add3A_194, %mul3A_195 : vector<16xf32>
      %add3A_197 = arith.constant 9.99999996E-13 : f32
      %add3A_198 = vector.broadcast %add3A_197 : f32 to vector<16xf32>
      %add3A_199 = arith.addf %add3A_196, %add3A_198 : vector<16xf32>
      %bitcast_convert_type3A = tpu.bitcast %add3A_199 : vector<16xf32> -> vector<16xi32>
      %shift_right_arithmetic3A = arith.constant 1 : i32
      %shift_right_arithmetic3A_200 = vector.broadcast %shift_right_arithmetic3A : i32 to vector<16xi32>
      %shift_right_arithmetic3A_201 = arith.shrsi %bitcast_convert_type3A, %shift_right_arithmetic3A_200 : vector<16xi32>
      %sub3A_202 = arith.constant 1597463007 : i32
      %sub3A_203 = vector.broadcast %sub3A_202 : i32 to vector<16xi32>
      %sub3A_204 = arith.subi %sub3A_203, %shift_right_arithmetic3A_201 : vector<16xi32>
      %bitcast_convert_type3A_205 = tpu.bitcast %sub3A_204 : vector<16xi32> -> vector<16xf32>
      %mul3A_206 = arith.constant 5.000000e-01 : f32
      %mul3A_207 = vector.broadcast %mul3A_206 : f32 to vector<16xf32>
      %mul3A_208 = arith.mulf %mul3A_207, %add3A_199 : vector<16xf32>
      %mul3A_209 = arith.mulf %mul3A_208, %bitcast_convert_type3A_205 : vector<16xf32>
      %mul3A_210 = arith.mulf %mul3A_209, %bitcast_convert_type3A_205 : vector<16xf32>
      %sub3A_211 = arith.constant 1.500000e+00 : f32
      %sub3A_212 = vector.broadcast %sub3A_211 : f32 to vector<16xf32>
      %sub3A_213 = arith.subf %sub3A_212, %mul3A_210 : vector<16xf32>
      %mul3A_214 = arith.mulf %bitcast_convert_type3A_205, %sub3A_213 : vector<16xf32>
      %mul3A_215 = arith.constant 5.000000e-01 : f32
      %mul3A_216 = vector.broadcast %mul3A_215 : f32 to vector<16xf32>
      %mul3A_217 = arith.mulf %mul3A_216, %add3A_199 : vector<16xf32>
      %mul3A_218 = arith.mulf %mul3A_217, %mul3A_214 : vector<16xf32>
      %mul3A_219 = arith.mulf %mul3A_218, %mul3A_214 : vector<16xf32>
      %sub3A_220 = arith.constant 1.500000e+00 : f32
      %sub3A_221 = vector.broadcast %sub3A_220 : f32 to vector<16xf32>
      %sub3A_222 = arith.subf %sub3A_221, %mul3A_219 : vector<16xf32>
      %mul3A_223 = arith.mulf %mul3A_214, %sub3A_222 : vector<16xf32>
      %mul3A_224 = arith.mulf %sub3A_168, %mul3A_223 : vector<16xf32>
      %mul3A_225 = arith.mulf %sub3A_169, %mul3A_223 : vector<16xf32>
      %mul3A_226 = arith.mulf %sub3A_170, %mul3A_223 : vector<16xf32>
      %mul3A_227 = arith.mulf %sub3A_179, %mul3A_226 : vector<16xf32>
      %mul3A_228 = arith.mulf %sub3A_182, %mul3A_225 : vector<16xf32>
      %sub3A_229 = arith.subf %mul3A_227, %mul3A_228 : vector<16xf32>
      %mul3A_230 = arith.mulf %sub3A_182, %mul3A_224 : vector<16xf32>
      %mul3A_231 = arith.mulf %sub3A_176, %mul3A_226 : vector<16xf32>
      %sub3A_232 = arith.subf %mul3A_230, %mul3A_231 : vector<16xf32>
      %mul3A_233 = arith.mulf %sub3A_176, %mul3A_225 : vector<16xf32>
      %mul3A_234 = arith.mulf %sub3A_179, %mul3A_224 : vector<16xf32>
      %sub3A_235 = arith.subf %mul3A_233, %mul3A_234 : vector<16xf32>
      %mul3A_236 = arith.mulf %sub3A_176, %sub3A_185 : vector<16xf32>
      %mul3A_237 = arith.mulf %sub3A_179, %sub3A_188 : vector<16xf32>
      %add3A_238 = arith.addf %mul3A_236, %mul3A_237 : vector<16xf32>
      %mul3A_239 = arith.mulf %sub3A_182, %sub3A_191 : vector<16xf32>
      %add3A_240 = arith.addf %add3A_238, %mul3A_239 : vector<16xf32>
      %mul3A_241 = arith.mulf %sub3A_229, %sub3A_185 : vector<16xf32>
      %mul3A_242 = arith.mulf %sub3A_232, %sub3A_188 : vector<16xf32>
      %add3A_243 = arith.addf %mul3A_241, %mul3A_242 : vector<16xf32>
      %mul3A_244 = arith.mulf %sub3A_235, %sub3A_191 : vector<16xf32>
      %add3A_245 = arith.addf %add3A_243, %mul3A_244 : vector<16xf32>
      %add3A_246 = arith.constant 9.99999996E-13 : f32
      %add3A_247 = vector.broadcast %add3A_246 : f32 to vector<16xf32>
      %add3A_248 = arith.addf %add3A_240, %add3A_247 : vector<16xf32>
      %abs3A = math.absf %add3A_248 : vector<16xf32>
      %abs3A_249 = math.absf %add3A_245 : vector<16xf32>
      %max3A = arith.maximumf %abs3A, %abs3A_249 : vector<16xf32>
      %min3A = arith.minimumf %abs3A, %abs3A_249 : vector<16xf32>
      %max3A_250 = arith.constant 9.99999991E-38 : f32
      %max3A_251 = vector.broadcast %max3A_250 : f32 to vector<16xf32>
      %max3A_252 = arith.maximumf %max3A, %max3A_251 : vector<16xf32>
      %div3A = arith.divf %min3A, %max3A_252 : vector<16xf32>
      %gt3A = arith.constant 0.414213568 : f32
      %gt3A_253 = vector.broadcast %gt3A : f32 to vector<16xf32>
      %gt3A_254 = arith.cmpf ogt, %div3A, %gt3A_253 : vector<16xf32>
      %sub3A_255 = arith.constant 1.000000e+00 : f32
      %sub3A_256 = vector.broadcast %sub3A_255 : f32 to vector<16xf32>
      %sub3A_257 = arith.subf %div3A, %sub3A_256 : vector<16xf32>
      %add3A_258 = arith.constant 1.000000e+00 : f32
      %add3A_259 = vector.broadcast %add3A_258 : f32 to vector<16xf32>
      %add3A_260 = arith.addf %div3A, %add3A_259 : vector<16xf32>
      %div3A_261 = arith.divf %sub3A_257, %add3A_260 : vector<16xf32>
      %select_n3A = arith.select %gt3A_254, %div3A_261, %div3A : vector<16xi1>, vector<16xf32>
      %mul3A_262 = arith.mulf %select_n3A, %select_n3A : vector<16xf32>
      %mul3A_263 = arith.constant 0.0805374458 : f32
      %mul3A_264 = vector.broadcast %mul3A_263 : f32 to vector<16xf32>
      %mul3A_265 = arith.mulf %mul3A_264, %mul3A_262 : vector<16xf32>
      %sub3A_266 = arith.constant 0.138776854 : f32
      %sub3A_267 = vector.broadcast %sub3A_266 : f32 to vector<16xf32>
      %sub3A_268 = arith.subf %mul3A_265, %sub3A_267 : vector<16xf32>
      %mul3A_269 = arith.mulf %sub3A_268, %mul3A_262 : vector<16xf32>
      %add3A_270 = arith.constant 0.199777111 : f32
      %add3A_271 = vector.broadcast %add3A_270 : f32 to vector<16xf32>
      %add3A_272 = arith.addf %mul3A_269, %add3A_271 : vector<16xf32>
      %mul3A_273 = arith.mulf %add3A_272, %mul3A_262 : vector<16xf32>
      %sub3A_274 = arith.constant 0.333329499 : f32
      %sub3A_275 = vector.broadcast %sub3A_274 : f32 to vector<16xf32>
      %sub3A_276 = arith.subf %mul3A_273, %sub3A_275 : vector<16xf32>
      %mul3A_277 = arith.mulf %sub3A_276, %mul3A_262 : vector<16xf32>
      %mul3A_278 = arith.mulf %mul3A_277, %select_n3A : vector<16xf32>
      %add3A_279 = arith.addf %mul3A_278, %select_n3A : vector<16xf32>
      %add3A_280 = arith.constant 0.785398185 : f32
      %add3A_281 = vector.broadcast %add3A_280 : f32 to vector<16xf32>
      %add3A_282 = arith.addf %add3A_279, %add3A_281 : vector<16xf32>
      %select_n3A_283 = arith.select %gt3A_254, %add3A_282, %add3A_279 : vector<16xi1>, vector<16xf32>
      %gt3A_284 = arith.cmpf ogt, %abs3A_249, %abs3A : vector<16xf32>
      %sub3A_285 = arith.constant 1.57079637 : f32
      %sub3A_286 = vector.broadcast %sub3A_285 : f32 to vector<16xf32>
      %sub3A_287 = arith.subf %sub3A_286, %select_n3A_283 : vector<16xf32>
      %select_n3A_288 = arith.select %gt3A_284, %sub3A_287, %select_n3A_283 : vector<16xi1>, vector<16xf32>
      %lt3A = arith.constant 0.000000e+00 : f32
      %lt3A_289 = vector.broadcast %lt3A : f32 to vector<16xf32>
      %lt3A_290 = arith.cmpf olt, %add3A_248, %lt3A_289 : vector<16xf32>
      %sub3A_291 = arith.constant 3.14159274 : f32
      %sub3A_292 = vector.broadcast %sub3A_291 : f32 to vector<16xf32>
      %sub3A_293 = arith.subf %sub3A_292, %select_n3A_288 : vector<16xf32>
      %select_n3A_294 = arith.select %lt3A_290, %sub3A_293, %select_n3A_288 : vector<16xi1>, vector<16xf32>
      %lt3A_295 = arith.constant 0.000000e+00 : f32
      %lt3A_296 = vector.broadcast %lt3A_295 : f32 to vector<16xf32>
      %lt3A_297 = arith.cmpf olt, %add3A_245, %lt3A_296 : vector<16xf32>
      %neg3A = arith.constant 0.000000e+00 : f32
      %neg3A_298 = vector.broadcast %neg3A : f32 to vector<16xf32>
      %neg3A_299 = arith.subf %neg3A_298, %select_n3A_294 : vector<16xf32>
      %select_n3A_300 = arith.select %lt3A_297, %neg3A_299, %select_n3A_294 : vector<16xi1>, vector<16xf32>
      %gather3A_301 = tpu.vector_load_idx %arg17[%gather3A_117] : memref<80xf32, #tpu.memory_space<vmem>>[vector<16xi32>], vector<16xf32>,
      %gather3A_302 = tpu.vector_load_idx %arg18[%gather3A_117] : memref<80xf32, #tpu.memory_space<vmem>>[vector<16xi32>], vector<16xf32>,
      %gather3A_303 = tpu.vector_load_idx %arg19[%gather3A_117] : memref<80xf32, #tpu.memory_space<vmem>>[vector<16xi32>], vector<16xf32>,
      %mul3A_304 = arith.mulf %gather3A_302, %select_n3A_300 : vector<16xf32>
      %sub3A_305 = arith.subf %mul3A_304, %gather3A_303 : vector<16xf32>
      %mul3A_306 = arith.constant 0.318309873 : f32
      %mul3A_307 = vector.broadcast %mul3A_306 : f32 to vector<16xf32>
      %mul3A_308 = arith.mulf %sub3A_305, %mul3A_307 : vector<16xf32>
      %ge3A = arith.constant 0.000000e+00 : f32
      %ge3A_309 = vector.broadcast %ge3A : f32 to vector<16xf32>
      %ge3A_310 = arith.cmpf oge, %mul3A_308, %ge3A_309 : vector<16xf32>
      %jit3A = arith.constant 5.000000e-01 : f32
      %jit3A_311 = arith.constant -5.000000e-01 : f32
      %broadcast_in_dim3A_312 = vector.broadcast %jit3A : f32 to vector<16xf32>
      %broadcast_in_dim3A_313 = vector.broadcast %jit3A_311 : f32 to vector<16xf32>
      %select_n3A_314 = arith.select %ge3A_310, %broadcast_in_dim3A_312, %broadcast_in_dim3A_313 : vector<16xi1>, vector<16xf32>
      %add3A_315 = arith.addf %mul3A_308, %select_n3A_314 : vector<16xf32>
      %convert_element_type3A = arith.fptosi %add3A_315 : vector<16xf32> to vector<16xi32>
      %convert_element_type3A_316 = arith.sitofp %convert_element_type3A : vector<16xi32> to vector<16xf32>
      %mul3A_317 = arith.constant 3.140625 : f32
      %mul3A_318 = vector.broadcast %mul3A_317 : f32 to vector<16xf32>
      %mul3A_319 = arith.mulf %convert_element_type3A_316, %mul3A_318 : vector<16xf32>
      %sub3A_320 = arith.subf %sub3A_305, %mul3A_319 : vector<16xf32>
      %mul3A_321 = arith.constant 9.67653584E-4 : f32
      %mul3A_322 = vector.broadcast %mul3A_321 : f32 to vector<16xf32>
      %mul3A_323 = arith.mulf %convert_element_type3A_316, %mul3A_322 : vector<16xf32>
      %sub3A_324 = arith.subf %sub3A_320, %mul3A_323 : vector<16xf32>
      %mul3A_325 = arith.mulf %sub3A_324, %sub3A_324 : vector<16xf32>
      %mul3A_326 = arith.constant -2.755732E-7 : f32
      %mul3A_327 = vector.broadcast %mul3A_326 : f32 to vector<16xf32>
      %mul3A_328 = arith.mulf %mul3A_325, %mul3A_327 : vector<16xf32>
      %add3A_329 = arith.constant 2.48015876E-5 : f32
      %add3A_330 = vector.broadcast %add3A_329 : f32 to vector<16xf32>
      %add3A_331 = arith.addf %add3A_330, %mul3A_328 : vector<16xf32>
      %mul3A_332 = arith.mulf %mul3A_325, %add3A_331 : vector<16xf32>
      %add3A_333 = arith.constant -0.00138888892 : f32
      %add3A_334 = vector.broadcast %add3A_333 : f32 to vector<16xf32>
      %add3A_335 = arith.addf %add3A_334, %mul3A_332 : vector<16xf32>
      %mul3A_336 = arith.mulf %mul3A_325, %add3A_335 : vector<16xf32>
      %add3A_337 = arith.constant 0.0416666679 : f32
      %add3A_338 = vector.broadcast %add3A_337 : f32 to vector<16xf32>
      %add3A_339 = arith.addf %add3A_338, %mul3A_336 : vector<16xf32>
      %mul3A_340 = arith.mulf %mul3A_325, %add3A_339 : vector<16xf32>
      %add3A_341 = arith.constant -5.000000e-01 : f32
      %add3A_342 = vector.broadcast %add3A_341 : f32 to vector<16xf32>
      %add3A_343 = arith.addf %add3A_342, %mul3A_340 : vector<16xf32>
      %mul3A_344 = arith.mulf %mul3A_325, %add3A_343 : vector<16xf32>
      %add3A_345 = arith.constant 1.000000e+00 : f32
      %add3A_346 = vector.broadcast %add3A_345 : f32 to vector<16xf32>
      %add3A_347 = arith.addf %add3A_346, %mul3A_344 : vector<16xf32>
      %and3A = arith.constant 1 : i32
      %and3A_348 = vector.broadcast %and3A : i32 to vector<16xi32>
      %and3A_349 = arith.andi %convert_element_type3A, %and3A_348 : vector<16xi32>
      %eq3A = arith.constant 1 : i32
      %eq3A_350 = vector.broadcast %eq3A : i32 to vector<16xi32>
      %eq3A_351 = arith.cmpi eq, %and3A_349, %eq3A_350 : vector<16xi32>
      %neg3A_352 = arith.constant 0.000000e+00 : f32
      %neg3A_353 = vector.broadcast %neg3A_352 : f32 to vector<16xf32>
      %neg3A_354 = arith.subf %neg3A_353, %add3A_347 : vector<16xf32>
      %select_n3A_355 = arith.select %eq3A_351, %neg3A_354, %add3A_347 : vector<16xi1>, vector<16xf32>
      %add3A_356 = arith.constant 1.000000e+00 : f32
      %add3A_357 = vector.broadcast %add3A_356 : f32 to vector<16xf32>
      %add3A_358 = arith.addf %add3A_357, %select_n3A_355 : vector<16xf32>
      %mul3A_359 = arith.mulf %gather3A_301, %add3A_358 : vector<16xf32>
      %add3A_360 = arith.addf %scan3A_94, %mul3A_359 : vector<16xf32>
      scf.yield %add3A_360 : vector<16xf32>
    }
    %scan3A_91 = arith.constant 25 : i32
    %swap3A = arith.constant 0 : index
    %swap3A_92 = tpu.vector_load %arg20[%swap3A] {strides = array<i32>} : memref<16xf32, #tpu.memory_space<vmem>>, vector<16xf32>,
    tpu.vector_store %arg20[%swap3A], %scan3A_90 {strides = array<i32>} : memref<16xf32, #tpu.memory_space<vmem>>, vector<16xf32>,
    "tpu.region"() ({
      %run_scoped3A = tpu.sem_alloc : memref<!tpu.dma_semaphore, #tpu.memory_space<semaphore_mem>>
      %dma_start3A_93 = arith.constant 0 : i32
      %dma_start3A_94 = tpu.memref_slice %arg7[%arg0, %arg1, %dma_start3A_93] : memref<2x16x16xf32, #tpu.memory_space<hbm>> -> memref<1x1x16xf32, #tpu.memory_space<hbm>>
      %dma_start3A_95 = tpu.memref_squeeze %dma_start3A_94 : memref<1x1x16xf32, #tpu.memory_space<hbm>> -> memref<16xf32, #tpu.memory_space<hbm>>
      %dma_start3A_96 = arith.constant 0 : i32
      %dma_start3A_97 = tpu.memref_slice %arg7[%arg0, %arg1, %dma_start3A_96] : memref<2x16x16xf32, #tpu.memory_space<hbm>> -> memref<1x1x16xf32, #tpu.memory_space<hbm>>
      %dma_start3A_98 = tpu.memref_squeeze %dma_start3A_97 : memref<1x1x16xf32, #tpu.memory_space<hbm>> -> memref<16xf32, #tpu.memory_space<hbm>>
      tpu.enqueue_dma source(%arg20 : memref<16xf32, #tpu.memory_space<vmem>>) target(%dma_start3A_98 : memref<16xf32, #tpu.memory_space<hbm>>) target_semaphore(%run_scoped3A : memref<!tpu.dma_semaphore, #tpu.memory_space<semaphore_mem>>)
      %dma_wait3A_99 = arith.constant 0 : i32
      %dma_wait3A_100 = tpu.memref_slice %arg7[%arg0, %arg1, %dma_wait3A_99] : memref<2x16x16xf32, #tpu.memory_space<hbm>> -> memref<1x1x16xf32, #tpu.memory_space<hbm>>
      %dma_wait3A_101 = tpu.memref_squeeze %dma_wait3A_100 : memref<1x1x16xf32, #tpu.memory_space<hbm>> -> memref<16xf32, #tpu.memory_space<hbm>>
      %dma_wait3A_102 = arith.constant 0 : i32
      %dma_wait3A_103 = tpu.memref_slice %arg7[%arg0, %arg1, %dma_wait3A_102] : memref<2x16x16xf32, #tpu.memory_space<hbm>> -> memref<1x1x16xf32, #tpu.memory_space<hbm>>
      %dma_wait3A_104 = tpu.memref_squeeze %dma_wait3A_103 : memref<1x1x16xf32, #tpu.memory_space<hbm>> -> memref<16xf32, #tpu.memory_space<hbm>>
      tpu.wait_dma2 semaphore(%run_scoped3A : memref<!tpu.dma_semaphore, #tpu.memory_space<semaphore_mem>>) src(%arg20 : memref<16xf32, #tpu.memory_space<vmem>>) dst(%dma_wait3A_104 : memref<16xf32, #tpu.memory_space<hbm>>)
      tpu.yield
    }) : () -> ()
    return
  }
}

</mosaic_0001>

<sc_bundles>
// kernel: kernel.3.cloned.1.call-start
scs
__scs_entry_jumppad:
0x0: {  	(pc) =	sbr.rel $0x88, $3  }
0x1: {  	(tag) =	ssettag $0x0;
	lr =	simm.s32 $0x1  }
0x2: {  	[smem:$0x3F9C] =	sst lr;
	_ =	strace $0xD0000000  }
0x3: {  	_ = 	snop  }
0x4: {  	_ = 	snop  }
0x5: {  	_ = 	snop  }
0x6: {  	_ = 	snop  }
0x7: {  	_ = 	snop  }
__scs_overlays_trampoline_lowered:
0x8: {  	[smem:$0x3FAB] =	sst s0  }
0x9: {  	[smem:$0x3FAC] =	sst s1  }
0xa: {  	[smem:$0x3FAD] =	sst s2  }
0xb: {  	[smem:$0x3FAE] =	sst s3  }
0xc: {  	[smem:$0x3FAF] =	sst s4  }
0xd: {  	[smem:$0x3FB0] =	sst s5  }
0xe: {  	[smem:$0x3FB1] =	sst s6  }
0xf: {  	[smem:$0x3FB2] =	sst s7  }
0x10: {  	[smem:$0x3FB3] =	sst s8  }
0x11: {  	[smem:$0x3FB4] =	sst s9;
	s0 =	simm.s32 @!p0 $0x0  }
0x12: {  	s1 =	sld [smem:$0x3F9A];
	s0 =	simm.s32 @p0 $0x1  }
0x13: {  	[smem:$0x3FB5] =	sst s0;
	s0 =	simm.s32 @!p1 $0x0  }
0x14: {  	s2 =	sld [smem:$0x3F99];
	s0 =	simm.s32 @p1 $0x1  }
0x15: {  	[smem:$0x3FB6] =	sst s0;
	s0 =	simm.s32 @!p2 $0x0  }
0x16: {  	s3 =	sld [smem:$0x3FDB];
	s0 =	simm.s32 @p2 $0x1  }
0x17: {  	s4 =	simm.s32 $0x1BF5;
	[smem:$0x3FB8] =	sst s0  }
0x18: {  	s0 =	sld [smem:$0x3F9B];
	_ =	swait.ge [sflag:s4], $0x0  }
0x19: {  	s7 =	sld [smem:$0x3F9C]  }
0x1a: {  	s8 =	sadd.s32 $0xFFFFE003, lr  }
0x1b: {  	s9 =	sadd.s32 $0xFFFFFEF7, lr;
	s5 =	simm.s32 $0xFFFFFFFF;
	p2 =	slt.u32 s8, $0xFFFFF086  }
0x1c: {  	p1 =	slt.u32 s9, $0xF7A;
	s5 =	simm.s32 @!p2 $0x0  }
0x1d: {  	s5 =	simm.s32 @p1 $0x1;
	p0 =	seq.s32 s7, s2  }
0x1e: {  	s7 =	smul.u32 @!p0 $0xF7A, s2;
	p2 =	seq.s32 @!p0 s5, $0x0  }
0x1f: {  	s9 =	smul.u32 $0xF7A, s1;
	s8 =	simm.s32 @!p0 $0x1BF5;
	p2 =	por !p2, p0  }
0x20: {  	[sflag:s8] =	ssyncset.s32 @!p0 $0xFFFFF086;
	s6 =	sadd.s32 @!p0 s3, s7;
	s7 =	simm.s32 @!p0 $0x108  }
0x21: {  	s3 =	sadd.s32 s3, s9;
	s6 =	sadd.s32 @!p0 $0x88, s6;
	s7 =	simm.s32 @p2 $0x1082  }
0x22: {  	[simem:s7], [sflag:s8] =	dma.local @!p0 [hbm:s6], $0xF7A  }
0x23: {  	s9 =	sor.u32 $0xD0000000, s2;
	s6 =	simm.s32 $0x108;
	_ =	swait.ge @!p0 [sflag:s8], $0x0  }
0x24: {  	s3 =	sadd.s32 $0x88, s3;
	s6 =	simm.s32 @!p1 $0x1082;
	[sflag:s4] =	ssyncset.s32 $0xFFFFF086  }
0x25: {  	[simem:s6], [sflag:s4] =	dma.local [hbm:s3], $0xF7A  }
0x26: {  	[smem:$0x3F9C] =	sst s1;
	(tag) =	ssettag s2;
	_ =	strace s9  }
0x27: {  	s1 =	sld [smem:$0x3FAC]  }
0x28: {  	s2 =	sld [smem:$0x3FAD]  }
0x29: {  	s4 =	sld [smem:$0x3FAF]  }
0x2a: {  	p0 =	seq.s32 s5, $0x0;
	s5 =	sld [smem:$0x3FB0]  }
0x2b: {  	s6 =	sld [smem:$0x3FB1]  }
0x2c: {  	s7 =	sld [smem:$0x3FB2]  }
0x2d: {  	s3 =	simm.s32 $0x108;
	s8 =	sld [smem:$0x3FB3]  }
0x2e: {  	s3 =	simm.s32 @!p0 $0x1082;
	s9 =	sld [smem:$0x3FB4]  }
0x2f: {  	lr =	sadd.s32 s0, s3;
	s0 =	sld [smem:$0x3FAB]  }
0x30: {  	s3 =	sld [smem:$0x3FAE]  }
0x31: {  	[smem:$0x3FB7] =	sst s10  }
0x32: {  	s10 =	sld [smem:$0x3FB5];
	_ =	sdelay $0x3  }
0x33: {  	p0 =	seq.s32 s10, $0x1;
	s10 =	sld [smem:$0x3FB7];
	_ =	sdelay $0x3  }
0x34: {  	[smem:$0x3FB7] =	sst s10  }
0x35: {  	s10 =	sld [smem:$0x3FB6];
	_ =	sdelay $0x3  }
0x36: {  	p1 =	seq.s32 s10, $0x1;
	s10 =	sld [smem:$0x3FB7];
	_ =	sdelay $0x3  }
0x37: {  	[smem:$0x3FB7] =	sst s10  }
0x38: {  	s10 =	sld [smem:$0x3FB8]  }
0x39: {  	_ = 	snop;
	(pc) =	sbr.ind lr, $3  }
0x3a: {  	_ = 	snop  }
0x3b: {  	_ = 	snop  }
0x3c: {  	p2 =	seq.s32 s10, $0x1;
	s10 =	sld [smem:$0x3FB7]  }
0x3d: {  	_ =	shalt  }
0x3e: {  	_ =	shalt  }
0x3f: {  	_ =	shalt  }
0x40: {  	_ =	shalt  }
0x41: {  	_ =	shalt  }
0x42: {  	_ =	shalt  }
0x43: {  	_ =	shalt  }
0x44: {  	_ =	shalt  }
0x45: {  	_ =	shalt  }
0x46: {  	_ =	shalt  }
0x47: {  	_ =	shalt  }
0x48: {  	_ =	shalt  }
0x49: {  	_ =	shalt  }
0x4a: {  	_ =	shalt  }
0x4b: {  	_ =	shalt  }
0x4c: {  	_ =	shalt  }
0x4d: {  	_ =	shalt  }
0x4e: {  	_ =	shalt  }
0x4f: {  	_ =	shalt  }
0x50: {  	_ =	shalt  }
0x51: {  	_ =	shalt  }
0x52: {  	_ =	shalt  }
0x53: {  	_ =	shalt  }
0x54: {  	_ =	shalt  }
0x55: {  	_ =	shalt  }
0x56: {  	_ =	shalt  }
0x57: {  	_ =	shalt  }
0x58: {  	_ =	shalt  }
0x59: {  	_ =	shalt  }
0x5a: {  	_ =	shalt  }
0x5b: {  	_ =	shalt  }
0x5c: {  	_ =	shalt  }
0x5d: {  	_ =	shalt  }
0x5e: {  	_ =	shalt  }
0x5f: {  	_ =	shalt  }
0x60: {  	_ =	shalt  }
0x61: {  	_ =	shalt  }
0x62: {  	_ =	shalt  }
0x63: {  	_ =	shalt  }
0x64: {  	_ =	shalt  }
0x65: {  	_ =	shalt  }
0x66: {  	_ =	shalt  }
0x67: {  	_ =	shalt  }
0x68: {  	_ =	shalt  }
0x69: {  	_ =	shalt  }
0x6a: {  	_ =	shalt  }
0x6b: {  	_ =	shalt  }
0x6c: {  	_ =	shalt  }
0x6d: {  	_ =	shalt  }
0x6e: {  	_ =	shalt  }
0x6f: {  	_ =	shalt  }
0x70: {  	_ =	shalt  }
0x71: {  	_ =	shalt  }
0x72: {  	_ =	shalt  }
0x73: {  	_ =	shalt  }
0x74: {  	_ =	shalt  }
0x75: {  	_ =	shalt  }
0x76: {  	_ =	shalt  }
0x77: {  	_ =	shalt  }
0x78: {  	_ =	shalt  }
0x79: {  	_ =	shalt  }
0x7a: {  	_ =	shalt  }
0x7b: {  	_ =	shalt  }
0x7c: {  	_ =	shalt  }
0x7d: {  	_ =	shalt  }
0x7e: {  	_ =	shalt  }
0x7f: {  	_ =	shalt  }
0x80: {  	_ =	shalt  }
0x81: {  	_ =	shalt  }
0x82: {  	_ =	shalt  }
0x83: {  	_ =	shalt  }
0x84: {  	_ =	shalt  }
0x85: {  	_ =	shalt  }
0x86: {  	_ =	shalt  }
0x87: {  	_ =	shalt  }
.Lfunc_end0:
.L_simem_size_0:
called_computation_lowered:
.L_overlay_start_0:
0x88: {  	s2 =	sld [smem:$0x3FD9]  }
0x89: {  	s3 =	sld [smem:$0x3FFE];
	_ =	sdelay $0x1  }
0x8a: {  	s1 =	srdreg.scid  }
0x8b: {  	s0 =	sand.u32 $0x1, s1  }
0x8c: {  	s16 =	sshll.u32 s0, $0xA;
	s2 =	sadd.s32 s3, s2  }
0x8d: {  	s2 =	sadd.s32 s2, s16  }
0x8e: {  	[smem:$0x3FC3] =	sst s2  }
0x8f: {  	_ = 	snop  }
0x90: {  	(tm) =	ssettm $0x1  }
0x91: {  	s17 =	sld [smem:$0x3FFB];
	_ =	sdelay $0x3  }
0x92: {  	_ =	strace s17  }
0x93: {  	s2 =	sld [smem:$0x3FFC];
	_ =	sdelay $0x3  }
0x94: {  	_ =	strace s2  }
0x95: {  	s2 =	sld [smem:$0x3FFD];
	_ =	sdelay $0x3  }
0x96: {  	_ =	strace s2  }
0x97: {  	_ =	strace $0x8FFFFFFF  }
0x98: {  	s18 =	sld [smem:$0x3FDB];
	_ =	sdelay $0x1  }
0x99: {  	s19 =	simm.s32 $_scs_section_size  }
0x9a: {  	s4 =	simm.s32 $_size__tile_overlayer_lowered;
	s5 =	simm.s32 $_tile_overlayer_lowered  }
0x9b: {  	s22 =	simm.s32 $0x1BFF;
	s21 =	sshll.u32 s5, $0x1;
	s2 =	sadd.s32 s19, s18  }
0x9c: {  	s6 =	simm.s32 $0x0;
	s20 =	sshll.u32 s4, $0x1;
	s4 =	sadd.s32 s21, s2  }
0x9d: {  	[timem:s6], [sflag:s22] =	dma.local [hbm:s4], s20  }
0x9e: {  	_ =	swait.ge [sflag:s22], s20  }
0x9f: {  	s3 =	ssub.s32 $0x0, s20;
	[sflag:s22] =	ssyncset.done $0x0  }
0xa0: {  	[sflag:s22] =	ssyncadd.s32 s3;
	_ =	sdelay $0x1  }
0xa1: {  	s23 =	simm.s32 $0x1B8B  }
0xa2: {  	_ =	swait.ge [sflag:s23], $0x1  }
0xa3: {  	[sflag:s23] =	ssyncset.done $0x0  }
0xa4: {  	s25 =	simm.s32 $0x1B8E;
	s24 =	sld [smem:$0x3FFE];
	[sflag:s23] =	ssyncadd.s32 $0xFFFFFFFF  }
0xa5: {  	s26 =	simm.s32 $execute0_lowered;
	[smem:$0x3FD2] =	sst s25  }
0xa6: {  	s4 =	sshll.u32 s26, $0x1;
	_ =	strace $0x80000046;
	[dreg:$0x1] =	wrdreg $0xFFFFFFFF  }
0xa7: {  	s28 =	simm.s32 $_size_execute0_lowered;
	s2 =	sadd.s32 s2, s4;
	[dreg:$0x0] =	wrdreg $0x0  }
0xa8: {  	s4 =	sshll.u32 s28, $0x1;
	[dreg:$0x2] =	wrdreg s2  }
0xa9: {  	[dreg:$0x3] =	wrdreg s4  }
0xaa: {  	[dreg:$0x4] =	wrdreg $0xC0  }
0xab: {  	_ =	task [dreg:s6], $0x5FFFF  }
0xac: {  	[dreg:$0x1] =	wrdreg $0xFFFFFFFF  }
0xad: {  	[dreg:$0x0] =	wrdreg $0x60  }
0xae: {  	[dreg:$0x2] =	wrdreg s24  }
0xaf: {  	[dreg:$0x3] =	wrdreg $0x9  }
0xb0: {  	_ =	task.clear_ibuf [dreg:s6], $0x4FFFF;
	_ =	strace $0x90000046  }
0xb1: {  	s29 =	simm.s32 $0x9;
	_ =	strace $0x80000048  }
0xb2: {  	_ =	swait.ge [sflag:s29], $0x1  }
0xb3: {  	[sflag:s29] =	ssyncadd.s32 $0xFFFFFFFF  }
0xb4: {  	_ =	strace $0x90000048  }
0xb5: {  	_ =	sfence  }
0xb6: {  	s30 =	sld [smem:$0x0];
	_ =	sdelay $0x2  }
0xb7: {  	s31 =	sshll.u32 s1, $0xD;
	s1 =	sshrl.u32 s1, $0x2  }
0xb8: {  	s3 =	sand.u32 $0x4000, s31;
	s1 =	sadd.s32 s1, s30  }
0xb9: {  	s0 =	sor.u32 s3, s0;
	s1 =	sshll.u32 s1, $0x11  }
0xba: {  	s0 =	sor.u32 s1, s0  }
0xbb: {  	s0 =	sadd.s32 $0x8F2B, s0  }
0xbc: {  	[sflag:s0] =	ssyncadd.remote.s32 $0x1  }
0xbd: {  	_ =	sfence.sel $0xFFFF  }
0xbe: {  	[dreg:$0x0] =	wrdreg $0xFFFFFFFF;
	(pc) =	sbr.abs _section_cstart, $3  }
0xbf: {  	[dreg:$0x1] =	wrdreg $0xFFFFFFFF  }
0xc0: {  	_ =	task.clear_ibuf [dreg:s6], $0x2FFFF;
	_ =	strace $0x9FFFFFFF  }
0xc1: {  	(tm) =	ssettm $0x7FFFFFFF  }
tec
execute0_lowered:
.L_overlay_start_1:
0x0: {  	(tag) =	ssettag $0x1  }
0x1: {  	v0 =	vlaneseq.u32  }
0x2: {  	v3 =	vmul.u32 $0x2, v0  }
0x3: {  	s2 =	simm.s32 $0x0  }
0x4: {  	[smem:$0x7FF] =	sst s2;
	v42 =	vadd.s32 $0x1F4, v3  }
0x5: {  	s1 =	rddreg [dreg:$0x0];
	_ =	strace $0x80000047;
	v43 =	vadd.s32 $0x214, v3;
	[tilespmem:$0x1FE40] =	vst v42  }
0x6: {  	v44 =	vadd.s32 $0x234, v3;
	[tilespmem:$0x1FE50] =	vst v43  }
0x7: {  	v45 =	vadd.s32 $0x254, v3;
	[tilespmem:$0x1FE60] =	vst v44  }
0x8: {  	v46 =	vadd.s32 $0x1F5, v3;
	[tilespmem:$0x1FE70] =	vst v45  }
0x9: {  	v47 =	vadd.s32 $0x215, v3;
	[tilespmem:$0x1FE80] =	vst v46  }
0xa: {  	v48 =	vadd.s32 $0x235, v3;
	[tilespmem:$0x1FE90] =	vst v47  }
0xb: {  	v49 =	vadd.s32 $0x255, v3;
	[tilespmem:$0x1FEA0] =	vst v48  }
0xc: {  	v50 =	vadd.s32 $0x258, v3;
	[tilespmem:$0x1FEB0] =	vst v49  }
0xd: {  	v51 =	vadd.s32 $0x278, v3;
	[tilespmem:$0x1FEC0] =	vst v50  }
0xe: {  	v52 =	vadd.s32 $0x298, v3;
	[tilespmem:$0x1FED0] =	vst v51  }
0xf: {  	s0 =	srdreg.scid;
	v53 =	vadd.s32 $0x2B8, v3;
	[tilespmem:$0x1FEE0] =	vst v52  }
0x10: {  	s10 =	stileid.u32;
	s11 =	simm.s32 $0x1600;
	s12 =	simm.s32 $0x1E00;
	v54 =	vadd.s32 $0x2D8, v3;
	[tilespmem:$0x1FEF0] =	vst v53  }
0x11: {  	s13 =	simm.s32 $0x2600;
	s14 =	simm.s32 $0x1;
	s15 =	simm.s32 $0x2A80;
	v55 =	vadd.s32 $0x2F8, v3;
	[tilespmem:$0x1FF00] =	vst v54  }
0x12: {  	s16 =	simm.s32 $0x2B00;
	s17 =	simm.s32 $0x2B80;
	s18 =	simm.s32 $0x2C00;
	v56 =	vadd.s32 $0x318, v3;
	[tilespmem:$0x1FF10] =	vst v55  }
0x13: {  	s31 =	simm.s32 $0x10;
	s30 =	simm.s32 $0x20;
	s4 =	smul.u32 $0xF00, s10;
	v57 =	vadd.s32 $0x259, v3;
	[tilespmem:$0x1FF20] =	vst v56  }
0x14: {  	s29 =	simm.s32 $0x30;
	s0 =	sand.u32 $0x1, s0;
	s6 =	smul.u32 $0x1D0, s10;
	v58 =	vadd.s32 $0x279, v3;
	[tilespmem:$0x1FF30] =	vst v57  }
0x15: {  	s21 =	sshll.u32 s10, $0xC;
	s25 =	sshll.u32 s10, $0x7;
	s3 =	smul.u32 $0xFFFFFD80, s0;
	v59 =	vadd.s32 $0x299, v3;
	[tilespmem:$0x1FF40] =	vst v58  }
0x16: {  	s10 =	simm.s32 $0xE80;
	s5 =	smul.u32 $0x780, s0;
	s19 =	sshll.u32 s0, $0x9;
	v61 =	vadd.s32 $0x2B9, v3;
	[tilespmem:$0x1FF50] =	vst v59  }
0x17: {  	s22 =	sshll.u32 s0, $0xB;
	s8 =	smul.u32 $0x7D0, s0;
	s0 =	ssub.s32 $0x2, s0;
	v62 =	vadd.s32 $0x2D9, v3;
	[tilespmem:$0x1FF60] =	vst v61  }
0x18: {  	v1 =	vmul.u32 $0xFFFFFFFF, v0;
	v60 =	vmul.u32 $0x3, v0;
	s7 =	sor.u32 s22, s21;
	s6 =	sadd.s32 s6, s1;
	s28 =	sshrl.u32 s0, $0x1;
	v63 =	vadd.s32 $0x2F9, v3;
	[tilespmem:$0x1FF70] =	vst v62  }
0x19: {  	v41 =	vimm.f32 $-5.000000000e-01;
	v4 =	vmov s19;
	v3 =	vadd.s32 $0x319, v3;
	s19 =	simm.s32 $0x2C80;
	s20 =	sadd.s32 s5, s4;
	s23 =	sshrl.u32 s7, $0x3;
	[tilespmem:$0x1FF80] =	vst v63  }
0x1a: {  	v40 =	vmul.u32 $0x4, v0;
	v5 =	vadd.s32 $0x3E8, v1;
	s24 =	sor.u32 s8, s21;
	s4 =	sor.u32 s25, s22;
	s0 =	ssub.s32 s0, s28;
	[tilespmem:$0x1FF90] =	vst v3;
	v3 =	vadd.s32 $0x320, v60  }
0x1b: {  	v31 =	vadd.s32 $0x351, v60;
	v2 =	vmov s3;
	s21 =	simm.s32 $0x2D80;
	s3 =	sshrl.u32 s20, $0x3;
	s7 =	sadd.s32 s23, s1;
	[tilespmem:$0x1FFA0] =	vst v3;
	v3 =	vadd.s32 $0x350, v60  }
0x1c: {  	v32 =	vadd.s32 $0x381, v60;
	v33 =	vadd.s32 $0x3B1, v60;
	s4 =	sshrl.u32 s4, $0x3;
	s20 =	simm.s32 $0x2D00;
	s23 =	simm.s32 $0x2;
	[tilespmem:$0x1FFB0] =	vst v3;
	v3 =	vor.u32 $0x380, v60  }
0x1d: {  	v34 =	vadd.s32 $0x3E1, v60;
	v35 =	vadd.s32 $0x322, v60;
	s9 =	sadd.s32 s3, s1;
	s3 =	sshrl.u32 s24, $0x3;
	s24 =	simm.s32 $0x0;
	[tilespmem:$0x1FFC0] =	vst v3;
	v3 =	vadd.s32 $0x3B0, v60  }
0x1e: {  	v36 =	vadd.s32 $0x352, v60;
	v2 =	vadd.s32 $0x4E2, v2;
	s26 =	sadd.s32 s3, s1;
	s3 =	sadd.s32 $0x8600, s1;
	s1 =	sadd.s32 s4, s1;
	[tilespmem:$0x1FFD0] =	vst v3;
	v3 =	vadd.s32 $0x3E0, v60  }
0x1f: {  	v37 =	vadd.s32 $0x382, v60;
	v1 =	vbroadcast v2, $0x0;
	s4 =	sadd.s32 $0x6800, s6;
	s5 =	sadd.s32 $0x4A00, s9;
	s6 =	sadd.s32 $0xA00, s7;
	[tilespmem:$0x1FFE0] =	vst v3;
	v3 =	vadd.s32 $0x321, v60  }
0x20: {  	v38 =	vadd.s32 $0x3B2, v60;
	v39 =	vadd.s32 $0x3E2, v60;
	v2 =	vsub.s32 v5, v4;
	s9 =	smax.u32 s0, $0x1;
	s7 =	sadd.s32 $0x2A00, s26;
	s8 =	sadd.s32 $0x8800, s1;
	[tilespmem:$0x1FFF0] =	vst v3  }
.LBB2_1:
0x21: {  	[tilespmem:s2], [sflag:$0x1] =	stream.linear.gather [hbm4b:s4+s2], $0xE10, $0x38;
	[tilespmem:$0x2E80] =	vst v63  }
0x22: {  	_ = 	snop  }
0x23: {  	[tilespmem:s10], [sflag:$0x1] =	stream.linear.gather [hbm4b:s5+s2], $0x780, $0x38;
	[tilespmem:$0x2E80] =	vst v63  }
0x24: {  	_ = 	snop  }
0x25: {  	[tilespmem:s11], [sflag:$0x1] =	stream.linear.gather [hbm4b:s6+s2], $0x800, $0x38;
	[tilespmem:$0x2E80] =	vst v63  }
0x26: {  	_ = 	snop  }
0x27: {  	[tilespmem:s12], [sflag:$0x1] =	stream.linear.gather [hbm4b:s7+s2], $0x7D0, $0x38;
	[tilespmem:$0x2E80] =	vst v63  }
0x28: {  	_ = 	snop  }
0x29: {  	[tilespmem:s13], [sflag:$0x1] =	stream.linear.gather [hbm4b:s3+s2], $0x480, $0x38;
	[tilespmem:$0x2E80] =	vst v63  }
0x2a: {  	_ =	swait.ge [sflag:s14], $0x480  }
0x2b: {  	[sflag:s14] =	ssyncset.done $0x0  }
0x2c: {  	[sflag:s14] =	ssyncadd.s32 $0xFFFFFB80  }
0x2d: {  	_ =	swait.ge [sflag:s14], $0xE10  }
0x2e: {  	[sflag:s14] =	ssyncset.done $0x0  }
0x2f: {  	[sflag:s14] =	ssyncadd.s32 $0xFFFFF1F0  }
0x30: {  	_ =	swait.ge [sflag:s14], $0x780  }
0x31: {  	[sflag:s14] =	ssyncset.done $0x0  }
0x32: {  	[sflag:s14] =	ssyncadd.s32 $0xFFFFF880  }
0x33: {  	_ =	swait.ge [sflag:s14], $0x800  }
0x34: {  	[sflag:s14] =	ssyncset.done $0x0  }
0x35: {  	[sflag:s14] =	ssyncadd.s32 $0xFFFFF800  }
0x36: {  	_ =	swait.ge [sflag:s14], $0x7D0  }
0x37: {  	v3 =	vld [tilespmem:$0x1FE40];
	_ =	sdelay $0x5  }
0x38: {  	[sflag:s14] =	ssyncset.done $0x0  }
0x39: {  	[sflag:s14] =	ssyncadd.s32 $0xFFFFF830  }
0x3a: {  	v3 =	vld.idx.msk [tilespmem:v3+s13+$0x0], $0xffff;
	_ =	sdelay $0x4  }
0x3b: {  	v3 =	vtrunc.f32 v3  }
0x3c: {  	v3 =	vcvt.f32.s32 v3;
	_ =	sdelay $0x5  }
0x3d: {  	v3 =	vld.idx.msk [tilespmem:v3+s13+$0x0], $0xffff;
	_ =	sdelay $0x4  }
0x3e: {  	[tilespmem:$0x2A80] =	vst v3;
	v3 =	vld [tilespmem:$0x1FE50];
	_ =	sdelay $0x7  }
0x3f: {  	v3 =	vld.idx.msk [tilespmem:v3+s13+$0x0], $0xffff;
	_ =	sdelay $0x4  }
0x40: {  	v3 =	vtrunc.f32 v3  }
0x41: {  	v3 =	vcvt.f32.s32 v3;
	_ =	sdelay $0x5  }
0x42: {  	v3 =	vld.idx.msk [tilespmem:v3+s13+$0x0], $0xffff;
	_ =	sdelay $0x4  }
0x43: {  	[tilespmem:$0x2A90] =	vst v3;
	v3 =	vld [tilespmem:$0x1FE60];
	_ =	sdelay $0x7  }
0x44: {  	v3 =	vld.idx.msk [tilespmem:v3+s13+$0x0], $0xffff;
	_ =	sdelay $0x4  }
0x45: {  	v3 =	vtrunc.f32 v3  }
0x46: {  	v3 =	vcvt.f32.s32 v3;
	_ =	sdelay $0x5  }
0x47: {  	v3 =	vld.idx.msk [tilespmem:v3+s13+$0x0], $0xffff;
	_ =	sdelay $0x4  }
0x48: {  	[tilespmem:$0x2AA0] =	vst v3;
	v3 =	vld [tilespmem:$0x1FE70];
	_ =	sdelay $0x7  }
0x49: {  	v3 =	vld.idx.msk [tilespmem:v3+s13+$0x0], $0xffff;
	_ =	sdelay $0x4  }
0x4a: {  	v3 =	vtrunc.f32 v3  }
0x4b: {  	v3 =	vcvt.f32.s32 v3;
	_ =	sdelay $0x5  }
0x4c: {  	v3 =	vld.idx.msk [tilespmem:v3+s13+$0x0], $0xffff;
	_ =	sdelay $0x4  }
0x4d: {  	[tilespmem:$0x2AB0] =	vst v3;
	v3 =	vld [tilespmem:$0x1FE80];
	_ =	sdelay $0x7  }
0x4e: {  	v3 =	vld.idx.msk [tilespmem:v3+s13+$0x0], $0xffff;
	_ =	sdelay $0x4  }
0x4f: {  	v3 =	vtrunc.f32 v3  }
0x50: {  	v3 =	vcvt.f32.s32 v3;
	_ =	sdelay $0x5  }
0x51: {  	v3 =	vld.idx.msk [tilespmem:v3+s13+$0x0], $0xffff;
	_ =	sdelay $0x4  }
0x52: {  	[tilespmem:$0x2B00] =	vst v3;
	v3 =	vld [tilespmem:$0x1FE90];
	_ =	sdelay $0x7  }
0x53: {  	v3 =	vld.idx.msk [tilespmem:v3+s13+$0x0], $0xffff;
	_ =	sdelay $0x4  }
0x54: {  	v3 =	vtrunc.f32 v3  }
0x55: {  	v3 =	vcvt.f32.s32 v3;
	_ =	sdelay $0x5  }
0x56: {  	v3 =	vld.idx.msk [tilespmem:v3+s13+$0x0], $0xffff;
	_ =	sdelay $0x4  }
0x57: {  	[tilespmem:$0x2B10] =	vst v3;
	v3 =	vld [tilespmem:$0x1FEA0];
	_ =	sdelay $0x7  }
0x58: {  	v3 =	vld.idx.msk [tilespmem:v3+s13+$0x0], $0xffff;
	_ =	sdelay $0x4  }
0x59: {  	v3 =	vtrunc.f32 v3  }
0x5a: {  	v3 =	vcvt.f32.s32 v3;
	_ =	sdelay $0x5  }
0x5b: {  	v3 =	vld.idx.msk [tilespmem:v3+s13+$0x0], $0xffff;
	_ =	sdelay $0x4  }
0x5c: {  	[tilespmem:$0x2B20] =	vst v3;
	v3 =	vld [tilespmem:$0x1FEB0];
	_ =	sdelay $0x7  }
0x5d: {  	v3 =	vld.idx.msk [tilespmem:v3+s13+$0x0], $0xffff;
	_ =	sdelay $0x4  }
0x5e: {  	v3 =	vtrunc.f32 v3  }
0x5f: {  	v3 =	vcvt.f32.s32 v3;
	_ =	sdelay $0x5  }
0x60: {  	v3 =	vld.idx.msk [tilespmem:v3+s13+$0x0], $0xffff;
	_ =	sdelay $0x4  }
0x61: {  	[tilespmem:$0x2B30] =	vst v3;
	v3 =	vld [tilespmem:$0x1FEC0];
	_ =	sdelay $0x7  }
0x62: {  	v3 =	vld.idx.msk [tilespmem:v3+s13+$0x0], $0xffff;
	_ =	sdelay $0x4  }
0x63: {  	v3 =	vtrunc.f32 v3  }
0x64: {  	v3 =	vcvt.f32.s32 v3;
	_ =	sdelay $0x5  }
0x65: {  	v3 =	vld.idx.msk [tilespmem:v3+s13+$0x0], $0xffff;
	_ =	sdelay $0x4  }
0x66: {  	[tilespmem:$0x2B80] =	vst v3;
	v3 =	vld [tilespmem:$0x1FED0];
	_ =	sdelay $0x7  }
0x67: {  	v3 =	vld.idx.msk [tilespmem:v3+s13+$0x0], $0xffff;
	_ =	sdelay $0x4  }
0x68: {  	v3 =	vtrunc.f32 v3  }
0x69: {  	v3 =	vcvt.f32.s32 v3;
	_ =	sdelay $0x5  }
0x6a: {  	v3 =	vld.idx.msk [tilespmem:v3+s13+$0x0], $0xffff;
	_ =	sdelay $0x4  }
0x6b: {  	[tilespmem:$0x2B90] =	vst v3;
	v3 =	vld [tilespmem:$0x1FEE0];
	_ =	sdelay $0x7  }
0x6c: {  	v3 =	vld.idx.msk [tilespmem:v3+s13+$0x0], $0xffff;
	_ =	sdelay $0x4  }
0x6d: {  	v3 =	vtrunc.f32 v3  }
0x6e: {  	v3 =	vcvt.f32.s32 v3;
	_ =	sdelay $0x5  }
0x6f: {  	v3 =	vld.idx.msk [tilespmem:v3+s13+$0x0], $0xffff;
	_ =	sdelay $0x4  }
0x70: {  	[tilespmem:$0x2BA0] =	vst v3;
	v3 =	vld [tilespmem:$0x1FEF0];
	_ =	sdelay $0x7  }
0x71: {  	v3 =	vld.idx.msk [tilespmem:v3+s13+$0x0], $0xffff;
	_ =	sdelay $0x4  }
0x72: {  	v3 =	vtrunc.f32 v3  }
0x73: {  	v3 =	vcvt.f32.s32 v3;
	_ =	sdelay $0x5  }
0x74: {  	v3 =	vld.idx.msk [tilespmem:v3+s13+$0x0], $0xffff;
	_ =	sdelay $0x4  }
0x75: {  	[tilespmem:$0x2BB0] =	vst v3;
	v3 =	vld [tilespmem:$0x1FF00];
	_ =	sdelay $0x7  }
0x76: {  	v3 =	vld.idx.msk [tilespmem:v3+s13+$0x0], $0xffff;
	_ =	sdelay $0x4  }
0x77: {  	v3 =	vtrunc.f32 v3  }
0x78: {  	v3 =	vcvt.f32.s32 v3;
	_ =	sdelay $0x5  }
0x79: {  	v3 =	vld.idx.msk [tilespmem:v3+s13+$0x0], $0xffff;
	_ =	sdelay $0x4  }
0x7a: {  	[tilespmem:$0x2BC0] =	vst v3;
	v3 =	vld [tilespmem:$0x1FF10];
	_ =	sdelay $0x7  }
0x7b: {  	v3 =	vld.idx.msk [tilespmem:v3+s13+$0x0], $0xffff;
	_ =	sdelay $0x4  }
0x7c: {  	v3 =	vtrunc.f32 v3  }
0x7d: {  	v3 =	vcvt.f32.s32 v3;
	_ =	sdelay $0x5  }
0x7e: {  	v3 =	vld.idx.msk [tilespmem:v3+s13+$0x0], $0xffff;
	_ =	sdelay $0x4  }
0x7f: {  	[tilespmem:$0x2BD0] =	vst v3;
	v3 =	vld [tilespmem:$0x1FF20];
	_ =	sdelay $0x7  }
0x80: {  	v3 =	vld.idx.msk [tilespmem:v3+s13+$0x0], $0xffff;
	_ =	sdelay $0x4  }
0x81: {  	v3 =	vtrunc.f32 v3  }
0x82: {  	v3 =	vcvt.f32.s32 v3;
	_ =	sdelay $0x5  }
0x83: {  	v3 =	vld.idx.msk [tilespmem:v3+s13+$0x0], $0xffff;
	_ =	sdelay $0x4  }
0x84: {  	[tilespmem:$0x2BE0] =	vst v3;
	v3 =	vld [tilespmem:$0x1FF30];
	_ =	sdelay $0x7  }
0x85: {  	v3 =	vld.idx.msk [tilespmem:v3+s13+$0x0], $0xffff;
	_ =	sdelay $0x4  }
0x86: {  	v3 =	vtrunc.f32 v3  }
0x87: {  	v3 =	vcvt.f32.s32 v3;
	_ =	sdelay $0x5  }
0x88: {  	v3 =	vld.idx.msk [tilespmem:v3+s13+$0x0], $0xffff;
	_ =	sdelay $0x4  }
0x89: {  	[tilespmem:$0x2C00] =	vst v3;
	v3 =	vld [tilespmem:$0x1FF40];
	_ =	sdelay $0x7  }
0x8a: {  	v3 =	vld.idx.msk [tilespmem:v3+s13+$0x0], $0xffff;
	_ =	sdelay $0x4  }
0x8b: {  	v3 =	vtrunc.f32 v3  }
0x8c: {  	v3 =	vcvt.f32.s32 v3;
	_ =	sdelay $0x5  }
0x8d: {  	v3 =	vld.idx.msk [tilespmem:v3+s13+$0x0], $0xffff;
	_ =	sdelay $0x4  }
0x8e: {  	[tilespmem:$0x2C10] =	vst v3;
	v3 =	vld [tilespmem:$0x1FF50];
	_ =	sdelay $0x7  }
0x8f: {  	v3 =	vld.idx.msk [tilespmem:v3+s13+$0x0], $0xffff;
	_ =	sdelay $0x4  }
0x90: {  	v3 =	vtrunc.f32 v3  }
0x91: {  	v3 =	vcvt.f32.s32 v3;
	_ =	sdelay $0x5  }
0x92: {  	v3 =	vld.idx.msk [tilespmem:v3+s13+$0x0], $0xffff;
	_ =	sdelay $0x4  }
0x93: {  	[tilespmem:$0x2C20] =	vst v3;
	v3 =	vld [tilespmem:$0x1FF60];
	_ =	sdelay $0x7  }
0x94: {  	v3 =	vld.idx.msk [tilespmem:v3+s13+$0x0], $0xffff;
	_ =	sdelay $0x4  }
0x95: {  	v3 =	vtrunc.f32 v3  }
0x96: {  	v3 =	vcvt.f32.s32 v3;
	_ =	sdelay $0x5  }
0x97: {  	v3 =	vld.idx.msk [tilespmem:v3+s13+$0x0], $0xffff;
	_ =	sdelay $0x4  }
0x98: {  	[tilespmem:$0x2C30] =	vst v3;
	v3 =	vld [tilespmem:$0x1FF70];
	_ =	sdelay $0x7  }
0x99: {  	v3 =	vld.idx.msk [tilespmem:v3+s13+$0x0], $0xffff;
	_ =	sdelay $0x4  }
0x9a: {  	v3 =	vtrunc.f32 v3  }
0x9b: {  	v3 =	vcvt.f32.s32 v3;
	_ =	sdelay $0x5  }
0x9c: {  	v3 =	vld.idx.msk [tilespmem:v3+s13+$0x0], $0xffff;
	_ =	sdelay $0x4  }
0x9d: {  	[tilespmem:$0x2C40] =	vst v3;
	v3 =	vld [tilespmem:$0x1FF80];
	_ =	sdelay $0x7  }
0x9e: {  	v3 =	vld.idx.msk [tilespmem:v3+s13+$0x0], $0xffff;
	_ =	sdelay $0x4  }
0x9f: {  	v3 =	vtrunc.f32 v3  }
0xa0: {  	v3 =	vcvt.f32.s32 v3;
	_ =	sdelay $0x5  }
0xa1: {  	v3 =	vld.idx.msk [tilespmem:v3+s13+$0x0], $0xffff;
	_ =	sdelay $0x4  }
0xa2: {  	[tilespmem:$0x2C50] =	vst v3;
	v3 =	vld [tilespmem:$0x1FF90];
	_ =	sdelay $0x7  }
0xa3: {  	v3 =	vld.idx.msk [tilespmem:v3+s13+$0x0], $0xffff;
	_ =	sdelay $0x4  }
0xa4: {  	v3 =	vtrunc.f32 v3  }
0xa5: {  	v3 =	vcvt.f32.s32 v3;
	_ =	sdelay $0x5  }
0xa6: {  	v3 =	vld.idx.msk [tilespmem:v3+s13+$0x0], $0xffff;
	_ =	sdelay $0x4  }
0xa7: {  	[tilespmem:$0x2C60] =	vst v3;
	v3 =	vld [tilespmem:$0x1FFA0];
	_ =	sdelay $0x7  }
0xa8: {  	v3 =	vld.idx.msk [tilespmem:v3+s13+$0x0], $0xffff;
	_ =	sdelay $0x4  }
0xa9: {  	v3 =	vtrunc.f32 v3  }
0xaa: {  	v3 =	vcvt.f32.s32 v3;
	_ =	sdelay $0x5  }
0xab: {  	v3 =	vld.idx.msk [tilespmem:v3+s13+$0x0], $0xffff;
	_ =	sdelay $0x4  }
0xac: {  	[tilespmem:$0x2C80] =	vst v3;
	v3 =	vld [tilespmem:$0x1FFB0];
	_ =	sdelay $0x7  }
0xad: {  	v3 =	vld.idx.msk [tilespmem:v3+s13+$0x0], $0xffff;
	_ =	sdelay $0x4  }
0xae: {  	v3 =	vtrunc.f32 v3  }
0xaf: {  	v3 =	vcvt.f32.s32 v3;
	_ =	sdelay $0x5  }
0xb0: {  	v3 =	vld.idx.msk [tilespmem:v3+s13+$0x0], $0xffff;
	_ =	sdelay $0x4  }
0xb1: {  	[tilespmem:$0x2C90] =	vst v3;
	v3 =	vld [tilespmem:$0x1FFC0];
	_ =	sdelay $0x7  }
0xb2: {  	v3 =	vld.idx.msk [tilespmem:v3+s13+$0x0], $0xffff;
	_ =	sdelay $0x4  }
0xb3: {  	v3 =	vtrunc.f32 v3  }
0xb4: {  	v3 =	vcvt.f32.s32 v3;
	_ =	sdelay $0x5  }
0xb5: {  	v3 =	vld.idx.msk [tilespmem:v3+s13+$0x0], $0xffff;
	_ =	sdelay $0x4  }
0xb6: {  	[tilespmem:$0x2CA0] =	vst v3;
	v3 =	vld [tilespmem:$0x1FFD0];
	_ =	sdelay $0x7  }
0xb7: {  	v3 =	vld.idx.msk [tilespmem:v3+s13+$0x0], $0xffff;
	_ =	sdelay $0x4  }
0xb8: {  	v3 =	vtrunc.f32 v3  }
0xb9: {  	v3 =	vcvt.f32.s32 v3;
	_ =	sdelay $0x5  }
0xba: {  	v3 =	vld.idx.msk [tilespmem:v3+s13+$0x0], $0xffff;
	_ =	sdelay $0x4  }
0xbb: {  	[tilespmem:$0x2CB0] =	vst v3;
	v3 =	vld [tilespmem:$0x1FFE0];
	_ =	sdelay $0x7  }
0xbc: {  	v3 =	vld.idx.msk [tilespmem:v3+s13+$0x0], $0xffff;
	_ =	sdelay $0x4  }
0xbd: {  	v3 =	vtrunc.f32 v3  }
0xbe: {  	v3 =	vcvt.f32.s32 v3;
	_ =	sdelay $0x5  }
0xbf: {  	v3 =	vld.idx.msk [tilespmem:v3+s13+$0x0], $0xffff;
	_ =	sdelay $0x4  }
0xc0: {  	[tilespmem:$0x2CC0] =	vst v3;
	v3 =	vld [tilespmem:$0x1FFF0];
	_ =	sdelay $0x7  }
0xc1: {  	v3 =	vld.idx.msk [tilespmem:v3+s13+$0x0], $0xffff;
	_ =	sdelay $0x4  }
0xc2: {  	v3 =	vtrunc.f32 v3  }
0xc3: {  	v3 =	vcvt.f32.s32 v3;
	_ =	sdelay $0x5  }
0xc4: {  	v3 =	vld.idx.msk [tilespmem:v3+s13+$0x0], $0xffff;
	_ =	sdelay $0x4  }
0xc5: {  	[tilespmem:$0x2D00] =	vst v3  }
0xc6: {  	v3 =	vld.idx.msk [tilespmem:v31+s13+$0x0], $0xffff;
	_ =	sdelay $0x4  }
0xc7: {  	v3 =	vtrunc.f32 v3  }
0xc8: {  	v3 =	vcvt.f32.s32 v3;
	_ =	sdelay $0x5  }
0xc9: {  	v3 =	vld.idx.msk [tilespmem:v3+s13+$0x0], $0xffff;
	_ =	sdelay $0x4  }
0xca: {  	[tilespmem:$0x2D10] =	vst v3  }
0xcb: {  	v3 =	vld.idx.msk [tilespmem:v32+s13+$0x0], $0xffff;
	_ =	sdelay $0x4  }
0xcc: {  	v3 =	vtrunc.f32 v3  }
0xcd: {  	v3 =	vcvt.f32.s32 v3;
	_ =	sdelay $0x5  }
0xce: {  	v3 =	vld.idx.msk [tilespmem:v3+s13+$0x0], $0xffff;
	_ =	sdelay $0x4  }
0xcf: {  	[tilespmem:$0x2D20] =	vst v3  }
0xd0: {  	v3 =	vld.idx.msk [tilespmem:v33+s13+$0x0], $0xffff;
	_ =	sdelay $0x4  }
0xd1: {  	v3 =	vtrunc.f32 v3  }
0xd2: {  	v3 =	vcvt.f32.s32 v3;
	_ =	sdelay $0x5  }
0xd3: {  	v3 =	vld.idx.msk [tilespmem:v3+s13+$0x0], $0xffff;
	_ =	sdelay $0x4  }
0xd4: {  	[tilespmem:$0x2D30] =	vst v3  }
0xd5: {  	v3 =	vld.idx.msk [tilespmem:v34+s13+$0x0], $0xffff;
	_ =	sdelay $0x4  }
0xd6: {  	v3 =	vtrunc.f32 v3  }
0xd7: {  	v3 =	vcvt.f32.s32 v3;
	_ =	sdelay $0x5  }
0xd8: {  	v3 =	vld.idx.msk [tilespmem:v3+s13+$0x0], $0xffff;
	_ =	sdelay $0x4  }
0xd9: {  	[tilespmem:$0x2D40] =	vst v3  }
0xda: {  	v3 =	vld.idx.msk [tilespmem:v35+s13+$0x0], $0xffff;
	_ =	sdelay $0x4  }
0xdb: {  	v3 =	vtrunc.f32 v3  }
0xdc: {  	v3 =	vcvt.f32.s32 v3;
	_ =	sdelay $0x5  }
0xdd: {  	v3 =	vld.idx.msk [tilespmem:v3+s13+$0x0], $0xffff;
	_ =	sdelay $0x4  }
0xde: {  	[tilespmem:$0x2D80] =	vst v3  }
0xdf: {  	v3 =	vld.idx.msk [tilespmem:v36+s13+$0x0], $0xffff;
	_ =	sdelay $0x4  }
0xe0: {  	v3 =	vtrunc.f32 v3  }
0xe1: {  	v3 =	vcvt.f32.s32 v3;
	_ =	sdelay $0x5  }
0xe2: {  	v3 =	vld.idx.msk [tilespmem:v3+s13+$0x0], $0xffff;
	_ =	sdelay $0x4  }
0xe3: {  	[tilespmem:$0x2D90] =	vst v3  }
0xe4: {  	v3 =	vld.idx.msk [tilespmem:v37+s13+$0x0], $0xffff;
	_ =	sdelay $0x4  }
0xe5: {  	v3 =	vtrunc.f32 v3  }
0xe6: {  	v3 =	vcvt.f32.s32 v3;
	_ =	sdelay $0x5  }
0xe7: {  	v3 =	vld.idx.msk [tilespmem:v3+s13+$0x0], $0xffff;
	_ =	sdelay $0x4  }
0xe8: {  	[tilespmem:$0x2DA0] =	vst v3  }
0xe9: {  	v3 =	vld.idx.msk [tilespmem:v38+s13+$0x0], $0xffff;
	_ =	sdelay $0x4  }
0xea: {  	v3 =	vtrunc.f32 v3  }
0xeb: {  	v3 =	vcvt.f32.s32 v3;
	_ =	sdelay $0x5  }
0xec: {  	v3 =	vld.idx.msk [tilespmem:v3+s13+$0x0], $0xffff;
	_ =	sdelay $0x4  }
0xed: {  	[tilespmem:$0x2DB0] =	vst v3  }
0xee: {  	v3 =	vld.idx.msk [tilespmem:v39+s13+$0x0], $0xffff;
	_ =	sdelay $0x4  }
0xef: {  	v3 =	vtrunc.f32 v3  }
0xf0: {  	v3 =	vcvt.f32.s32 v3;
	_ =	sdelay $0x3  }
0xf1: {  	s28 =	simm.s32 $0x0  }
0xf2: {  	v42 =	vor.u32 s28, v0  }
0xf3: {  	v4 =	vmul.u32 $0x3, v42;
	v3 =	vld.idx.msk [tilespmem:v3+s13+$0x0], $0xffff;
	_ =	sdelay $0x1  }
0xf4: {  	v45 =	vor.u32 s30, v0;
	v5 =	vadd.s32 $0x1, v4  }
0xf5: {  	v44 =	vor.u32 s29, v0;
	v13 =	vmul.u32 $0x3, v45  }
0xf6: {  	v17 =	vmul.u32 $0x3, v44  }
0xf7: {  	v43 =	vor.u32 s31, v0;
	v14 =	vadd.s32 $0x1, v13;
	[tilespmem:$0x2DC0] =	vst v3  }
0xf8: {  	v47 =	vadd.s32 $0x1, v17;
	v3 =	vmul.u32 $0x3, v43;
	v6 =	vld.idx.msk [tilespmem:v4+s10+$0x0], $0xffff  }
0xf9: {  	v5 =	vld.idx.msk [tilespmem:v5+s10+$0x0], $0xffff  }
0xfa: {  	v7 =	vadd.s32 $0x1, v3  }
0xfb: {  	v46 =	vld.idx.msk [tilespmem:v13+s10+$0x0], $0xffff  }
0xfc: {  	v14 =	vld.idx.msk [tilespmem:v14+s10+$0x0], $0xffff;
	v4 =	vadd.s32 $0x2, v4  }
0xfd: {  	v47 =	vld.idx.msk [tilespmem:v47+s10+$0x0], $0xffff;
	v8 =	vadd.s32 $0x2, v3;
	v6 =	vmul.u32 $0x3, v6  }
0xfe: {  	v5 =	vmul.u32 $0x3, v5;
	v3 =	vld.idx.msk [tilespmem:v3+s10+$0x0], $0xffff  }
0xff: {  	v7 =	vld.idx.msk [tilespmem:v7+s10+$0x0], $0xffff  }
0x100: {  	v61 =	vld.idx.msk [tilespmem:v17+s10+$0x0], $0xffff;
	v9 =	vadd.s32 $0x2, v6  }
0x101: {  	v54 =	vld.idx.msk [tilespmem:v4+s10+$0x0], $0xffff;
	v10 =	vadd.s32 $0x1, v6  }
0x102: {  	v8 =	vld.idx.msk [tilespmem:v8+s10+$0x0], $0xffff;
	v12 =	vadd.s32 $0x1, v5  }
0x103: {  	v11 =	vadd.s32 $0x2, v5;
	v3 =	vmul.u32 $0x3, v3;
	v6 =	vld.idx.msk [tilespmem:v6+s2+$0x0], $0xffff  }
0x104: {  	v7 =	vmul.u32 $0x3, v7;
	v5 =	vld.idx.msk [tilespmem:v5+s2+$0x0], $0xffff  }
0x105: {  	v9 =	vld.idx.msk [tilespmem:v9+s2+$0x0], $0xffff  }
0x106: {  	v10 =	vld.idx.msk [tilespmem:v10+s2+$0x0], $0xffff;
	v48 =	vadd.s32 $0x2, v3  }
0x107: {  	v12 =	vld.idx.msk [tilespmem:v12+s2+$0x0], $0xffff;
	v49 =	vadd.s32 $0x1, v3  }
0x108: {  	v11 =	vld.idx.msk [tilespmem:v11+s2+$0x0], $0xffff;
	v15 =	vadd.s32 $0x1, v7  }
0x109: {  	v46 =	vmul.u32 $0x3, v46;
	v14 =	vmul.u32 $0x3, v14;
	v16 =	vadd.s32 $0x2, v7;
	v3 =	vld.idx.msk [tilespmem:v3+s2+$0x0], $0xffff  }
0x10a: {  	v7 =	vld.idx.msk [tilespmem:v7+s2+$0x0], $0xffff  }
0x10b: {  	v51 =	vadd.s32 $0x2, v14;
	v48 =	vld.idx.msk [tilespmem:v48+s2+$0x0], $0xffff  }
0x10c: {  	v5 =	vsub.f32 v6, v5;
	v6 =	vsub.f32 v10, v12;
	v10 =	vld.idx.msk [tilespmem:v49+s2+$0x0], $0xffff  }
0x10d: {  	v50 =	vadd.s32 $0x2, v46;
	v15 =	vld.idx.msk [tilespmem:v15+s2+$0x0], $0xffff  }
0x10e: {  	s0 =	simm.s32 $0x40;
	v12 =	vadd.s32 $0x1, v46;
	v4 =	vsub.f32 v9, v11;
	v16 =	vld.idx.msk [tilespmem:v16+s2+$0x0], $0xffff  }
0x10f: {  	v53 =	vld.idx.msk [tilespmem:v46+s2+$0x0], $0xffff;
	v9 =	vadd.s32 $0x1, v14;
	v11 =	vmul.u32 $0x3, v47;
	v47 =	vor.u32 s0, v0  }
0x110: {  	v62 =	vld.idx.msk [tilespmem:v51+s2+$0x0], $0xffff;
	v5 =	vmul.f32 v5, v5;
	v21 =	vmul.u32 $0x3, v47;
	v6 =	vmul.f32 v6, v6  }
0x111: {  	v14 =	vld.idx.msk [tilespmem:v14+s2+$0x0], $0xffff;
	v4 =	vmul.f32 v4, v4  }
0x112: {  	v56 =	vadd.s32 $0x1, v21;
	v5 =	vadd.f32 v6, v5;
	v6 =	vld.idx.msk [tilespmem:v50+s2+$0x0], $0xffff;
	v3 =	vsub.f32 v3, v7  }
0x113: {  	v12 =	vld.idx.msk [tilespmem:v12+s2+$0x0], $0xffff;
	v7 =	vsub.f32 v48, v16;
	v10 =	vsub.f32 v10, v15;
	v15 =	vadd.s32 $0x1, v11  }
0x114: {  	s25 =	simm.s32 $0x50;
	v9 =	vld.idx.msk [tilespmem:v9+s2+$0x0], $0xffff;
	v4 =	vadd.f32 v4, v5;
	v5 =	vmul.u32 $0x3, v61;
	v16 =	vadd.s32 $0x2, v11  }
0x115: {  	v46 =	vor.u32 s25, v0;
	v11 =	vld.idx.msk [tilespmem:v11+s2+$0x0], $0xffff;
	v63 =	vmul.f32 v3, v3;
	v10 =	vmul.f32 v10, v10  }
0x116: {  	v17 =	vadd.s32 $0x2, v17;
	v22 =	vmul.u32 $0x3, v46;
	v24 =	vld.idx.msk [tilespmem:v21+s10+$0x0], $0xffff;
	v49 =	vadd.s32 $0x2, v5  }
0x117: {  	v7 =	vmul.f32 v7, v7;
	v3 =	vadd.f32 $9.999999960e-13, v4;
	v56 =	vld.idx.msk [tilespmem:v56+s10+$0x0], $0xffff;
	v4 =	vadd.f32 v10, v63  }
0x118: {  	v52 =	vimm.f32 $0.0e+00;
	v13 =	vadd.s32 $0x2, v13;
	v10 =	vadd.s32 $0x1, v5;
	v15 =	vld.idx.msk [tilespmem:v15+s2+$0x0], $0xffff  }
0x119: {  	v59 =	vadd.s32 $0x1, v22;
	v23 =	vadd.s32 $0x2, v22;
	v4 =	vadd.f32 v7, v4;
	v7 =	vld.idx.msk [tilespmem:v16+s2+$0x0], $0xffff  }
0x11a: {  	v14 =	vsub.f32 v53, v14;
	v20 =	vshra.s32 v3, $0x1;
	v55 =	vmul.f32 $5.000000000e-01, v3;
	v5 =	vld.idx.msk [tilespmem:v5+s2+$0x0], $0xffff  }
0x11b: {  	v9 =	vsub.f32 v12, v9;
	v16 =	vsub.s32 $0x5F3759DF, v20;
	v58 =	vld.idx.msk [tilespmem:v49+s2+$0x0], $0xffff;
	v4 =	vadd.f32 $9.999999960e-13, v4  }
0x11c: {  	v14 =	vmul.f32 v14, v14;
	v6 =	vsub.f32 v6, v62;
	v57 =	vmul.f32 v16, v55;
	v49 =	vld.idx.msk [tilespmem:v17+s10+$0x0], $0xffff  }
0x11d: {  	v9 =	vmul.f32 v9, v9;
	v10 =	vld.idx.msk [tilespmem:v10+s2+$0x0], $0xffff;
	v17 =	vmul.f32 $5.000000000e-01, v4;
	v60 =	vshra.s32 v4, $0x1  }
0x11e: {  	v53 =	vld.idx.msk [tilespmem:v13+s10+$0x0], $0xffff;
	v6 =	vmul.f32 v6, v6;
	v12 =	vmul.f32 v16, v57;
	v13 =	vsub.s32 $0x5F3759DF, v60  }
0x11f: {  	v9 =	vadd.f32 v9, v14;
	v5 =	vsub.f32 v5, v11;
	v11 =	vmul.f32 v13, v17  }
0x120: {  	v51 =	vld.idx.msk [tilespmem:v54+s15+$0x0], $0xffff;
	v18 =	vmul.u32 $0x3, v56;
	v12 =	vsub.f32 $1.500000000e+00, v12;
	v7 =	vsub.f32 v58, v7  }
0x121: {  	v14 =	vld.idx.msk [tilespmem:v59+s10+$0x0], $0xffff;
	v25 =	vmul.f32 v5, v5;
	v5 =	vadd.s32 $0x2, v21;
	v11 =	vmul.f32 v13, v11  }
0x122: {  	v48 =	vld.idx.msk [tilespmem:v23+s10+$0x0], $0xffff;
	v16 =	vmul.f32 v16, v12;
	v12 =	vmul.u32 $0x3, v24;
	v10 =	vsub.f32 v10, v15  }
0x123: {  	v62 =	vadd.s32 $0x1, v18;
	v6 =	vadd.f32 v6, v9;
	v15 =	vld.idx.msk [tilespmem:v22+s10+$0x0], $0xffff;
	v11 =	vsub.f32 $1.500000000e+00, v11  }
0x124: {  	v56 =	vld.idx.msk [tilespmem:v8+s16+$0x0], $0xffff;
	v26 =	vadd.s32 $0x2, v12;
	v9 =	vmul.f32 v10, v10;
	v10 =	vmul.f32 v7, v7  }
0x125: {  	v27 =	vadd.s32 $0x2, v18;
	v7 =	vld.idx.msk [tilespmem:v8+s15+$0x0], $0xffff;
	v8 =	vmul.f32 v16, v55;
	v11 =	vmul.f32 v13, v11  }
0x126: {  	v63 =	vmul.u32 $0x3, v14;
	v61 =	vadd.s32 $0x1, v12;
	v50 =	vld.idx.msk [tilespmem:v5+s10+$0x0], $0xffff;
	v5 =	vadd.f32 $9.999999960e-13, v6  }
0x127: {  	v14 =	vadd.f32 v9, v25;
	v6 =	vmul.f32 v8, v16;
	v9 =	vld.idx.msk [tilespmem:v54+s16+$0x0], $0xffff;
	v8 =	vmul.f32 v11, v17  }
0x128: {  	v13 =	vadd.s32 $0x1, v63;
	v58 =	vmul.u32 $0x3, v15;
	v59 =	vld.idx.msk [tilespmem:v12+s2+$0x0], $0xffff;
	v12 =	vadd.s32 $0x2, v63  }
0x129: {  	v15 =	vshra.s32 v5, $0x1;
	v60 =	vld.idx.msk [tilespmem:v26+s2+$0x0], $0xffff;
	v17 =	vsub.f32 $1.500000000e+00, v6;
	v19 =	vmul.f32 v8, v11  }
0x12a: {  	v6 =	vmul.f32 $5.000000000e-01, v5;
	v20 =	vadd.f32 v10, v14;
	v14 =	vld.idx.msk [tilespmem:v18+s2+$0x0], $0xffff;
	v57 =	vadd.s32 $0x1, v58  }
0x12b: {  	v54 =	vsub.s32 $0x5F3759DF, v15;
	v8 =	vld.idx.msk [tilespmem:v61+s2+$0x0], $0xffff;
	v16 =	vmul.f32 v17, v16;
	v17 =	vsub.f32 $1.500000000e+00, v19  }
0x12c: {  	s26 =	simm.s32 $0x2;
	s1 =	simm.s32 $0x4;
	s0 =	simm.s32 $0x70;
	v10 =	vadd.s32 $0x2, v58;
	v61 =	vld.idx.msk [tilespmem:v27+s2+$0x0], $0xffff;
	v15 =	vmul.f32 v54, v6;
	v55 =	vadd.f32 $9.999999960e-13, v20  }
.LBB2_2:
0x12d: {  	s22 =	sadd.s32 $0xFFFFFFF0, s0;
	s1 =	sadd.s32 $0x2, s1;
	v18 =	vld.idx.msk [tilespmem:v62+s2+$0x0], $0xffff;
	vm1 =	vlt.u32 v42, v1;
	v11 =	vmul.f32 v17, v11;
	vm0 =	vlt.u32 v43, v1  }
0x12e: {  	v15 =	vmul.f32 v54, v15;
	v42 =	vmovc v45;
	v17 =	vor.u32 s22, v0;
	p0 =	slt.u32 s1, $0x26;
	v19 =	vld.idx.msk [tilespmem:v63+s2+$0x0], $0xffff;
	v21 =	vmul.f32 v16, v3  }
0x12f: {  	v20 =	vor.u32 s0, v0;
	v45 =	vmovc v47;
	v16 =	vmul.u32 $0x3, v17;
	v13 =	vld.idx.msk [tilespmem:v13+s2+$0x0], $0xffff;
	v22 =	vmul.f32 v11, v4;
	v47 =	vmovc v17  }
0x130: {  	v43 =	vmovc v44;
	v44 =	vmovc v46;
	v11 =	vmul.u32 $0x3, v20;
	v17 =	vmul.f32 $5.000000000e-01, v55;
	v12 =	vld.idx.msk [tilespmem:v12+s2+$0x0], $0xffff;
	v9 =	vsub.f32 v21, v9  }
0x131: {  	v63 =	vshra.s32 v55, $0x1;
	v46 =	vmovc v20;
	v3 =	vmovc v5;
	v62 =	vadd.s32 $0x1, v16;
	v58 =	vld.idx.msk [tilespmem:v58+s2+$0x0], $0xffff;
	v56 =	vsub.f32 v22, v56  }
0x132: {  	v4 =	vmovc v55;
	v5 =	vadd.s32 $0x1, v11;
	v14 =	vsub.f32 v59, v14;
	v10 =	vld.idx.msk [tilespmem:v10+s2+$0x0], $0xffff;
	v20 =	vmul.f32 v9, v51  }
0x133: {  	v8 =	vsub.f32 v8, v18;
	v18 =	vsub.f32 v60, v61;
	v51 =	vld.idx.msk [tilespmem:v57+s2+$0x0], $0xffff;
	v7 =	vmul.f32 v56, v7  }
0x134: {  	v55 =	vadd.s32 $0x2, v11;
	v14 =	vmul.f32 v14, v14;
	v9 =	vmul.f32 v20, v9  }
0x135: {  	v15 =	vsub.f32 $1.500000000e+00, v15;
	v18 =	vmul.f32 v18, v18;
	v20 =	vld.idx.msk [tilespmem:v16+s10+$0x0], $0xffff;
	v7 =	vmul.f32 v7, v56  }
0x136: {  	v57 =	vsub.s32 $0x5F3759DF, v63;
	v8 =	vmul.f32 v8, v8;
	v56 =	vld.idx.msk [tilespmem:v62+s10+$0x0], $0xffff;
	v9 =	vnsel vm1, $0x0, v9  }
0x137: {  	v19 =	vsub.f32 v58, v19;
	v58 =	vmul.f32 v57, v17;
	v5 =	vld.idx.msk [tilespmem:v5+s10+$0x0], $0xffff;
	v9 =	vadd.f32 v9, v52  }
0x138: {  	v8 =	vadd.f32 v8, v14;
	v10 =	vsub.f32 v10, v12;
	v7 =	vnsel vm0, $0x0, v7;
	v59 =	vld.idx.msk [tilespmem:v11+s10+$0x0], $0xffff  }
0x139: {  	v11 =	vsub.f32 v51, v13;
	v13 =	vmul.f32 v19, v19;
	v12 =	vld.idx.msk [tilespmem:v55+s10+$0x0], $0xffff;
	v52 =	vadd.f32 v7, v9  }
0x13a: {  	v9 =	vadd.s32 $0x2, v16;
	v16 =	vmul.f32 v54, v15;
	v7 =	vmul.f32 v57, v58  }
0x13b: {  	v8 =	vadd.f32 v18, v8;
	v14 =	vmul.u32 $0x3, v20;
	v15 =	vmul.f32 v11, v11  }
0x13c: {  	v10 =	vmul.f32 v10, v10;
	v18 =	vmul.u32 $0x3, v56;
	v11 =	vsub.f32 $1.500000000e+00, v7;
	v7 =	vld.idx.msk [tilespmem:v49+s15+$0x0], $0xffff  }
0x13d: {  	v6 =	vmul.f32 v16, v6;
	v19 =	vadd.s32 $0x1, v14;
	v20 =	vadd.s32 $0x2, v14;
	v56 =	vld.idx.msk [tilespmem:v49+s16+$0x0], $0xffff;
	v49 =	vmovc v48  }
0x13e: {  	v62 =	vadd.s32 $0x1, v18;
	v55 =	vadd.s32 $0x2, v18;
	v11 =	vmul.f32 v57, v11;
	v51 =	vld.idx.msk [tilespmem:v53+s15+$0x0], $0xffff;
	v48 =	vmovc v12  }
0x13f: {  	v63 =	vmul.u32 $0x3, v5;
	v5 =	vadd.f32 $9.999999960e-13, v8;
	v58 =	vmul.u32 $0x3, v59;
	v21 =	vld.idx.msk [tilespmem:v9+s10+$0x0], $0xffff  }
0x140: {  	v15 =	vadd.f32 v15, v13;
	v61 =	vmul.f32 v6, v16;
	v8 =	vmul.f32 v11, v17;
	v9 =	vld.idx.msk [tilespmem:v53+s16+$0x0], $0xffff  }
.Ltmp0:
0x141: {  	v13 =	vadd.s32 $0x1, v63;
	v57 =	vadd.s32 $0x1, v58;
	v53 =	vmovc v50;
	v59 =	vld.idx.msk [tilespmem:v14+s2+$0x0], $0xffff;
	v14 =	vshra.s32 v5, $0x1;
	(pc) =	sbr.rel @p0 .LBB2_2-.Ltmp0, $4  }
0x142: {  	v12 =	vadd.s32 $0x2, v63;
	v6 =	vmul.f32 $5.000000000e-01, v5;
	v17 =	vmul.f32 v8, v11;
	v60 =	vld.idx.msk [tilespmem:v20+s2+$0x0], $0xffff  }
0x143: {  	v54 =	vsub.s32 $0x5F3759DF, v14;
	v20 =	vsub.f32 $1.500000000e+00, v61;
	v8 =	vld.idx.msk [tilespmem:v19+s2+$0x0], $0xffff;
	v19 =	vadd.f32 v10, v15  }
0x144: {  	v10 =	vadd.s32 $0x2, v58;
	v15 =	vmul.f32 v54, v6;
	v17 =	vsub.f32 $1.500000000e+00, v17;
	v61 =	vld.idx.msk [tilespmem:v55+s2+$0x0], $0xffff;
	v50 =	vmovc v21  }
0x145: {  	s0 =	sadd.s32 $0x20, s0;
	v16 =	vmul.f32 v20, v16;
	v14 =	vld.idx.msk [tilespmem:v18+s2+$0x0], $0xffff;
	v55 =	vadd.f32 $9.999999960e-13, v19  }
0x146: {  	_ =	sdelay $0x3  }
0x147: {  	v11 =	vmul.f32 v17, v11;
	v27 =	vld.idx.msk [tilespmem:v62+s2+$0x0], $0xffff  }
0x148: {  	vm1 =	vlt.u32 v42, v1;
	v12 =	vld.idx.msk [tilespmem:v12+s2+$0x0], $0xffff;
	v42 =	vmov s31;
	v3 =	vmul.f32 v16, v3  }
0x149: {  	vm0 =	vlt.u32 v43, v1;
	v10 =	vld.idx.msk [tilespmem:v10+s2+$0x0], $0xffff;
	v20 =	vshll.u32 v42, $0x2;
	v4 =	vmul.f32 v11, v4  }
0x14a: {  	v3 =	vsub.f32 v3, v9;
	v9 =	vmul.f32 v54, v15;
	v15 =	vmul.f32 $5.000000000e-01, v55  }
0x14b: {  	v19 =	vld.idx.msk [tilespmem:v58+s2+$0x0], $0xffff;
	v4 =	vsub.f32 v4, v56;
	v56 =	vshra.s32 v55, $0x1;
	v14 =	vsub.f32 v59, v14  }
0x14c: {  	v11 =	vld.idx.msk [tilespmem:v63+s2+$0x0], $0xffff;
	v59 =	vsub.f32 v60, v61;
	v18 =	vmul.f32 v3, v51;
	v8 =	vsub.f32 v8, v27  }
0x14d: {  	v13 =	vld.idx.msk [tilespmem:v13+s2+$0x0], $0xffff;
	v9 =	vsub.f32 $1.500000000e+00, v9;
	v51 =	vor.u32 v40, v20;
	v7 =	vmul.f32 v4, v7  }
0x14e: {  	v60 =	vld.idx.msk [tilespmem:v57+s2+$0x0], $0xffff;
	v10 =	vsub.f32 v10, v12;
	v14 =	vmul.f32 v14, v14;
	v62 =	vor.u32 $0x1, v51  }
0x14f: {  	v3 =	vmul.f32 v18, v3;
	v4 =	vmul.f32 v7, v4;
	v7 =	vsub.s32 $0x5F3759DF, v56  }
0x150: {  	v61 =	vor.u32 $0x2, v51;
	v8 =	vmul.f32 v8, v8;
	v16 =	vmul.f32 v7, v15  }
0x151: {  	v11 =	vsub.f32 v19, v11;
	v9 =	vmul.f32 v54, v9;
	v3 =	vnsel vm1, $0x0, v3  }
0x152: {  	v8 =	vadd.f32 v8, v14;
	v3 =	vadd.f32 v3, v52;
	v14 =	vmul.f32 v7, v16  }
0x153: {  	v12 =	vsub.f32 v60, v13;
	v6 =	vmul.f32 v9, v6;
	v4 =	vnsel vm0, $0x0, v4  }
0x154: {  	v17 =	vmul.f32 v59, v59;
	v16 =	vld.idx.msk [tilespmem:v62+s11+$0x0], $0xffff;
	v13 =	vadd.f32 v4, v3;
	v3 =	vsub.f32 $1.500000000e+00, v14  }
0x155: {  	v43 =	vmov s28;
	v11 =	vmul.f32 v11, v11;
	v6 =	vmul.f32 v6, v9;
	v4 =	vld.idx.msk [tilespmem:v51+s11+$0x0], $0xffff  }
0x156: {  	v8 =	vadd.f32 v17, v8;
	v7 =	vmul.f32 v7, v3;
	v3 =	vshll.u32 v43, $0x2  }
0x157: {  	v21 =	vld.idx.msk [tilespmem:v53+s15+$0x0], $0xffff;
	v12 =	vmul.f32 v12, v12;
	v6 =	vsub.f32 $1.500000000e+00, v6;
	v52 =	vor.u32 v40, v3  }
0x158: {  	v14 =	vld.idx.msk [tilespmem:v61+s11+$0x0], $0xffff;
	v3 =	vadd.f32 $9.999999960e-13, v8;
	v8 =	vmul.f32 v7, v15;
	v15 =	vor.u32 $0x1, v52  }
0x159: {  	v18 =	vld.idx.msk [tilespmem:v49+s16+$0x0], $0xffff;
	v6 =	vmul.f32 v6, v9;
	v16 =	vmul.u32 $0x3, v16;
	v63 =	vor.u32 $0x2, v52  }
0x15a: {  	v10 =	vmul.f32 v10, v10;
	v17 =	vld.idx.msk [tilespmem:v49+s15+$0x0], $0xffff;
	v24 =	vmul.u32 $0x3, v4;
	v4 =	vadd.f32 v12, v11  }
0x15b: {  	v12 =	vld.idx.msk [tilespmem:v53+s16+$0x0], $0xffff;
	v5 =	vmul.f32 v6, v5  }
0x15c: {  	v6 =	vadd.s32 $0x1, v16;
	v8 =	vmul.f32 v8, v7;
	v4 =	vadd.f32 v10, v4;
	v10 =	vld.idx.msk [tilespmem:v52+s11+$0x0], $0xffff  }
0x15d: {  	v14 =	vmul.u32 $0x3, v14;
	v25 =	vadd.s32 $0x2, v24;
	v9 =	vld.idx.msk [tilespmem:v15+s11+$0x0], $0xffff  }
0x15e: {  	s28 =	simm.s32 $0x0;
	vm1 =	vlt.u32 v45, v1;
	v11 =	vshra.s32 v3, $0x1;
	v8 =	vsub.f32 $1.500000000e+00, v8;
	v19 =	vld.idx.msk [tilespmem:v63+s11+$0x0], $0xffff  }
0x15f: {  	v53 =	vmul.f32 $5.000000000e-01, v3;
	v60 =	vadd.s32 $0x2, v16;
	v26 =	vadd.s32 $0x1, v24;
	v16 =	vld.idx.msk [tilespmem:v16+s28+$0x0], $0xffff  }
0x160: {  	v11 =	vsub.s32 $0x5F3759DF, v11;
	v4 =	vadd.f32 $9.999999960e-13, v4;
	v7 =	vmul.f32 v8, v7;
	v8 =	vld.idx.msk [tilespmem:v24+s28+$0x0], $0xffff  }
0x161: {  	v61 =	vadd.s32 $0x1, v14;
	v15 =	vmul.f32 v11, v53;
	v5 =	vsub.f32 v5, v12;
	v6 =	vld.idx.msk [tilespmem:v6+s28+$0x0], $0xffff  }
0x162: {  	vm0 =	vlt.u32 v44, v1;
	v20 =	vmul.f32 $5.000000000e-01, v4;
	v27 =	vshra.s32 v4, $0x1;
	v49 =	vld.idx.msk [tilespmem:v25+s28+$0x0], $0xffff  }
0x163: {  	v12 =	vsub.s32 $0x5F3759DF, v27;
	v58 =	vld.idx.msk [tilespmem:v14+s28+$0x0], $0xffff;
	v15 =	vmul.f32 v11, v15;
	v21 =	vmul.f32 v5, v21  }
0x164: {  	v14 =	vadd.s32 $0x2, v14;
	v63 =	vld.idx.msk [tilespmem:v26+s28+$0x0], $0xffff;
	v62 =	vmul.f32 v12, v20;
	v7 =	vmul.f32 v7, v55  }
0x165: {  	v25 =	vld.idx.msk [tilespmem:v60+s28+$0x0], $0xffff;
	v15 =	vsub.f32 $1.500000000e+00, v15;
	v10 =	vmul.u32 $0x3, v10;
	v5 =	vmul.f32 v21, v5  }
0x166: {  	v27 =	vld.idx.msk [tilespmem:v61+s28+$0x0], $0xffff;
	v24 =	vmul.f32 v12, v62;
	v7 =	vsub.f32 v7, v18;
	v9 =	vmul.u32 $0x3, v9  }
0x167: {  	v19 =	vmul.u32 $0x3, v19;
	v11 =	vmul.f32 v11, v15;
	v26 =	vadd.s32 $0x2, v10  }
0x168: {  	v60 =	vadd.s32 $0x1, v10;
	v5 =	vnsel vm1, $0x0, v5;
	v8 =	vsub.f32 v8, v16  }
0x169: {  	v15 =	vsub.f32 $1.500000000e+00, v24;
	v17 =	vmul.f32 v7, v17;
	v45 =	vsub.f32 v63, v6  }
0x16a: {  	v14 =	vld.idx.msk [tilespmem:v14+s28+$0x0], $0xffff;
	v61 =	vadd.s32 $0x2, v9;
	v16 =	vsub.f32 v58, v16;
	v49 =	vsub.f32 v49, v25  }
0x16b: {  	v53 =	vmul.f32 v11, v53;
	v62 =	vmul.f32 v8, v8;
	v6 =	vsub.f32 v27, v6  }
0x16c: {  	v12 =	vmul.f32 v12, v15;
	v15 =	vadd.s32 $0x1, v9;
	v63 =	vmul.f32 v45, v45;
	v10 =	vld.idx.msk [tilespmem:v10+s28+$0x0], $0xffff  }
0x16d: {  	v5 =	vadd.f32 v5, v13;
	v22 =	vmul.f32 v49, v49;
	v7 =	vmul.f32 v17, v7;
	v21 =	vld.idx.msk [tilespmem:v26+s28+$0x0], $0xffff  }
0x16e: {  	v27 =	vadd.s32 $0x2, v19;
	v8 =	vmul.f32 v16, v8;
	v24 =	vmul.f32 v6, v6;
	v44 =	vld.idx.msk [tilespmem:v60+s28+$0x0], $0xffff  }
0x16f: {  	v9 =	vld.idx.msk [tilespmem:v9+s28+$0x0], $0xffff;
	v23 =	vadd.f32 v63, v62;
	v14 =	vsub.f32 v14, v25;
	v25 =	vmul.f32 v16, v16  }
0x170: {  	v53 =	vmul.f32 v53, v11;
	v6 =	vmul.f32 v6, v45;
	v26 =	vadd.s32 $0x1, v19;
	v55 =	vld.idx.msk [tilespmem:v61+s28+$0x0], $0xffff  }
0x171: {  	v18 =	vadd.f32 v22, v23;
	v15 =	vld.idx.msk [tilespmem:v15+s28+$0x0], $0xffff;
	v60 =	vmul.f32 v14, v14;
	v56 =	vadd.f32 v24, v25  }
0x172: {  	v13 =	vmul.f32 v12, v20;
	v61 =	vsub.f32 $1.500000000e+00, v53;
	v6 =	vadd.f32 v6, v8  }
0x173: {  	v45 =	vmov s30;
	v62 =	vadd.f32 $9.999999960e-13, v18;
	v63 =	vadd.f32 v60, v56  }
0x174: {  	v13 =	vmul.f32 v13, v12;
	v11 =	vmul.f32 v61, v11;
	v10 =	vsub.f32 v10, v9  }
0x175: {  	v19 =	vld.idx.msk [tilespmem:v19+s28+$0x0], $0xffff;
	v24 =	vshra.s32 v62, $0x1;
	v17 =	vmul.f32 $5.000000000e-01, v62;
	v18 =	vadd.f32 $9.999999960e-13, v63  }
0x176: {  	v20 =	vld.idx.msk [tilespmem:v27+s28+$0x0], $0xffff;
	v21 =	vsub.f32 v21, v55;
	v53 =	vsub.s32 $0x5F3759DF, v24;
	v44 =	vsub.f32 v44, v15  }
0x177: {  	v54 =	vld.idx.msk [tilespmem:v26+s28+$0x0], $0xffff;
	v25 =	vmul.f32 v53, v17;
	v26 =	vshra.s32 v18, $0x1;
	v18 =	vmul.f32 $5.000000000e-01, v18  }
0x178: {  	v24 =	vmul.f32 v10, v10;
	v27 =	vmul.f32 v44, v44;
	v57 =	vsub.s32 $0x5F3759DF, v26  }
0x179: {  	v13 =	vsub.f32 $1.500000000e+00, v13;
	v56 =	vmul.f32 v53, v25;
	v25 =	vmul.f32 v57, v18  }
0x17a: {  	v9 =	vsub.f32 v19, v9;
	v26 =	vadd.f32 v27, v24;
	v27 =	vmul.f32 v21, v21  }
0x17b: {  	v20 =	vsub.f32 v20, v55;
	v61 =	vsub.f32 $1.500000000e+00, v56;
	v62 =	vmul.f32 v57, v25  }
0x17c: {  	v14 =	vmul.f32 v14, v49;
	v15 =	vsub.f32 v54, v15;
	v55 =	vadd.f32 v27, v26  }
0x17d: {  	v63 =	vmul.f32 v20, v20;
	v53 =	vmul.f32 v53, v61;
	v23 =	vsub.f32 $1.500000000e+00, v62  }
0x17e: {  	v22 =	vmul.f32 v15, v15;
	v24 =	vmul.f32 v9, v9;
	v25 =	vadd.f32 $9.999999960e-13, v55  }
0x17f: {  	v6 =	vadd.f32 v14, v6;
	v17 =	vmul.f32 v53, v17;
	v54 =	vmul.f32 v57, v23  }
0x180: {  	v26 =	vadd.f32 v22, v24;
	v55 =	vshra.s32 v25, $0x1;
	v16 =	vmul.f32 $5.000000000e-01, v25  }
0x181: {  	v17 =	vmul.f32 v17, v53;
	v55 =	vsub.s32 $0x5F3759DF, v55;
	v18 =	vmul.f32 v54, v18  }
0x182: {  	v12 =	vmul.f32 v13, v12;
	v57 =	vadd.f32 v63, v26;
	v27 =	vmul.f32 v55, v16  }
0x183: {  	v3 =	vmul.f32 v11, v3;
	v8 =	vsub.f32 $1.500000000e+00, v17;
	v56 =	vmul.f32 v18, v54  }
0x184: {  	v58 =	vld.idx.msk [tilespmem:v50+s16+$0x0], $0xffff;
	v11 =	vmul.f32 v12, v4;
	v4 =	vadd.f32 $9.999999960e-13, v57;
	v13 =	vmul.f32 v55, v27  }
0x185: {  	v9 =	vmul.f32 v9, v10;
	v8 =	vmul.f32 v8, v53;
	v14 =	vsub.f32 $1.500000000e+00, v56  }
0x186: {  	v12 =	vsub.f32 $1.500000000e+00, v13;
	v13 =	vshra.s32 v4, $0x1;
	v4 =	vmul.f32 $5.000000000e-01, v4  }
0x187: {  	v6 =	vmul.f32 v8, v6;
	v8 =	vmul.f32 v14, v54;
	v13 =	vsub.s32 $0x5F3759DF, v13  }
0x188: {  	v14 =	vshll.u32 v45, $0x2;
	v59 =	vmul.f32 v13, v4;
	v10 =	vmul.f32 v55, v12  }
0x189: {  	v6 =	vmul.f32 v8, v6;
	v8 =	vsub.f32 v3, v58;
	v3 =	vor.u32 v40, v14  }
0x18a: {  	v62 =	vmul.f32 v20, v21;
	v12 =	vmul.f32 v13, v59;
	v14 =	vor.u32 $0x1, v3  }
0x18b: {  	v16 =	vmul.f32 v10, v16;
	v61 =	vor.u32 $0x2, v3;
	v6 =	vmax.f32 v6, $-9.999989860e-01  }
0x18c: {  	v49 =	vmin.f32 v6, $9.999989860e-01;
	v6 =	vmul.f32 v15, v44;
	v12 =	vsub.f32 $1.500000000e+00, v12  }
0x18d: {  	v16 =	vmul.f32 v16, v10;
	v15 =	vsub.f32 $1.000000000e+00, v49;
	v60 =	vadd.f32 $1.000000000e+00, v49  }
0x18e: {  	v44 =	vmov s29;
	v6 =	vadd.f32 v6, v9;
	v9 =	vld.idx.msk [tilespmem:v3+s11+$0x0], $0xffff;
	v12 =	vmul.f32 v13, v12  }
0x18f: {  	v16 =	vsub.f32 $1.500000000e+00, v16;
	v15 =	vmul.f32 v60, v15;
	v13 =	vld.idx.msk [tilespmem:v14+s11+$0x0], $0xffff;
	v14 =	vshll.u32 v44, $0x2  }
0x190: {  	v63 =	vmul.f32 v12, v4;
	v4 =	vor.u32 v40, v14  }
0x191: {  	v27 =	vld.idx.msk [tilespmem:v48+s16+$0x0], $0xffff;
	v6 =	vadd.f32 v62, v6;
	v10 =	vmul.f32 v16, v10;
	v17 =	vshra.s32 v15, $0x1  }
0x192: {  	v24 =	vld.idx.msk [tilespmem:v61+s11+$0x0], $0xffff;
	v20 =	vmul.f32 $5.000000000e-01, v15;
	v25 =	vor.u32 $0x1, v4;
	v57 =	vor.u32 $0x2, v4  }
0x193: {  	v14 =	vsub.s32 $0x5F3759DF, v17;
	v21 =	vmul.f32 v63, v12;
	v9 =	vmul.u32 $0x3, v9  }
0x194: {  	v7 =	vnsel vm0, $0x0, v7;
	v58 =	vld.idx.msk [tilespmem:v50+s15+$0x0], $0xffff;
	v26 =	vmul.f32 v14, v20  }
0x195: {  	v60 =	vld.idx.msk [tilespmem:v48+s15+$0x0], $0xffff;
	v6 =	vmul.f32 v10, v6;
	v21 =	vsub.f32 $1.500000000e+00, v21;
	v61 =	vadd.s32 $0x2, v9  }
0x196: {  	v13 =	vmul.u32 $0x3, v13;
	v59 =	vmul.f32 v14, v26;
	v10 =	vadd.s32 $0x1, v9;
	v62 =	vld.idx.msk [tilespmem:v4+s11+$0x0], $0xffff  }
0x197: {  	v5 =	vadd.f32 v7, v5;
	v7 =	vsub.f32 v11, v27;
	v17 =	vmul.u32 $0x3, v24;
	v18 =	vld.idx.msk [tilespmem:v25+s11+$0x0], $0xffff  }
0x198: {  	v12 =	vmul.f32 v21, v12;
	v63 =	vadd.s32 $0x1, v13;
	v11 =	vld.idx.msk [tilespmem:v57+s11+$0x0], $0xffff;
	v16 =	vsub.f32 $1.500000000e+00, v59  }
0x199: {  	vm1 =	vlt.u32 v47, v1;
	vm0 =	vlt.u32 v46, v1;
	v56 =	vand.u32 $0x7FFFFFFF, v49;
	v9 =	vld.idx.msk [tilespmem:v9+s28+$0x0], $0xffff  }
0x19a: {  	v27 =	vadd.s32 $0x2, v13;
	v6 =	vmul.f32 v12, v6;
	v14 =	vmul.f32 v14, v16;
	v26 =	vld.idx.msk [tilespmem:v61+s28+$0x0], $0xffff  }
0x19b: {  	v24 =	vmul.f32 v8, v58;
	v25 =	vadd.s32 $0x2, v17;
	v12 =	vmul.f32 v7, v60;
	v10 =	vld.idx.msk [tilespmem:v10+s28+$0x0], $0xffff  }
0x19c: {  	v6 =	vmax.f32 v6, $-9.999989860e-01;
	v53 =	vmul.u32 $0x3, v62;
	v13 =	vld.idx.msk [tilespmem:v13+s28+$0x0], $0xffff;
	v20 =	vmul.f32 v14, v20  }
0x19d: {  	v8 =	vmul.f32 v24, v8;
	v7 =	vmul.f32 v12, v7;
	v50 =	vmin.f32 v6, $9.999989860e-01;
	v6 =	vld.idx.msk [tilespmem:v63+s28+$0x0], $0xffff  }
0x19e: {  	v63 =	vadd.s32 $0x1, v17;
	v17 =	vld.idx.msk [tilespmem:v17+s28+$0x0], $0xffff;
	v18 =	vmul.u32 $0x3, v18;
	v60 =	vmul.f32 v20, v14  }
0x19f: {  	v12 =	vld.idx.msk [tilespmem:v27+s28+$0x0], $0xffff;
	v61 =	vsub.f32 $1.000000000e+00, v50;
	v62 =	vadd.f32 $1.000000000e+00, v50;
	v24 =	vadd.s32 $0x2, v53  }
0x1a0: {  	v11 =	vmul.u32 $0x3, v11;
	v19 =	vld.idx.msk [tilespmem:v25+s28+$0x0], $0xffff;
	v25 =	vadd.s32 $0x1, v53;
	v16 =	vsub.f32 $1.500000000e+00, v60  }
0x1a1: {  	v8 =	vnsel vm1, $0x0, v8;
	v21 =	vadd.s32 $0x1, v18;
	v48 =	vmul.f32 v62, v61  }
0x1a2: {  	v8 =	vadd.f32 v8, v5;
	v58 =	vadd.s32 $0x2, v11;
	v20 =	vld.idx.msk [tilespmem:v53+s28+$0x0], $0xffff;
	v14 =	vmul.f32 v16, v14  }
0x1a3: {  	v9 =	vsub.f32 v9, v13;
	v5 =	vshra.s32 v48, $0x1;
	v46 =	vld.idx.msk [tilespmem:v63+s28+$0x0], $0xffff;
	v10 =	vsub.f32 v10, v6  }
0x1a4: {  	v47 =	vsub.f32 v26, v12;
	v13 =	vsub.f32 v17, v13;
	v54 =	vld.idx.msk [tilespmem:v24+s28+$0x0], $0xffff;
	v53 =	vmul.f32 v14, v15  }
0x1a5: {  	v12 =	vsub.f32 v19, v12;
	v5 =	vsub.s32 $0x5F3759DF, v5;
	v16 =	vld.idx.msk [tilespmem:v25+s28+$0x0], $0xffff;
	v15 =	vadd.s32 $0x2, v18  }
0x1a6: {  	v24 =	vmul.f32 v9, v9;
	v27 =	vmul.f32 v10, v10;
	v21 =	vld.idx.msk [tilespmem:v21+s28+$0x0], $0xffff;
	v57 =	vand.u32 $0x7FFFFFFF, v53  }
0x1a7: {  	v55 =	vld.idx.msk [tilespmem:v11+s28+$0x0], $0xffff;
	v11 =	vadd.s32 $0x1, v11;
	v14 =	vmul.f32 $5.000000000e-01, v48;
	v26 =	vmax.f32 v56, v57  }
0x1a8: {  	v18 =	vld.idx.msk [tilespmem:v18+s28+$0x0], $0xffff;
	v59 =	vmax.f32 v26, $9.999999910e-38;
	v26 =	vadd.f32 v27, v24;
	v27 =	vmul.f32 v47, v47  }
0x1a9: {  	v25 =	vmul.f32 v5, v14;
	v6 =	vsub.f32 v46, v6;
	(erf) = vrcp.f32 v59  }
0x1aa: {  	v9 =	vmul.f32 v13, v9;
	v13 =	vmul.f32 v13, v13;
	v15 =	vld.idx.msk [tilespmem:v15+s28+$0x0], $0xffff;
	v46 =	vadd.f32 v27, v26  }
0x1ab: {  	v17 =	vmul.f32 v5, v25;
	v10 =	vmul.f32 v6, v10;
	v16 =	vsub.f32 v16, v21  }
0x1ac: {  	v60 =	vld.idx.msk [tilespmem:v58+s28+$0x0], $0xffff;
	v6 =	vmul.f32 v6, v6;
	v47 =	vmul.f32 v12, v47;
	v61 =	vadd.f32 $9.999999960e-13, v46  }
0x1ad: {  	v11 =	vld.idx.msk [tilespmem:v11+s28+$0x0], $0xffff;
	v55 =	vsub.f32 v55, v18;
	v18 =	vsub.f32 v20, v18;
	v63 =	vmul.f32 v16, v16  }
0x1ae: {  	v6 =	vadd.f32 v6, v13;
	v24 =	vshra.s32 v61, $0x1;
	v20 =	vmul.f32 $5.000000000e-01, v61  }
0x1af: {  	v62 =	vmul.f32 v18, v18;
	v46 =	vsub.f32 v54, v15;
	v13 =	vsub.s32 $0x5F3759DF, v24  }
0x1b0: {  	v12 =	vmul.f32 v12, v12;
	v26 =	vmin.f32 v56, v57;
	v25 =	vmul.f32 v13, v20  }
0x1b1: {  	v9 =	vadd.f32 v10, v9;
	v54 =	vadd.f32 v63, v62;
	v61 =	vmul.f32 v46, v46  }
0x1b2: {  	v11 =	vsub.f32 v11, v21;
	v15 =	vsub.f32 v60, v15;
	v27 =	vpop (erf);
	v19 =	vmul.f32 v13, v25  }
0x1b3: {  	v60 =	vor.u32 $0x3, v51;
	v62 =	vadd.f32 v61, v54;
	v51 =	vmul.f32 v27, v26  }
0x1b4: {  	v6 =	vadd.f32 v12, v6;
	v19 =	vsub.f32 $1.500000000e+00, v19  }
0x1b5: {  	v24 =	vmul.f32 v11, v11;
	v21 =	vadd.f32 $9.999999960e-13, v62;
	v63 =	vadd.f32 $1.000000000e+00, v51  }
0x1b6: {  	v25 =	vor.u32 $0x3, v4;
	v4 =	vmul.f32 v13, v19;
	v13 =	vmul.f32 v55, v55  }
0x1b7: {  	v26 =	vshra.s32 v21, $0x1;
	v21 =	vmul.f32 $5.000000000e-01, v21;
	(erf) = vrcp.f32 v63  }
0x1b8: {  	v46 =	vmul.f32 v15, v46;
	v19 =	vsub.s32 $0x5F3759DF, v26;
	v12 =	vmul.f32 v4, v20  }
0x1b9: {  	v15 =	vmul.f32 v15, v15;
	v13 =	vadd.f32 v24, v13;
	v27 =	vmul.f32 v19, v21  }
0x1ba: {  	v10 =	vmul.f32 v11, v16;
	v6 =	vadd.f32 $9.999999960e-13, v6;
	v11 =	vmul.f32 v12, v4  }
0x1bb: {  	v59 =	vor.u32 $0x3, v52;
	v12 =	vadd.f32 v15, v13;
	v13 =	vmul.f32 v19, v27  }
0x1bc: {  	v52 =	vshra.s32 v6, $0x1;
	v54 =	vmul.f32 $5.000000000e-01, v6;
	v11 =	vsub.f32 $1.500000000e+00, v11  }
0x1bd: {  	v18 =	vmul.f32 v55, v18;
	v6 =	vsub.f32 $1.500000000e+00, v13;
	v13 =	vsub.s32 $0x5F3759DF, v52  }
0x1be: {  	v9 =	vadd.f32 v47, v9;
	v16 =	vmul.f32 v13, v54;
	v4 =	vmul.f32 v11, v4  }
0x1bf: {  	v15 =	vadd.f32 $-1.000000000e+00, v51;
	v11 =	vadd.f32 $9.999999960e-13, v12;
	v19 =	vmul.f32 v19, v6  }
0x1c0: {  	v7 =	vnsel vm0, $0x0, v7;
	v16 =	vmul.f32 v13, v16;
	v12 =	vpop (erf);
	v4 =	vmul.f32 v4, v9  }
0x1c1: {  	v6 =	vmul.f32 v12, v15;
	v12 =	vshra.s32 v11, $0x1;
	v11 =	vmul.f32 $5.000000000e-01, v11  }
0x1c2: {  	v9 =	vsub.f32 $1.500000000e+00, v17;
	v15 =	vmul.f32 v19, v21;
	v12 =	vsub.s32 $0x5F3759DF, v12  }
0x1c3: {  	vm1 =	vgt.f32 v51, $4.142135680e-01;
	v16 =	vsub.f32 $1.500000000e+00, v16;
	v55 =	vmul.f32 v12, v11  }
0x1c4: {  	v15 =	vmul.f32 v15, v19;
	v63 =	vsel vm1, v6, v51;
	v6 =	vmul.f32 v5, v9  }
0x1c5: {  	v62 =	vor.u32 $0x3, v3;
	v5 =	vmul.f32 v13, v16;
	v17 =	vmul.f32 v12, v55  }
0x1c6: {  	v10 =	vadd.f32 v10, v18;
	v51 =	vadd.f32 v7, v8;
	v3 =	vmul.f32 v63, v63  }
0x1c7: {  	v9 =	vsub.f32 $1.500000000e+00, v15;
	v7 =	vmul.f32 v5, v54;
	v13 =	vsub.f32 $1.500000000e+00, v17  }
0x1c8: {  	v8 =	vmul.f32 v6, v14;
	v15 =	vmul.f32 $8.053744580e-02, v3  }
0x1c9: {  	v10 =	vadd.f32 v46, v10;
	v47 =	vld.idx.msk [tilespmem:v25+s11+$0x0], $0xffff;
	v14 =	vmul.f32 v9, v19;
	v9 =	vmul.f32 v12, v13  }
0x1ca: {  	v46 =	vld.idx.msk [tilespmem:v62+s11+$0x0], $0xffff;
	v8 =	vmul.f32 v8, v6;
	v15 =	vadd.f32 $-1.387768540e-01, v15;
	v13 =	vmul.f32 v7, v5  }
0x1cb: {  	vm0 =	vgt.f32 v57, v56;
	v52 =	vld.idx.msk [tilespmem:v60+s11+$0x0], $0xffff;
	v7 =	vmul.f32 v14, v10;
	v12 =	vmul.f32 v9, v11  }
0x1cc: {  	v54 =	vld.idx.msk [tilespmem:v59+s11+$0x0], $0xffff;
	v10 =	vsub.f32 $1.500000000e+00, v13;
	v11 =	vsub.f32 $1.500000000e+00, v8;
	v8 =	vmul.f32 v15, v3  }
.LBB2_4:
0x1cd: {  	s0 =	sadd.s32 $0xFFFFFFF0, s25;
	s26 =	sadd.s32 $0x2, s26;
	v12 =	vmul.f32 v12, v9;
	v59 =	vand.u32 $0x7FFFFFFF, v50  }
0x1ce: {  	v13 =	vmov s0;
	p0 =	slt.u32 s26, $0x1E;
	v5 =	vmul.f32 v10, v5;
	v6 =	vmul.f32 v11, v6  }
0x1cf: {  	v8 =	vadd.f32 $1.997771110e-01, v8;
	v10 =	vshll.u32 v13, $0x2;
	v11 =	vsub.f32 $1.500000000e+00, v12  }
0x1d0: {  	v10 =	vor.u32 v40, v10;
	v4 =	vmul.f32 v5, v4;
	v57 =	vmul.f32 v6, v48  }
0x1d1: {  	v5 =	vor.u32 $0x1, v10;
	v6 =	vor.u32 $0x2, v10;
	v9 =	vmul.f32 v11, v9  }
0x1d2: {  	v8 =	vmul.f32 v8, v3;
	v4 =	vmax.f32 v4, $-9.999989860e-01;
	v60 =	vand.u32 $0x7FFFFFFF, v57  }
0x1d3: {  	v4 =	vmin.f32 v4, $9.999989860e-01;
	v7 =	vmul.f32 v9, v7;
	v9 =	vmax.f32 v59, v60  }
0x1d4: {  	v11 =	vsub.f32 $1.000000000e+00, v4;
	v12 =	vadd.f32 $1.000000000e+00, v4;
	v9 =	vmax.f32 v9, $9.999999910e-38  }
0x1d5: {  	v8 =	vadd.f32 $-3.333294990e-01, v8;
	v14 =	vld.idx.msk [tilespmem:v10+s11+$0x0], $0xffff;
	v7 =	vmax.f32 v7, $-9.999989860e-01;
	(erf) = vrcp.f32 v9  }
0x1d6: {  	v55 =	vmov s25;
	v5 =	vld.idx.msk [tilespmem:v5+s11+$0x0], $0xffff;
	v48 =	vmul.f32 v12, v11;
	v7 =	vmin.f32 v7, $9.999989860e-01  }
0x1d7: {  	v9 =	vshll.u32 v55, $0x2;
	v6 =	vld.idx.msk [tilespmem:v6+s11+$0x0], $0xffff;
	v11 =	vsub.f32 $1.000000000e+00, v7;
	v12 =	vadd.f32 $1.000000000e+00, v7  }
0x1d8: {  	v3 =	vmul.f32 v8, v3;
	v9 =	vor.u32 v40, v9;
	v15 =	vshra.s32 v48, $0x1  }
0x1d9: {  	v8 =	vor.u32 $0x1, v9;
	v16 =	vor.u32 $0x2, v9;
	v11 =	vmul.f32 v12, v11  }
0x1da: {  	v3 =	vmul.f32 v3, v63;
	v56 =	vmul.f32 $5.000000000e-01, v48;
	v58 =	vsub.s32 $0x5F3759DF, v15  }
0x1db: {  	v12 =	vmul.u32 $0x3, v14;
	v14 =	vshra.s32 v11, $0x1;
	v15 =	vmul.f32 $5.000000000e-01, v11  }
0x1dc: {  	v17 =	vmul.f32 v58, v56;
	v5 =	vmul.u32 $0x3, v5;
	v14 =	vsub.s32 $0x5F3759DF, v14  }
0x1dd: {  	v18 =	vadd.s32 $0x1, v12;
	v19 =	vadd.s32 $0x2, v12;
	v20 =	vld.idx.msk [tilespmem:v9+s11+$0x0], $0xffff;
	v21 =	vmul.f32 v14, v15  }
0x1de: {  	v23 =	vmin.f32 v59, v60;
	v62 =	vadd.s32 $0x1, v5;
	v22 =	vadd.s32 $0x2, v5;
	v8 =	vld.idx.msk [tilespmem:v8+s11+$0x0], $0xffff;
	v24 =	vpop (erf)  }
0x1df: {  	v6 =	vmul.u32 $0x3, v6;
	v61 =	vmul.f32 v58, v17;
	v16 =	vld.idx.msk [tilespmem:v16+s11+$0x0], $0xffff;
	v17 =	vmul.f32 v24, v23  }
0x1e0: {  	v3 =	vadd.f32 v3, v63;
	v9 =	vor.u32 $0x3, v9;
	v21 =	vmul.f32 v14, v21  }
0x1e1: {  	v23 =	vadd.s32 $0x1, v6;
	v24 =	vadd.s32 $0x2, v6;
	v12 =	vld.idx.msk [tilespmem:v12+s28+$0x0], $0xffff;
	v63 =	vadd.f32 $1.000000000e+00, v17  }
0x1e2: {  	v10 =	vor.u32 $0x3, v10;
	v25 =	vadd.f32 $7.853981850e-01, v3;
	v21 =	vsub.f32 $1.500000000e+00, v21;
	v19 =	vld.idx.msk [tilespmem:v19+s28+$0x0], $0xffff  }
0x1e3: {  	v20 =	vmul.u32 $0x3, v20;
	v18 =	vld.idx.msk [tilespmem:v18+s28+$0x0], $0xffff;
	(erf) = vrcp.f32 v63  }
0x1e4: {  	v3 =	vsel vm1, v25, v3;
	v8 =	vmul.u32 $0x3, v8;
	v14 =	vmul.f32 v14, v21;
	v62 =	vld.idx.msk [tilespmem:v62+s28+$0x0], $0xffff  }
0x1e5: {  	v63 =	vsub.f32 $1.570796370e+00, v3;
	v21 =	vadd.s32 $0x1, v20;
	v25 =	vadd.s32 $0x2, v20;
	v6 =	vld.idx.msk [tilespmem:v6+s28+$0x0], $0xffff  }
0x1e6: {  	v26 =	vadd.s32 $0x1, v8;
	v27 =	vadd.s32 $0x2, v8;
	v15 =	vmul.f32 v14, v15;
	v5 =	vld.idx.msk [tilespmem:v5+s28+$0x0], $0xffff  }
0x1e7: {  	v16 =	vmul.u32 $0x3, v16;
	v3 =	vsel vm0, v63, v3;
	v24 =	vld.idx.msk [tilespmem:v24+s28+$0x0], $0xffff  }
0x1e8: {  	vm2 =	vlt.u32 v43, v2;
	v43 =	vmovc v45;
	v63 =	vsub.f32 $3.141592740e+00, v3;
	v15 =	vmul.f32 v15, v14;
	v22 =	vld.idx.msk [tilespmem:v22+s28+$0x0], $0xffff  }
0x1e9: {  	vm3 =	vlt.f32 v50, $0.0e+00;
	v45 =	vmovc v13;
	v50 =	vmovc v4;
	vm0 =	vlt.f32 v49, $0.0e+00;
	v28 =	vadd.s32 $0x2, v16;
	v20 =	vld.idx.msk [tilespmem:v20+s28+$0x0], $0xffff  }
0x1ea: {  	v49 =	vmovc v7;
	v13 =	vadd.s32 $0x1, v16;
	v3 =	vsel vm0, v63, v3;
	v29 =	vsub.f32 $1.500000000e+00, v15;
	v4 =	vld.idx.msk [tilespmem:v23+s28+$0x0], $0xffff  }
0x1eb: {  	vm0 =	vlt.f32 v53, $0.0e+00;
	v23 =	vadd.f32 $-1.000000000e+00, v17;
	v7 =	vld.idx.msk [tilespmem:v25+s28+$0x0], $0xffff;
	v25 =	vsub.f32 $0.0e+00, v3  }
0x1ec: {  	v18 =	vsub.f32 v18, v62;
	v12 =	vsub.f32 v12, v5;
	v14 =	vmul.f32 v29, v14;
	v9 =	vld.idx.msk [tilespmem:v9+s11+$0x0], $0xffff;
	v15 =	vpop (erf)  }
0x1ed: {  	v5 =	vsub.f32 v6, v5;
	v6 =	vld.idx.msk [tilespmem:v16+s28+$0x0], $0xffff;
	v16 =	vand.u32 $0x7FFFFFFF, v49;
	v15 =	vmul.f32 v15, v23  }
0x1ee: {  	vm1 =	vgt.f32 v17, $4.142135680e-01;
	v19 =	vsub.f32 v19, v22;
	v23 =	vmul.f32 v18, v18;
	v8 =	vld.idx.msk [tilespmem:v8+s28+$0x0], $0xffff  }
0x1ef: {  	v22 =	vsub.f32 v24, v22;
	v24 =	vmul.f32 v12, v12;
	v21 =	vld.idx.msk [tilespmem:v21+s28+$0x0], $0xffff;
	v15 =	vsel vm1, v15, v17  }
0x1f0: {  	v12 =	vmul.f32 v5, v12;
	v53 =	vmul.f32 v14, v11;
	v4 =	vsub.f32 v4, v62;
	v17 =	vld.idx.msk [tilespmem:v27+s28+$0x0], $0xffff  }
0x1f1: {  	v11 =	vadd.f32 v23, v24;
	v14 =	vmul.f32 v22, v22;
	v24 =	vmul.f32 v15, v15;
	v23 =	vld.idx.msk [tilespmem:v26+s28+$0x0], $0xffff  }
0x1f2: {  	v27 =	vand.u32 $0x7FFFFFFF, v53;
	v26 =	vmul.f32 v19, v19;
	v18 =	vmul.f32 v4, v18;
	v10 =	vld.idx.msk [tilespmem:v10+s11+$0x0], $0xffff  }
0x1f3: {  	v4 =	vmul.f32 v4, v4;
	v62 =	vmax.f32 v16, v27;
	v63 =	vmul.f32 $8.053744580e-02, v24;
	v28 =	vld.idx.msk [tilespmem:v28+s28+$0x0], $0xffff  }
0x1f4: {  	v11 =	vadd.f32 v26, v11;
	v6 =	vsub.f32 v6, v8;
	v26 =	vmax.f32 v62, $9.999999910e-38;
	v62 =	vld.idx.msk [tilespmem:v52+s18+$0x0], $0xffff  }
0x1f5: {  	v19 =	vmul.f32 v22, v19;
	v8 =	vsub.f32 v20, v8;
	v20 =	vadd.f32 $-1.387768540e-01, v63;
	v22 =	vld.idx.msk [tilespmem:v52+s17+$0x0], $0xffff;
	v52 =	vmovc v47  }
0x1f6: {  	v5 =	vmul.f32 v5, v5;
	v7 =	vsub.f32 v7, v17;
	v47 =	vmovc v9;
	v13 =	vld.idx.msk [tilespmem:v13+s28+$0x0], $0xffff;
	(erf) = vrcp.f32 v26  }
0x1f7: {  	v9 =	vsub.f32 v21, v23;
	v21 =	vmul.f32 v6, v8;
	v20 =	vmul.f32 v20, v24  }
0x1f8: {  	v3 =	vsel vm0, v25, v3;
	v11 =	vadd.f32 $9.999999960e-13, v11;
	v8 =	vmul.f32 v8, v8  }
0x1f9: {  	v17 =	vsub.f32 v28, v17;
	v25 =	vmul.f32 v9, v9;
	v20 =	vadd.f32 $1.997771110e-01, v20  }
0x1fa: {  	v4 =	vadd.f32 v4, v5;
	v5 =	vmul.f32 v7, v7;
	v3 =	vsub.f32 v3, v62  }
0x1fb: {  	v26 =	vshra.s32 v11, $0x1;
	v11 =	vmul.f32 $5.000000000e-01, v11;
	v20 =	vmul.f32 v20, v24  }
0x1fc: {  	v26 =	vsub.s32 $0x5F3759DF, v26;
	v7 =	vmul.f32 v17, v7;
	v22 =	vmul.f32 v3, v22  }
0x1fd: {  	v28 =	vmul.f32 v26, v11;
	v13 =	vsub.f32 v13, v23;
	v20 =	vadd.f32 $-3.333294990e-01, v20  }
0x1fe: {  	v12 =	vadd.f32 v18, v12;
	v8 =	vadd.f32 v25, v8;
	v18 =	vmul.f32 v22, v3  }
0x1ff: {  	v3 =	vmul.f32 v26, v28;
	v22 =	vmin.f32 v16, v27;
	v20 =	vmul.f32 v20, v24;
	v23 =	vpop (erf)  }
0x200: {  	v4 =	vadd.f32 v14, v4;
	v14 =	vmul.f32 v13, v13;
	v22 =	vmul.f32 v23, v22  }
0x201: {  	v5 =	vadd.f32 v5, v8;
	v8 =	vmul.f32 v13, v9;
	v9 =	vmul.f32 v20, v15  }
0x202: {  	v13 =	vmul.f32 v17, v17;
	v3 =	vsub.f32 $1.500000000e+00, v3;
	v17 =	vadd.f32 $1.000000000e+00, v22  }
0x203: {  	vm0 =	vgt.f32 v27, v16;
	v6 =	vmul.f32 v6, v6;
	v9 =	vadd.f32 v9, v15  }
0x204: {  	v5 =	vadd.f32 $9.999999960e-13, v5;
	v8 =	vadd.f32 v8, v21;
	(erf) = vrcp.f32 v17  }
0x205: {  	v6 =	vadd.f32 v14, v6;
	v3 =	vmul.f32 v26, v3;
	v14 =	vadd.f32 $7.853981850e-01, v9  }
0x206: {  	vm4 =	vgt.f32 v60, v59;
	v15 =	vshra.s32 v5, $0x1;
	v5 =	vmul.f32 $5.000000000e-01, v5  }
0x207: {  	v11 =	vmul.f32 v3, v11;
	v15 =	vsub.s32 $0x5F3759DF, v15;
	v9 =	vsel vm1, v14, v9  }
0x208: {  	v4 =	vadd.f32 $9.999999960e-13, v4;
	v14 =	vmul.f32 v15, v5;
	v16 =	vsub.f32 $1.570796370e+00, v9  }
0x209: {  	v6 =	vadd.f32 v13, v6;
	v7 =	vadd.f32 v7, v8;
	vm1 =	vgt.f32 v22, $4.142135680e-01  }
0x20a: {  	v8 =	vmul.f32 v11, v3;
	v11 =	vadd.f32 $-1.000000000e+00, v22;
	v9 =	vsel vm4, v16, v9;
	v13 =	vld.idx.msk [tilespmem:v54+s18+$0x0], $0xffff  }
0x20b: {  	v23 =	vmul.f32 v15, v14;
	v16 =	vshra.s32 v4, $0x1;
	v17 =	vsub.f32 $3.141592740e+00, v9  }
0x20c: {  	v20 =	vmul.f32 $5.000000000e-01, v4;
	v8 =	vsub.f32 $1.500000000e+00, v8;
	vm4 =	vlt.f32 v57, $0.0e+00;
	v21 =	vld.idx.msk [tilespmem:v54+s17+$0x0], $0xffff;
	v54 =	vmovc v46;
	v46 =	vmovc v10  }
0x20d: {  	v4 =	vsub.f32 $1.500000000e+00, v23;
	v10 =	vsub.s32 $0x5F3759DF, v16;
	v9 =	vsel vm3, v17, v9;
	v14 =	vpop (erf)  }
0x20e: {  	v12 =	vadd.f32 v19, v12;
	v3 =	vmul.f32 v8, v3;
	v8 =	vsub.f32 $0.0e+00, v9  }
0x20f: {  	v6 =	vadd.f32 $9.999999960e-13, v6;
	v15 =	vmul.f32 v15, v4;
	v16 =	vmul.f32 v10, v20  }
0x210: {  	v4 =	vmul.f32 v3, v12;
	v3 =	vmul.f32 v14, v11;
	v8 =	vsel vm4, v8, v9  }
0x211: {  	v5 =	vmul.f32 v15, v5;
	v9 =	vshra.s32 v6, $0x1;
	v8 =	vsub.f32 v8, v13  }
0x212: {  	v12 =	vmul.f32 $5.000000000e-01, v6;
	v11 =	vmul.f32 v10, v16;
	v6 =	vsub.f32 $1.500000000e+00, v61  }
0x213: {  	v5 =	vmul.f32 v5, v15;
	v9 =	vsub.s32 $0x5F3759DF, v9;
	v13 =	vmul.f32 v8, v21  }
0x214: {  	v63 =	vsel vm1, v3, v22;
	v11 =	vsub.f32 $1.500000000e+00, v11;
	v14 =	vmul.f32 v9, v12  }
0x215: {  	v6 =	vmul.f32 v58, v6;
	v16 =	vsub.f32 $1.500000000e+00, v5;
	v8 =	vmul.f32 v13, v8  }
0x216: {  	vm3 =	vlt.u32 v42, v2;
	v42 =	vmovc v44;
	v3 =	vmul.f32 v63, v63;
	v13 =	vmul.f32 v9, v14  }
0x217: {  	v44 =	vmovc v55;
	v5 =	vmul.f32 v10, v11;
	v10 =	vmul.f32 v16, v15;
	v8 =	vnsel vm2, $0x0, v8  }
0x218: {  	v11 =	vsub.f32 $1.500000000e+00, v13;
	v13 =	vmul.f32 $8.053744580e-02, v3;
	v8 =	vadd.f32 v8, v51  }
.Ltmp1:
0x219: {  	v15 =	vmul.f32 v6, v56;
	v16 =	vnsel vm3, $0x0, v18;
	v14 =	vmul.f32 v5, v20;
	(pc) =	sbr.rel @p0 .LBB2_4-.Ltmp1, $4  }
0x21a: {  	v7 =	vmul.f32 v10, v7;
	v9 =	vmul.f32 v9, v11;
	v51 =	vadd.f32 v16, v8  }
0x21b: {  	v11 =	vmul.f32 v15, v6;
	v13 =	vadd.f32 $-1.387768540e-01, v13;
	v8 =	vmul.f32 v14, v5  }
0x21c: {  	v12 =	vmul.f32 v9, v12  }
0x21d: {  	s25 =	sadd.s32 $0x20, s25;
	v11 =	vsub.f32 $1.500000000e+00, v11;
	v10 =	vsub.f32 $1.500000000e+00, v8;
	v8 =	vmul.f32 v13, v3  }
0x21e: {  	v12 =	vmul.f32 v12, v9;
	_ =	sdelay $0x1  }
0x21f: {  	v12 =	vsub.f32 $1.500000000e+00, v12;
	_ =	sdelay $0x1  }
0x220: {  	v9 =	vmul.f32 v12, v9;
	_ =	sdelay $0x1  }
0x221: {  	v7 =	vmul.f32 v9, v7;
	_ =	sdelay $0x1  }
0x222: {  	v7 =	vmax.f32 v7, $-9.999989860e-01  }
0x223: {  	v61 =	vmin.f32 v7, $9.999989860e-01  }
0x224: {  	v6 =	vmul.f32 v11, v6;
	v9 =	vsub.f32 $1.000000000e+00, v61;
	v11 =	vadd.f32 $1.000000000e+00, v61;
	_ =	sdelay $0x1  }
0x225: {  	v7 =	vmul.f32 v6, v48;
	v6 =	vmul.f32 v11, v9  }
0x226: {  	v9 =	vand.u32 $0x7FFFFFFF, v50  }
0x227: {  	v11 =	vand.u32 $0x7FFFFFFF, v7;
	v12 =	vshra.s32 v6, $0x1;
	v13 =	vmul.f32 $5.000000000e-01, v6  }
0x228: {  	v14 =	vmax.f32 v9, v11;
	v12 =	vsub.s32 $0x5F3759DF, v12  }
0x229: {  	v14 =	vmax.f32 v14, $9.999999910e-38;
	v15 =	vmul.f32 v12, v13  }
0x22a: {  	(erf) = vrcp.f32 v14  }
0x22b: {  	v14 =	vmul.f32 v12, v15;
	_ =	sdelay $0x1  }
0x22c: {  	v5 =	vmul.f32 v10, v5;
	v14 =	vsub.f32 $1.500000000e+00, v14;
	_ =	sdelay $0x1  }
0x22d: {  	v4 =	vmul.f32 v5, v4;
	v10 =	vmul.f32 v12, v14;
	_ =	sdelay $0x1  }
0x22e: {  	v4 =	vmax.f32 v4, $-9.999989860e-01;
	v5 =	vmul.f32 v10, v13  }
0x22f: {  	v60 =	vmin.f32 v4, $9.999989860e-01;
	v4 =	vmin.f32 v9, v11  }
0x230: {  	v14 =	vadd.f32 $1.000000000e+00, v60;
	v12 =	vpop (erf);
	v13 =	vsub.f32 $1.000000000e+00, v60;
	v5 =	vmul.f32 v5, v10  }
0x231: {  	v4 =	vmul.f32 v12, v4  }
0x232: {  	v12 =	vmul.f32 v14, v13;
	v5 =	vsub.f32 $1.500000000e+00, v5  }
0x233: {  	v13 =	vadd.f32 $1.000000000e+00, v4  }
0x234: {  	v14 =	vmul.f32 $5.000000000e-01, v12;
	v5 =	vmul.f32 v5, v10;
	v10 =	vshra.s32 v12, $0x1  }
0x235: {  	(erf) = vrcp.f32 v13;
	v10 =	vsub.s32 $0x5F3759DF, v10  }
0x236: {  	v62 =	vmul.f32 v5, v6;
	v5 =	vmov s28;
	v13 =	vmul.f32 v10, v14  }
0x237: {  	v15 =	vmul.u32 $0x5, v5  }
0x238: {  	v48 =	vmul.u32 $0x5, v0;
	v13 =	vmul.f32 v10, v13  }
0x239: {  	v5 =	vand.u32 $0x7FFFFFFF, v61;
	v6 =	vand.u32 $0x7FFFFFFF, v62;
	v58 =	vbroadcast v15, $0x0  }
0x23a: {  	v57 =	vadd.s32 $0x1, v48;
	v16 =	vmax.f32 v5, v6;
	v13 =	vsub.f32 $1.500000000e+00, v13  }
0x23b: {  	v55 =	vadd.s32 $0x2, v48;
	v15 =	vmax.f32 v16, $9.999999910e-38;
	v16 =	vadd.s32 v57, v58  }
0x23c: {  	(erf) = vrcp.f32 v15;
	v15 =	vadd.s32 v55, v58  }
0x23d: {  	v17 =	vadd.f32 $-1.000000000e+00, v4;
	v10 =	vmul.f32 v10, v13  }
0x23e: {  	v8 =	vadd.f32 $1.997771110e-01, v8;
	v13 =	vpop (erf)  }
0x23f: {  	v14 =	vmul.f32 v10, v14;
	v13 =	vmul.f32 v13, v17  }
0x240: {  	v8 =	vmul.f32 v8, v3;
	vm2 =	vgt.f32 v4, $4.142135680e-01;
	v16 =	vld.idx.msk [tilespmem:v16+s12+$0x0], $0xffff  }
0x241: {  	v13 =	vsel vm2, v13, v4;
	v4 =	vmul.f32 v14, v10;
	v14 =	vld.idx.msk [tilespmem:v15+s12+$0x0], $0xffff  }
0x242: {  	v8 =	vadd.f32 $-3.333294990e-01, v8;
	v15 =	vmul.f32 v13, v13  }
0x243: {  	v56 =	vadd.s32 $0x3, v48;
	v4 =	vsub.f32 $1.500000000e+00, v4  }
0x244: {  	v3 =	vmul.f32 v8, v3;
	v27 =	vadd.s32 v56, v58;
	v8 =	vmul.f32 $8.053744580e-02, v15  }
0x245: {  	v17 =	vmin.f32 v5, v6;
	v18 =	vpop (erf);
	v4 =	vmul.f32 v4, v10;
	v10 =	vmul.u32 $0x3, v16  }
0x246: {  	v16 =	vmul.f32 v18, v17;
	v8 =	vadd.f32 $-1.387768540e-01, v8;
	v14 =	vmul.u32 $0x3, v14  }
0x247: {  	v17 =	vmul.f32 v3, v63;
	v3 =	vand.u32 $0x7FFFFFFF, v60;
	v59 =	vmul.f32 v4, v12  }
0x248: {  	v12 =	vadd.f32 $1.000000000e+00, v16;
	v25 =	vadd.s32 $0x1, v10;
	v8 =	vmul.f32 v8, v15  }
0x249: {  	v21 =	vadd.s32 $0x2, v10;
	v19 =	vadd.s32 $0x1, v14;
	v4 =	vand.u32 $0x7FFFFFFF, v59  }
0x24a: {  	v18 =	vld.idx.msk [tilespmem:v27+s12+$0x0], $0xffff;
	v26 =	vadd.s32 $0x2, v14;
	v8 =	vadd.f32 $1.997771110e-01, v8;
	v20 =	vmax.f32 v3, v4  }
0x24b: {  	(erf) = vrcp.f32 v12;
	v12 =	vmax.f32 v20, $9.999999910e-38;
	v10 =	vld.idx.msk [tilespmem:v10+s2+$0x0], $0xffff;
	v20 =	vadd.s32 v48, v58  }
0x24c: {  	v8 =	vmul.f32 v8, v15;
	(erf) = vrcp.f32 v12;
	v12 =	vld.idx.msk [tilespmem:v14+s2+$0x0], $0xffff;
	v14 =	vadd.f32 v17, v63  }
0x24d: {  	v17 =	vld.idx.msk [tilespmem:v25+s2+$0x0], $0xffff  }
0x24e: {  	v19 =	vld.idx.msk [tilespmem:v19+s2+$0x0], $0xffff;
	v8 =	vadd.f32 $-3.333294990e-01, v8;
	v22 =	vadd.f32 $7.853981850e-01, v14  }
0x24f: {  	v21 =	vld.idx.msk [tilespmem:v21+s2+$0x0], $0xffff  }
0x250: {  	v8 =	vmul.f32 v8, v15;
	v15 =	vld.idx.msk [tilespmem:v26+s2+$0x0], $0xffff;
	v14 =	vsel vm1, v22, v14  }
0x251: {  	v18 =	vmul.u32 $0x3, v18;
	v20 =	vld.idx.msk [tilespmem:v20+s12+$0x0], $0xffff;
	v22 =	vsub.f32 $1.570796370e+00, v14  }
0x252: {  	vm1 =	vgt.f32 v11, v9;
	v23 =	vsub.f32 v12, v10;
	v8 =	vmul.f32 v8, v13  }
0x253: {  	v11 =	vadd.f32 $-1.000000000e+00, v16;
	v24 =	vsub.f32 v19, v17;
	v14 =	vsel vm0, v22, v14  }
0x254: {  	v25 =	vpop (erf);
	v27 =	vmul.f32 v23, v23;
	vm0 =	vlt.f32 v49, $0.0e+00;
	v8 =	vadd.f32 v8, v13  }
0x255: {  	v13 =	vmin.f32 v3, v4;
	v28 =	vmul.f32 v24, v24;
	v22 =	vpop (erf);
	v26 =	vsub.f32 v15, v21  }
0x256: {  	v11 =	vmul.f32 v25, v11;
	v20 =	vmul.u32 $0x3, v20;
	v13 =	vmul.f32 v22, v13  }
0x257: {  	v22 =	vadd.f32 $7.853981850e-01, v8;
	v27 =	vadd.f32 v28, v27;
	v49 =	vmul.f32 v26, v26  }
0x258: {  	v63 =	vsub.f32 $3.141592740e+00, v14;
	v25 =	vadd.s32 $0x1, v20;
	v28 =	vadd.f32 $1.000000000e+00, v13  }
0x259: {  	v8 =	vsel vm2, v22, v8;
	v22 =	vadd.s32 $0x2, v18;
	v9 =	vadd.f32 v49, v27  }
0x25a: {  	v27 =	vadd.s32 $0x1, v18;
	(erf) = vrcp.f32 v28;
	v28 =	vsub.f32 $1.570796370e+00, v8  }
0x25b: {  	v14 =	vsel vm0, v63, v14;
	vm0 =	vgt.f32 v16, $4.142135680e-01;
	v9 =	vadd.f32 $9.999999960e-13, v9  }
0x25c: {  	v11 =	vsel vm0, v11, v16;
	v16 =	vadd.s32 $0x2, v20;
	v8 =	vsel vm1, v28, v8  }
0x25d: {  	v28 =	vmul.f32 v11, v11;
	v25 =	vld.idx.msk [tilespmem:v25+s2+$0x0], $0xffff;
	v63 =	vshra.s32 v9, $0x1;
	v9 =	vmul.f32 $5.000000000e-01, v9  }
0x25e: {  	vm2 =	vlt.f32 v53, $0.0e+00;
	vm1 =	vlt.f32 v50, $0.0e+00;
	v22 =	vld.idx.msk [tilespmem:v22+s2+$0x0], $0xffff;
	v49 =	vsub.s32 $0x5F3759DF, v63  }
0x25f: {  	v50 =	vsub.f32 $0.0e+00, v14;
	v27 =	vld.idx.msk [tilespmem:v27+s2+$0x0], $0xffff;
	v53 =	vmul.f32 $8.053744580e-02, v28;
	v63 =	vmul.f32 v49, v9  }
0x260: {  	v29 =	vsub.f32 $3.141592740e+00, v8  }
0x261: {  	v18 =	vld.idx.msk [tilespmem:v18+s2+$0x0], $0xffff;
	v14 =	vsel vm2, v50, v14;
	v63 =	vmul.f32 v49, v63  }
0x262: {  	s0 =	simm.s32 $0x10;
	v8 =	vsel vm1, v29, v8;
	v29 =	vadd.f32 $-1.000000000e+00, v13;
	v50 =	vadd.f32 $-1.387768540e-01, v53  }
0x263: {  	v30 =	vmov s0;
	v16 =	vld.idx.msk [tilespmem:v16+s2+$0x0], $0xffff;
	v17 =	vsub.f32 v17, v25;
	v53 =	vpop (erf);
	v63 =	vsub.f32 $1.500000000e+00, v63  }
0x264: {  	v20 =	vld.idx.msk [tilespmem:v20+s2+$0x0], $0xffff;
	v15 =	vsub.f32 v22, v15;
	v19 =	vsub.f32 v27, v19;
	v29 =	vmul.f32 v53, v29  }
0x265: {  	v53 =	vmul.u32 $0x5, v30;
	v30 =	vmul.f32 v50, v28;
	v27 =	vmul.f32 v49, v63  }
0x266: {  	v12 =	vsub.f32 v18, v12;
	v50 =	vmul.f32 v26, v17;
	v17 =	vmul.f32 v23, v17  }
0x267: {  	vm2 =	vlt.f32 v7, $0.0e+00;
	v63 =	vmul.f32 v15, v24;
	v9 =	vmul.f32 v27, v9  }
0x268: {  	v16 =	vsub.f32 v21, v16;
	v25 =	vmul.f32 v19, v26;
	v49 =	vmul.f32 v12, v26  }
0x269: {  	v10 =	vsub.f32 v10, v20;
	v15 =	vmul.f32 v15, v23;
	v9 =	vmul.f32 v9, v27  }
0x26a: {  	v19 =	vmul.f32 v19, v23;
	v18 =	vsub.f32 v63, v25;
	v63 =	vmul.f32 v24, v16  }
0x26b: {  	v16 =	vmul.f32 v23, v16;
	v25 =	vmul.f32 v26, v10;
	v9 =	vsub.f32 $1.500000000e+00, v9  }
0x26c: {  	v12 =	vmul.f32 v12, v24;
	v15 =	vsub.f32 v49, v15;
	v20 =	vsub.f32 v50, v63  }
0x26d: {  	v10 =	vmul.f32 v24, v10;
	v16 =	vsub.f32 v16, v25;
	v9 =	vmul.f32 v9, v27  }
0x26e: {  	v53 =	vbroadcast v53, $0x0;
	v12 =	vsub.f32 v19, v12;
	v22 =	vmul.f32 v18, v20  }
0x26f: {  	v10 =	vsub.f32 v10, v17;
	v17 =	vmul.f32 v15, v16;
	v49 =	vmul.f32 v9, v26  }
0x270: {  	v21 =	vadd.f32 $1.997771110e-01, v30;
	v23 =	vmul.f32 v9, v23;
	v9 =	vmul.f32 v9, v24  }
0x271: {  	v7 =	vmul.f32 v12, v10;
	v26 =	vadd.s32 v57, v53;
	v50 =	vmul.f32 v49, v16  }
0x272: {  	v25 =	vadd.s32 v55, v53;
	v63 =	vmul.f32 v49, v20;
	v20 =	vmul.f32 v9, v20  }
0x273: {  	vm1 =	vgt.f32 v13, $4.142135680e-01;
	v9 =	vmul.f32 v9, v10;
	v27 =	vmul.f32 v23, v10  }
0x274: {  	v17 =	vadd.f32 v17, v22;
	v24 =	vsub.f32 $0.0e+00, v8;
	v49 =	vmul.f32 v21, v28  }
0x275: {  	v16 =	vmul.f32 v23, v16;
	v9 =	vsub.f32 v50, v9;
	v50 =	vsub.f32 v27, v63;
	v63 =	vld.idx.msk [tilespmem:v54+s18+$0x0], $0xffff  }
0x276: {  	v13 =	vsel vm1, v29, v13;
	v7 =	vadd.f32 v17, v7;
	v19 =	vadd.f32 $-3.333294990e-01, v49;
	v26 =	vld.idx.msk [tilespmem:v26+s12+$0x0], $0xffff  }
0x277: {  	v16 =	vsub.f32 v20, v16;
	v27 =	vld.idx.msk [tilespmem:v25+s12+$0x0], $0xffff;
	v9 =	vmul.f32 v9, v18;
	v10 =	vmul.f32 v50, v15  }
0x278: {  	v8 =	vsel vm2, v24, v8;
	v15 =	vmul.f32 v19, v28;
	v18 =	vmul.f32 v13, v13  }
0x279: {  	v49 =	vld.idx.msk [tilespmem:v54+s17+$0x0], $0xffff;
	v50 =	vadd.f32 $9.999999960e-13, v7;
	v9 =	vadd.f32 v10, v9;
	v10 =	vmul.f32 v16, v12  }
0x27a: {  	v12 =	vmul.f32 v15, v11;
	v15 =	vmul.f32 $8.053744580e-02, v18;
	v16 =	vadd.s32 v56, v53  }
0x27b: {  	v8 =	vsub.f32 v8, v63;
	v17 =	vmul.u32 $0x3, v26;
	v7 =	vadd.f32 v9, v10  }
0x27c: {  	v10 =	vadd.f32 $-1.387768540e-01, v15;
	v15 =	vmul.u32 $0x3, v27;
	v27 =	vadd.s32 v48, v53  }
0x27d: {  	vm3 =	vlt.u32 v42, v2;
	v9 =	vld.idx.msk [tilespmem:v52+s18+$0x0], $0xffff;
	v11 =	vadd.f32 v12, v11  }
0x27e: {  	v54 =	vand.u32 $0x7FFFFFFF, v50;
	v19 =	vmul.f32 v8, v49;
	v63 =	vand.u32 $0x7FFFFFFF, v7  }
0x27f: {  	v12 =	vld.idx.msk [tilespmem:v52+s17+$0x0], $0xffff;
	v10 =	vmul.f32 v10, v18;
	v52 =	vadd.s32 $0x1, v17;
	v25 =	vadd.f32 $7.853981850e-01, v11  }
0x280: {  	v23 =	vadd.s32 $0x1, v15;
	v26 =	vadd.s32 $0x2, v17;
	v24 =	vmax.f32 v54, v63;
	v16 =	vld.idx.msk [tilespmem:v16+s12+$0x0], $0xffff  }
0x281: {  	v21 =	vmax.f32 v24, $9.999999910e-38;
	v10 =	vadd.f32 $1.997771110e-01, v10;
	v11 =	vsel vm0, v25, v11;
	v42 =	vld.idx.msk [tilespmem:v27+s12+$0x0], $0xffff  }
0x282: {  	(erf) = vrcp.f32 v21;
	v9 =	vsub.f32 v14, v9;
	v14 =	vadd.s32 $0x2, v15;
	v17 =	vld.idx.msk [tilespmem:v17+s2+$0x0], $0xffff  }
0x283: {  	vm0 =	vgt.f32 v6, v5;
	v5 =	vsub.f32 $1.570796370e+00, v11;
	v10 =	vmul.f32 v10, v18;
	v15 =	vld.idx.msk [tilespmem:v15+s2+$0x0], $0xffff  }
0x284: {  	v12 =	vmul.f32 v9, v12;
	v6 =	vld.idx.msk [tilespmem:v52+s2+$0x0], $0xffff  }
0x285: {  	v8 =	vmul.f32 v19, v8;
	v19 =	vld.idx.msk [tilespmem:v23+s2+$0x0], $0xffff;
	v5 =	vsel vm0, v5, v11;
	v10 =	vadd.f32 $-3.333294990e-01, v10  }
0x286: {  	v11 =	vld.idx.msk [tilespmem:v26+s2+$0x0], $0xffff;
	v9 =	vmul.f32 v12, v9;
	v12 =	vsub.f32 $3.141592740e+00, v5  }
0x287: {  	vm2 =	vlt.u32 v43, v2;
	vm0 =	vlt.f32 v61, $0.0e+00;
	v10 =	vmul.f32 v10, v18;
	v14 =	vld.idx.msk [tilespmem:v14+s2+$0x0], $0xffff  }
0x288: {  	v43 =	vmin.f32 v54, v63;
	v8 =	vnsel vm2, $0x0, v8;
	v5 =	vsel vm0, v12, v5  }
0x289: {  	v12 =	vmul.u32 $0x3, v16;
	v16 =	vsub.f32 v15, v17;
	v10 =	vmul.f32 v10, v13  }
0x28a: {  	v8 =	vadd.f32 v8, v51;
	v18 =	vmul.u32 $0x3, v42;
	v20 =	vsub.f32 v19, v6  }
0x28b: {  	v51 =	vmul.f32 v16, v16;
	v49 =	vpop (erf);
	v10 =	vadd.f32 v10, v13;
	v13 =	vadd.s32 $0x1, v12  }
0x28c: {  	v52 =	vmul.f32 v20, v20;
	v21 =	vmul.f32 v49, v43;
	v22 =	vsub.f32 v14, v11  }
0x28d: {  	v9 =	vnsel vm3, $0x0, v9;
	vm0 =	vgt.f32 v4, v3;
	v61 =	vadd.f32 $7.853981850e-01, v10  }
0x28e: {  	v23 =	vadd.f32 v52, v51;
	v42 =	vadd.f32 $1.000000000e+00, v21;
	v49 =	vmul.f32 v22, v22  }
0x28f: {  	v43 =	vadd.s32 $0x2, v12;
	v51 =	vadd.s32 $0x1, v18;
	v10 =	vsel vm1, v61, v10  }
0x290: {  	v52 =	vld.idx.msk [tilespmem:v47+s18+$0x0], $0xffff;
	(erf) = vrcp.f32 v42;
	v28 =	vsub.f32 $1.570796370e+00, v10;
	v23 =	vadd.f32 v49, v23  }
0x291: {  	v4 =	vadd.f32 v9, v8;
	v3 =	vsub.f32 $0.0e+00, v5;
	v61 =	vadd.s32 $0x2, v18;
	v8 =	vld.idx.msk [tilespmem:v13+s2+$0x0], $0xffff  }
0x292: {  	v9 =	vsel vm0, v28, v10;
	vm0 =	vlt.f32 v62, $0.0e+00;
	v10 =	vld.idx.msk [tilespmem:v12+s2+$0x0], $0xffff;
	v12 =	vadd.f32 $9.999999960e-13, v23  }
0x293: {  	s26 =	simm.s32 $0x20;
	vm1 =	vlt.f32 v60, $0.0e+00;
	v3 =	vsel vm0, v3, v5;
	v5 =	vsub.f32 $3.141592740e+00, v9  }
0x294: {  	v42 =	vmov s26;
	v13 =	vld.idx.msk [tilespmem:v43+s2+$0x0], $0xffff;
	v43 =	vshra.s32 v12, $0x1;
	v12 =	vmul.f32 $5.000000000e-01, v12  }
0x295: {  	v25 =	vld.idx.msk [tilespmem:v51+s2+$0x0], $0xffff;
	v5 =	vsel vm1, v5, v9;
	v9 =	vmul.u32 $0x5, v42;
	v51 =	vsub.s32 $0x5F3759DF, v43  }
0x296: {  	v26 =	vsub.f32 v3, v52;
	v3 =	vsub.f32 v8, v19;
	v8 =	vmul.f32 v51, v12  }
0x297: {  	vm2 =	vlt.f32 v59, $0.0e+00;
	vm0 =	vgt.f32 v21, $4.142135680e-01;
	v43 =	vbroadcast v9, $0x0  }
0x298: {  	v9 =	vsub.f32 v10, v15;
	v10 =	vadd.f32 $-1.000000000e+00, v21;
	v8 =	vmul.f32 v51, v8  }
0x299: {  	v49 =	vld.idx.msk [tilespmem:v61+s2+$0x0], $0xffff;
	vm1 =	vlt.u32 v45, v2;
	v13 =	vsub.f32 v13, v14;
	v14 =	vmul.f32 v3, v16;
	v52 =	vpop (erf)  }
0x29a: {  	v15 =	vld.idx.msk [tilespmem:v18+s2+$0x0], $0xffff;
	v62 =	vmul.f32 v3, v22;
	v10 =	vmul.f32 v52, v10;
	v8 =	vsub.f32 $1.500000000e+00, v8  }
0x29b: {  	v6 =	vsub.f32 v6, v25;
	v61 =	vmul.f32 v13, v20;
	v13 =	vmul.f32 v13, v16  }
0x29c: {  	v60 =	vmul.f32 v9, v20;
	v10 =	vsel vm0, v10, v21;
	v8 =	vmul.f32 v51, v8  }
0x29d: {  	v3 =	vadd.s32 $0x4, v48;
	v9 =	vmul.f32 v9, v22;
	v21 =	vmul.f32 v10, v10  }
0x29e: {  	v11 =	vsub.f32 v11, v49;
	v24 =	vmul.f32 v22, v6;
	v12 =	vmul.f32 v8, v12  }
0x29f: {  	v42 =	vadd.s32 v57, v43;
	v15 =	vsub.f32 v17, v15;
	v17 =	vmul.f32 $8.053744580e-02, v21  }
0x2a0: {  	v6 =	vmul.f32 v16, v6;
	v18 =	vsub.f32 v61, v62;
	v12 =	vmul.f32 v12, v8  }
0x2a1: {  	v25 =	vmul.f32 v20, v11;
	v9 =	vsub.f32 v9, v13;
	v17 =	vadd.f32 $-1.387768540e-01, v17  }
0x2a2: {  	v51 =	vadd.s32 v3, v58;
	v27 =	vmul.f32 v22, v15;
	v12 =	vsub.f32 $1.500000000e+00, v12  }
0x2a3: {  	v13 =	vsub.f32 v24, v25;
	v15 =	vmul.f32 v20, v15;
	v17 =	vmul.f32 v17, v21  }
0x2a4: {  	v49 =	vadd.s32 v55, v43;
	v11 =	vmul.f32 v16, v11;
	v8 =	vmul.f32 v12, v8  }
0x2a5: {  	v6 =	vsub.f32 v15, v6;
	v15 =	vmul.f32 v18, v13;
	v12 =	vadd.f32 $1.997771110e-01, v17  }
0x2a6: {  	v52 =	vld.idx.msk [tilespmem:v42+s12+$0x0], $0xffff;
	v11 =	vsub.f32 v11, v27;
	v22 =	vmul.f32 v8, v22;
	v16 =	vmul.f32 v8, v16  }
0x2a7: {  	v59 =	vsub.f32 $0.0e+00, v5;
	v42 =	vld.idx.msk [tilespmem:v51+s12+$0x0], $0xffff;
	v8 =	vmul.f32 v8, v20;
	v12 =	vmul.f32 v12, v21  }
0x2a8: {  	v14 =	vsub.f32 v14, v60;
	v17 =	vmul.f32 v9, v11;
	v58 =	vmul.f32 v22, v11  }
0x2a9: {  	v19 =	vld.idx.msk [tilespmem:v49+s12+$0x0], $0xffff;
	v22 =	vmul.f32 v22, v13;
	v13 =	vmul.f32 v8, v13;
	v12 =	vadd.f32 $-3.333294990e-01, v12  }
0x2aa: {  	v15 =	vadd.f32 v17, v15;
	v8 =	vmul.f32 v8, v6;
	v17 =	vmul.f32 v16, v6  }
0x2ab: {  	v61 =	vadd.s32 v56, v43;
	v11 =	vmul.f32 v16, v11;
	v12 =	vmul.f32 v12, v21  }
0x2ac: {  	v60 =	vld.idx.msk [tilespmem:v46+s18+$0x0], $0xffff;
	v6 =	vmul.f32 v14, v6;
	v8 =	vsub.f32 v58, v8;
	v17 =	vsub.f32 v17, v22  }
0x2ad: {  	v16 =	vadd.s32 v48, v43;
	v11 =	vsub.f32 v13, v11;
	v12 =	vmul.f32 v12, v10  }
0x2ae: {  	v8 =	vmul.f32 v8, v18;
	v9 =	vmul.f32 v17, v9;
	v17 =	vmul.u32 $0x3, v19  }
0x2af: {  	v5 =	vsel vm2, v59, v5;
	v20 =	vmul.u32 $0x3, v52;
	v62 =	vld.idx.msk [tilespmem:v42+s20+$0x0], $0xffff;
	v10 =	vadd.f32 v12, v10  }
0x2b0: {  	v6 =	vadd.f32 v15, v6;
	v8 =	vadd.f32 v9, v8;
	v9 =	vmul.f32 v11, v14;
	v12 =	vld.idx.msk [tilespmem:v46+s17+$0x0], $0xffff  }
0x2b1: {  	v5 =	vsub.f32 v5, v60;
	v13 =	vld.idx.msk [tilespmem:v47+s17+$0x0], $0xffff;
	v11 =	vadd.s32 $0x2, v20;
	v15 =	vadd.f32 $7.853981850e-01, v10  }
0x2b2: {  	v16 =	vld.idx.msk [tilespmem:v16+s12+$0x0], $0xffff;
	v46 =	vadd.f32 $9.999999960e-13, v6;
	v6 =	vadd.s32 $0x1, v20;
	v45 =	vadd.f32 v8, v9  }
0x2b3: {  	v14 =	vld.idx.msk [tilespmem:v61+s12+$0x0], $0xffff;
	v8 =	vadd.s32 $0x2, v17;
	v9 =	vadd.s32 $0x1, v17;
	v10 =	vsel vm0, v15, v10  }
0x2b4: {  	v47 =	vand.u32 $0x7FFFFFFF, v46;
	v49 =	vand.u32 $0x7FFFFFFF, v45;
	v17 =	vld.idx.msk [tilespmem:v17+s2+$0x0], $0xffff;
	v24 =	vsub.f32 $1.570796370e+00, v10  }
0x2b5: {  	v15 =	vld.idx.msk [tilespmem:v20+s2+$0x0], $0xffff;
	v25 =	vmax.f32 v47, v49;
	vm0 =	vgt.f32 v63, v54;
	v12 =	vmul.f32 v5, v12  }
0x2b6: {  	v11 =	vld.idx.msk [tilespmem:v11+s2+$0x0], $0xffff;
	v20 =	vmax.f32 v25, $9.999999910e-38;
	v10 =	vsel vm0, v24, v10  }
0x2b7: {  	v6 =	vld.idx.msk [tilespmem:v6+s2+$0x0], $0xffff;
	(erf) = vrcp.f32 v20;
	v5 =	vmul.f32 v12, v5;
	v12 =	vsub.f32 $3.141592740e+00, v10  }
0x2b8: {  	vm2 =	vlt.u32 v44, v2;
	v14 =	vmul.u32 $0x3, v14;
	v9 =	vld.idx.msk [tilespmem:v9+s2+$0x0], $0xffff;
	vm0 =	vlt.f32 v50, $0.0e+00  }
0x2b9: {  	v13 =	vmul.f32 v26, v13;
	v8 =	vld.idx.msk [tilespmem:v8+s2+$0x0], $0xffff;
	v5 =	vnsel vm1, $0x0, v5;
	v10 =	vsel vm0, v12, v10  }
0x2ba: {  	s28 =	simm.s32 $0x30;
	v4 =	vadd.f32 v5, v4;
	v5 =	vadd.s32 $0x1, v14;
	v12 =	vld.idx.msk [tilespmem:v42+s21+$0x0], $0xffff;
	v27 =	vsub.f32 $0.0e+00, v10  }
0x2bb: {  	v44 =	vmov s28;
	v13 =	vmul.f32 v13, v26;
	vm0 =	vlt.f32 v7, $0.0e+00  }
0x2bc: {  	v16 =	vmul.u32 $0x3, v16;
	v7 =	vadd.s32 $0x2, v14;
	v10 =	vsel vm0, v27, v10  }
0x2bd: {  	v58 =	vsub.f32 v17, v15;
	v59 =	vsub.f32 v9, v6;
	v10 =	vmul.f32 v10, v62  }
0x2be: {  	v13 =	vnsel vm2, $0x0, v13;
	v51 =	vmin.f32 v47, v49;
	v14 =	vld.idx.msk [tilespmem:v14+s2+$0x0], $0xffff;
	v61 =	vsub.f32 v8, v11  }
0x2bf: {  	v60 =	vmul.f32 v58, v58;
	v62 =	vmul.f32 v59, v59;
	v5 =	vld.idx.msk [tilespmem:v5+s2+$0x0], $0xffff;
	v10 =	vsub.f32 v10, v12  }
0x2c0: {  	v19 =	vadd.s32 $0x1, v16;
	v50 =	vmul.u32 $0x5, v44;
	v63 =	vmul.f32 v61, v61;
	v52 =	vpop (erf)  }
0x2c1: {  	v7 =	vld.idx.msk [tilespmem:v7+s2+$0x0], $0xffff;
	v20 =	vadd.f32 v62, v60;
	v21 =	vmul.f32 v52, v51;
	v54 =	vmul.f32 $3.183098730e-01, v10  }
0x2c2: {  	v50 =	vbroadcast v50, $0x0;
	v44 =	vadd.f32 v13, v4;
	v12 =	vadd.s32 $0x2, v16  }
0x2c3: {  	v4 =	vadd.f32 v63, v20;
	v13 =	vadd.f32 $1.000000000e+00, v21;
	vm0 =	vge.f32 v54, $0.0e+00  }
0x2c4: {  	v14 =	vsub.f32 v14, v17;
	v5 =	vsub.f32 v5, v9;
	v9 =	vsel vm0, $0x3F000000, v41  }
0x2c5: {  	v17 =	vld.idx.msk [tilespmem:v19+s2+$0x0], $0xffff;
	v4 =	vadd.f32 $9.999999960e-13, v4;
	(erf) = vrcp.f32 v13;
	v9 =	vadd.f32 v9, v54  }
0x2c6: {  	v16 =	vld.idx.msk [tilespmem:v16+s2+$0x0], $0xffff;
	v20 =	vadd.s32 v57, v50;
	v7 =	vsub.f32 v7, v8;
	v13 =	vmul.f32 v14, v59  }
0x2c7: {  	v12 =	vld.idx.msk [tilespmem:v12+s2+$0x0], $0xffff;
	v60 =	vshra.s32 v4, $0x1;
	v4 =	vmul.f32 $5.000000000e-01, v4;
	v9 =	vtrunc.f32 v9  }
0x2c8: {  	v8 =	vmul.f32 v5, v58;
	v18 =	vsub.s32 $0x5F3759DF, v60;
	v51 =	vcvt.f32.s32 v9  }
0x2c9: {  	v62 =	vadd.f32 $-1.000000000e+00, v21;
	v9 =	vmul.f32 v5, v61;
	v5 =	vmul.f32 v18, v4  }
0x2ca: {  	v6 =	vsub.f32 v6, v17;
	v14 =	vmul.f32 v14, v61;
	v17 =	vcvt.s32.f32 v51  }
0x2cb: {  	vm0 =	vgt.f32 v21, $4.142135680e-01;
	v19 =	vmul.f32 v7, v59;
	v5 =	vmul.f32 v18, v5  }
0x2cc: {  	v11 =	vsub.f32 v11, v12;
	v12 =	vsub.f32 v15, v16;
	v16 =	vmul.f32 $-3.140625000e+00, v17  }
0x2cd: {  	v7 =	vmul.f32 v7, v58;
	v15 =	vmul.f32 v61, v6;
	v5 =	vsub.f32 $1.500000000e+00, v5  }
0x2ce: {  	v22 =	vmul.f32 v59, v11;
	v63 =	vpop (erf);
	v10 =	vadd.f32 v16, v10;
	v16 =	vmul.f32 $-9.676535840e-04, v17  }
0x2cf: {  	v7 =	vsub.f32 v14, v7;
	v18 =	vmul.f32 v18, v5;
	v5 =	vmul.f32 v63, v62  }
0x2d0: {  	v11 =	vmul.f32 v58, v11;
	v27 =	vmul.f32 v59, v12;
	v10 =	vadd.f32 v16, v10  }
0x2d1: {  	v17 =	vadd.s32 v55, v50;
	v4 =	vmul.f32 v18, v4;
	v57 =	vsel vm0, v5, v21  }
0x2d2: {  	v63 =	vsub.f32 v15, v22;
	v60 =	vmul.f32 v57, v57;
	v54 =	vmul.f32 v10, v10  }
0x2d3: {  	v16 =	vmul.f32 v58, v6;
	v5 =	vsub.f32 v8, v13;
	v4 =	vmul.f32 v4, v18  }
0x2d4: {  	v6 =	vsub.f32 v19, v9;
	v8 =	vmul.f32 $8.053744580e-02, v60;
	v10 =	vmul.f32 $-2.755732000e-07, v54  }
0x2d5: {  	v12 =	vmul.f32 v61, v12;
	v9 =	vsub.f32 v27, v16;
	v4 =	vsub.f32 $1.500000000e+00, v4  }
0x2d6: {  	v3 =	vadd.s32 v3, v53;
	v15 =	vadd.f32 $-1.387768540e-01, v8;
	v10 =	vadd.f32 $2.480158760e-05, v10  }
0x2d7: {  	v14 =	vld.idx.msk [tilespmem:v20+s12+$0x0], $0xffff;
	v62 =	vmul.f32 v5, v9;
	v8 =	vsub.f32 v11, v12;
	v13 =	vmul.f32 v4, v18  }
0x2d8: {  	v53 =	vmov v48;
	v4 =	vmul.f32 v15, v60;
	v15 =	vld.idx.msk [tilespmem:v17+s12+$0x0], $0xffff;
	v55 =	vmul.f32 v10, v54  }
0x2d9: {  	s25 =	simm.s32 $0x40;
	v52 =	vmovc v48;
	v11 =	vmul.f32 v6, v63;
	v12 =	vmul.f32 v7, v8;
	v10 =	vadd.s32 v56, v50  }
.LBB2_6:
0x2da: {  	p0 =	sne.s32 s25, $0x180;
	v16 =	vmul.f32 v13, v58;
	v4 =	vadd.f32 $1.997771110e-01, v4;
	v17 =	vadd.f32 $-1.388888920e-03, v55  }
0x2db: {  	v18 =	vadd.s32 v52, v50;
	v19 =	vmul.f32 v13, v59;
	v13 =	vmul.f32 v13, v61  }
0x2dc: {  	v14 =	vmul.u32 $0x3, v14;
	v4 =	vmul.f32 v4, v60;
	v17 =	vmul.f32 v17, v54  }
0x2dd: {  	v15 =	vmul.u32 $0x3, v15;
	v20 =	vmul.f32 v13, v8;
	v21 =	vmul.f32 v19, v63  }
0x2de: {  	v19 =	vmul.f32 v19, v9;
	v4 =	vadd.f32 $-3.333294990e-01, v4;
	v17 =	vadd.f32 $4.166666790e-02, v17  }
0x2df: {  	v9 =	vmul.f32 v16, v9;
	v13 =	vmul.f32 v13, v63;
	v22 =	vadd.s32 $0x2, v14;
	v3 =	vld.idx.msk [tilespmem:v3+s12+$0x0], $0xffff  }
0x2e0: {  	v11 =	vadd.f32 v12, v11;
	v4 =	vmul.f32 v4, v60;
	v12 =	vmul.f32 v17, v54  }
0x2e1: {  	v8 =	vmul.f32 v16, v8;
	v9 =	vsub.f32 v9, v13;
	v17 =	vsub.f32 v20, v19  }
0x2e2: {  	v11 =	vadd.f32 v11, v62;
	v4 =	vmul.f32 v4, v57;
	v12 =	vadd.f32 $-5.000000000e-01, v12  }
0x2e3: {  	v8 =	vsub.f32 v21, v8;
	v7 =	vmul.f32 v9, v7;
	v6 =	vmul.f32 v17, v6  }
0x2e4: {  	v9 =	vld.idx.msk [tilespmem:v10+s12+$0x0], $0xffff;
	v10 =	vadd.s32 $0x2, v15;
	v4 =	vadd.f32 v4, v57;
	v12 =	vmul.f32 v12, v54  }
0x2e5: {  	v5 =	vmul.f32 v8, v5;
	v6 =	vadd.f32 v7, v6;
	v7 =	vadd.f32 $9.999999960e-13, v11;
	v13 =	vld.idx.msk [tilespmem:v18+s12+$0x0], $0xffff  }
0x2e6: {  	v8 =	vadd.s32 $0x1, v14;
	v11 =	vadd.f32 $7.853981850e-01, v4;
	v16 =	vld.idx.msk [tilespmem:v42+s19+$0x0], $0xffff;
	v12 =	vadd.f32 $1.000000000e+00, v12;
	v42 =	vmovc v3  }
0x2e7: {  	v17 =	vadd.s32 $0x1, v15;
	v5 =	vadd.f32 v6, v5;
	v6 =	vand.u32 $0x7FFFFFFF, v7;
	v3 =	vld.idx.msk [tilespmem:v3+s20+$0x0], $0xffff  }
0x2e8: {  	v14 =	vld.idx.msk [tilespmem:v14+s2+$0x0], $0xffff;
	v4 =	vsel vm0, v11, v4;
	v11 =	vand.u32 $0x1, v51;
	v18 =	vsub.f32 $0.0e+00, v12  }
0x2e9: {  	v19 =	vand.u32 $0x7FFFFFFF, v5;
	v15 =	vld.idx.msk [tilespmem:v15+s2+$0x0], $0xffff;
	v20 =	vsub.f32 $1.570796370e+00, v4;
	vm0 =	veq.s32 v11, $0x0  }
0x2ea: {  	vm1 =	vgt.f32 v49, v47;
	v21 =	vmax.f32 v6, v19;
	v11 =	vld.idx.msk [tilespmem:v22+s2+$0x0], $0xffff;
	v12 =	vsel vm0, v12, v18  }
0x2eb: {  	v47 =	vmovc v6;
	v49 =	vmovc v19;
	v18 =	vmax.f32 v21, $9.999999910e-38;
	v8 =	vld.idx.msk [tilespmem:v8+s2+$0x0], $0xffff;
	v4 =	vsel vm1, v20, v4;
	v12 =	vadd.f32 $1.000000000e+00, v12  }
0x2ec: {  	v9 =	vmul.u32 $0x3, v9;
	v6 =	vld.idx.msk [tilespmem:v17+s2+$0x0], $0xffff;
	(erf) = vrcp.f32 v18;
	v17 =	vsub.f32 $3.141592740e+00, v4  }
0x2ed: {  	vm0 =	vlt.f32 v46, $0.0e+00;
	v46 =	vmov v7;
	v10 =	vld.idx.msk [tilespmem:v10+s2+$0x0], $0xffff;
	v12 =	vmul.f32 v12, v16  }
0x2ee: {  	v7 =	vadd.s32 $0x1, v9;
	v4 =	vsel vm0, v17, v4;
	v16 =	vld.idx.msk [tilespmem:v42+s21+$0x0], $0xffff  }
0x2ef: {  	v17 =	vsub.f32 $0.0e+00, v4;
	v44 =	vadd.f32 v12, v44  }
0x2f0: {  	v18 =	vadd.s32 $0x2, v9;
	vm0 =	vlt.f32 v45, $0.0e+00;
	v45 =	vmovc v5;
	v12 =	vmov s25  }
0x2f1: {  	v5 =	vmul.u32 $0x5, v12;
	v12 =	vmul.u32 $0x3, v13;
	v4 =	vsel vm0, v17, v4  }
0x2f2: {  	v58 =	vsub.f32 v15, v14;
	v59 =	vsub.f32 v6, v8;
	v9 =	vld.idx.msk [tilespmem:v9+s2+$0x0], $0xffff;
	v3 =	vmul.f32 v4, v3  }
0x2f3: {  	v17 =	vadd.s32 $0x4, v53;
	v53 =	vmovc v52;
	v52 =	vmovc v48;
	v4 =	vadd.s32 $0x1, v12;
	v61 =	vsub.f32 v10, v11;
	v7 =	vld.idx.msk [tilespmem:v7+s2+$0x0], $0xffff  }
0x2f4: {  	v13 =	vmul.f32 v58, v58;
	v19 =	vmul.f32 v59, v59;
	v3 =	vsub.f32 v3, v16  }
0x2f5: {  	v21 =	vmin.f32 v47, v49;
	v16 =	vadd.s32 $0x2, v12;
	v20 =	vmul.f32 v61, v61;
	v18 =	vld.idx.msk [tilespmem:v18+s2+$0x0], $0xffff;
	v22 =	vpop (erf)  }
0x2f6: {  	v13 =	vadd.f32 v19, v13;
	v19 =	vmul.f32 v22, v21;
	v21 =	vmul.f32 $3.183098730e-01, v3  }
0x2f7: {  	v23 =	vadd.s32 $0x2, v52;
	v22 =	vbroadcast v5, $0x0;
	v5 =	vadd.s32 $0x1, v52  }
0x2f8: {  	v13 =	vadd.f32 v20, v13;
	v20 =	vadd.f32 $1.000000000e+00, v19;
	vm0 =	vge.f32 v21, $0.0e+00  }
0x2f9: {  	v9 =	vsub.f32 v9, v15;
	v6 =	vsub.f32 v7, v6;
	v4 =	vld.idx.msk [tilespmem:v4+s2+$0x0], $0xffff;
	v7 =	vsel vm0, $0x3F000000, v41  }
0x2fa: {  	v13 =	vadd.f32 $9.999999960e-13, v13;
	v15 =	vld.idx.msk [tilespmem:v16+s2+$0x0], $0xffff;
	(erf) = vrcp.f32 v20;
	v7 =	vadd.f32 v7, v21  }
0x2fb: {  	v10 =	vsub.f32 v18, v10;
	v16 =	vmul.f32 v6, v58;
	v18 =	vmul.f32 v9, v59;
	v12 =	vld.idx.msk [tilespmem:v12+s2+$0x0], $0xffff  }
0x2fc: {  	v20 =	vshra.s32 v13, $0x1;
	v13 =	vmul.f32 $5.000000000e-01, v13;
	v7 =	vtrunc.f32 v7  }
0x2fd: {  	v21 =	vmul.f32 v10, v59;
	v20 =	vsub.s32 $0x5F3759DF, v20;
	v51 =	vcvt.f32.s32 v7  }
0x2fe: {  	v24 =	vadd.s32 v5, v22;
	v6 =	vmul.f32 v6, v61;
	v5 =	vmul.f32 v20, v13  }
0x2ff: {  	v7 =	vmul.f32 v9, v61;
	v4 =	vsub.f32 v8, v4;
	v8 =	vcvt.s32.f32 v51  }
0x300: {  	v10 =	vmul.f32 v10, v58;
	v27 =	vsub.f32 v11, v15;
	v5 =	vmul.f32 v20, v5  }
0x301: {  	v11 =	vsub.f32 v14, v12;
	v12 =	vmul.f32 v61, v4;
	v14 =	vmul.f32 $-3.140625000e+00, v8  }
0x302: {  	v25 =	vadd.f32 $-1.000000000e+00, v19;
	v15 =	vmul.f32 v59, v27;
	v5 =	vsub.f32 $1.500000000e+00, v5  }
0x303: {  	v26 =	vmul.f32 v58, v27;
	v8 =	vmul.f32 $-9.676535840e-04, v8;
	v9 =	vpop (erf);
	v3 =	vadd.f32 v14, v3  }
0x304: {  	v23 =	vadd.s32 v23, v22;
	v20 =	vmul.f32 v20, v5;
	v5 =	vmul.f32 v9, v25  }
0x305: {  	vm0 =	vgt.f32 v19, $4.142135680e-01;
	v9 =	vmul.f32 v59, v11;
	v3 =	vadd.f32 v8, v3  }
0x306: {  	v4 =	vmul.f32 v58, v4;
	v8 =	vmul.f32 v20, v13;
	v57 =	vsel vm0, v5, v19  }
0x307: {  	v5 =	vsub.f32 v16, v18;
	v60 =	vmul.f32 v57, v57;
	v54 =	vmul.f32 v3, v3  }
0x308: {  	v6 =	vsub.f32 v21, v6;
	v7 =	vsub.f32 v7, v10;
	v3 =	vmul.f32 v8, v20  }
0x309: {  	v63 =	vsub.f32 v12, v15;
	v8 =	vmul.f32 $8.053744580e-02, v60;
	v10 =	vmul.f32 $-2.755732000e-07, v54  }
.Ltmp2:
0x30a: {  	v11 =	vmul.f32 v61, v11;
	v9 =	vsub.f32 v9, v4;
	v3 =	vsub.f32 $1.500000000e+00, v3;
	(pc) =	sbr.rel @p0 .LBB2_6-.Ltmp2, $4  }
0x30b: {  	v12 =	vadd.s32 $0x3, v52;
	v14 =	vld.idx.msk [tilespmem:v24+s12+$0x0], $0xffff;
	v4 =	vadd.f32 $-1.387768540e-01, v8;
	v10 =	vadd.f32 $2.480158760e-05, v10  }
0x30c: {  	v62 =	vmul.f32 v5, v9;
	v8 =	vsub.f32 v26, v11;
	v13 =	vmul.f32 v3, v20;
	v15 =	vld.idx.msk [tilespmem:v23+s12+$0x0], $0xffff  }
0x30d: {  	v3 =	vadd.s32 v17, v43;
	v43 =	vmovc v50;
	v4 =	vmul.f32 v4, v60;
	v55 =	vmul.f32 v10, v54  }
0x30e: {  	s25 =	sadd.s32 $0x10, s25;
	v11 =	vmul.f32 v6, v63;
	v50 =	vmovc v22;
	v10 =	vadd.s32 v12, v22;
	v12 =	vmul.f32 v7, v8  }
0x30f: {  	_ = 	snop  }
0x310: {  	v14 =	vmul.u32 $0x3, v14  }
0x311: {  	v15 =	vmul.u32 $0x3, v15;
	_ =	sdelay $0x1  }
0x312: {  	v16 =	vadd.s32 $0x1, v14  }
0x313: {  	v17 =	vadd.s32 $0x1, v15  }
0x314: {  	v18 =	vadd.s32 $0x2, v14  }
0x315: {  	v19 =	vadd.s32 $0x2, v15;
	v14 =	vld.idx.msk [tilespmem:v14+s2+$0x0], $0xffff  }
0x316: {  	v15 =	vld.idx.msk [tilespmem:v15+s2+$0x0], $0xffff  }
0x317: {  	v16 =	vld.idx.msk [tilespmem:v16+s2+$0x0], $0xffff  }
0x318: {  	v17 =	vld.idx.msk [tilespmem:v17+s2+$0x0], $0xffff  }
0x319: {  	v18 =	vld.idx.msk [tilespmem:v18+s2+$0x0], $0xffff  }
0x31a: {  	v19 =	vld.idx.msk [tilespmem:v19+s2+$0x0], $0xffff;
	_ =	sdelay $0x2  }
0x31b: {  	v22 =	vadd.s32 v52, v50;
	v20 =	vsub.f32 v15, v14;
	v21 =	vsub.f32 v17, v16  }
0x31c: {  	v10 =	vld.idx.msk [tilespmem:v10+s12+$0x0], $0xffff  }
0x31d: {  	v25 =	vsub.f32 v19, v18;
	v26 =	vmul.f32 v20, v20;
	v27 =	vmul.f32 v21, v21  }
0x31e: {  	v23 =	vmul.f32 v13, v59;
	v24 =	vmul.f32 v13, v61  }
0x31f: {  	v56 =	vmul.f32 v13, v58;
	v58 =	vmul.f32 v25, v25;
	v26 =	vadd.f32 v27, v26  }
0x320: {  	v28 =	vmul.f32 v24, v8;
	v29 =	vmul.f32 v23, v9;
	v22 =	vld.idx.msk [tilespmem:v22+s12+$0x0], $0xffff  }
0x321: {  	v59 =	vmul.f32 v56, v9;
	v10 =	vmul.u32 $0x3, v10;
	v26 =	vadd.f32 v58, v26  }
0x322: {  	v11 =	vadd.f32 v12, v11;
	v24 =	vmul.f32 v24, v63;
	v23 =	vmul.f32 v23, v63  }
0x323: {  	v63 =	vmul.f32 v56, v8;
	v61 =	vsub.f32 v28, v29;
	v26 =	vadd.f32 $9.999999960e-13, v26  }
0x324: {  	v9 =	vsub.f32 v59, v24;
	v48 =	vadd.s32 $0x1, v10;
	v59 =	vadd.s32 $0x2, v10  }
0x325: {  	v22 =	vmul.u32 $0x3, v22;
	v58 =	vshra.s32 v26, $0x1;
	v13 =	vmul.f32 $5.000000000e-01, v26  }
0x326: {  	v8 =	vsub.f32 v23, v63;
	v6 =	vmul.f32 v61, v6;
	v12 =	vsub.s32 $0x5F3759DF, v58  }
0x327: {  	v7 =	vmul.f32 v9, v7;
	v56 =	vld.idx.msk [tilespmem:v10+s2+$0x0], $0xffff;
	v63 =	vadd.s32 $0x1, v22;
	v61 =	vmul.f32 v12, v13  }
0x328: {  	v11 =	vadd.f32 v11, v62;
	v58 =	vadd.s32 $0x2, v22  }
0x329: {  	v5 =	vmul.f32 v8, v5;
	v7 =	vadd.f32 v7, v6;
	v59 =	vld.idx.msk [tilespmem:v59+s2+$0x0], $0xffff;
	v23 =	vmul.f32 v12, v61  }
0x32a: {  	v6 =	vadd.f32 $9.999999960e-13, v11;
	v9 =	vld.idx.msk [tilespmem:v48+s2+$0x0], $0xffff  }
0x32b: {  	v5 =	vadd.f32 v7, v5;
	v22 =	vld.idx.msk [tilespmem:v22+s2+$0x0], $0xffff;
	v23 =	vsub.f32 $1.500000000e+00, v23  }
0x32c: {  	v8 =	vsub.f32 v56, v15;
	v61 =	vld.idx.msk [tilespmem:v63+s2+$0x0], $0xffff  }
0x32d: {  	v7 =	vand.u32 $0x7FFFFFFF, v6;
	v48 =	vand.u32 $0x7FFFFFFF, v5;
	v10 =	vld.idx.msk [tilespmem:v58+s2+$0x0], $0xffff;
	v12 =	vmul.f32 v12, v23  }
0x32e: {  	v62 =	vmax.f32 v7, v48;
	v11 =	vsub.f32 v59, v19;
	v27 =	vmul.f32 v8, v21  }
0x32f: {  	v9 =	vsub.f32 v9, v17;
	v8 =	vmul.f32 v8, v25;
	v13 =	vmul.f32 v12, v13  }
0x330: {  	v19 =	vmul.f32 v11, v21;
	v11 =	vmul.f32 v11, v20;
	v14 =	vsub.f32 v14, v22  }
0x331: {  	v26 =	vmul.f32 v9, v20;
	v16 =	vsub.f32 v16, v61;
	v13 =	vmul.f32 v13, v12  }
0x332: {  	v9 =	vmul.f32 v9, v25;
	v59 =	vmul.f32 v21, v14;
	v10 =	vsub.f32 v18, v10  }
0x333: {  	v14 =	vmul.f32 v25, v14;
	v56 =	vmul.f32 v25, v16;
	v13 =	vsub.f32 $1.500000000e+00, v13  }
0x334: {  	v9 =	vsub.f32 v19, v9;
	v58 =	vmul.f32 v21, v10;
	v10 =	vmul.f32 v20, v10  }
0x335: {  	v63 =	vmax.f32 v62, $9.999999910e-38;
	v16 =	vmul.f32 v20, v16;
	v12 =	vmul.f32 v13, v12  }
0x336: {  	(erf) = vrcp.f32 v63;
	v18 =	vsub.f32 v56, v58;
	v10 =	vsub.f32 v10, v14  }
0x337: {  	v13 =	vsub.f32 v59, v16;
	v61 =	vmul.f32 v12, v21;
	v62 =	vmul.f32 v12, v25  }
0x338: {  	v19 =	vmul.f32 v9, v18;
	v12 =	vmul.f32 v12, v20  }
0x339: {  	v8 =	vsub.f32 v8, v11;
	v63 =	vmul.f32 v62, v10;
	v24 =	vmul.f32 v61, v13  }
0x33a: {  	v25 =	vmul.f32 v12, v13;
	v16 =	vmul.f32 v62, v18  }
0x33b: {  	v15 =	vsub.f32 v26, v27;
	v26 =	vmul.f32 v8, v10;
	v14 =	vmul.f32 v61, v18  }
0x33c: {  	v10 =	vmul.f32 v12, v10;
	v11 =	vsub.f32 v63, v24;
	v16 =	vsub.f32 v25, v16  }
0x33d: {  	v27 =	vmul.f32 v15, v13;
	v56 =	vadd.f32 v26, v19  }
0x33e: {  	v10 =	vsub.f32 v14, v10;
	v9 =	vmul.f32 v11, v9;
	v8 =	vmul.f32 v16, v8;
	_ =	sdelay $0x1  }
0x33f: {  	v58 =	vadd.f32 v56, v27;
	v59 =	vmul.f32 v10, v15;
	v8 =	vadd.f32 v8, v9  }
0x340: {  	v61 =	vmin.f32 v7, v48;
	v62 =	vpop (erf)  }
0x341: {  	v10 =	vmul.f32 v62, v61;
	v11 =	vadd.f32 $9.999999960e-13, v58;
	v8 =	vadd.f32 v8, v59;
	_ =	sdelay $0x1  }
0x342: {  	v63 =	vadd.f32 $1.000000000e+00, v10;
	v12 =	vand.u32 $0x7FFFFFFF, v11;
	v13 =	vand.u32 $0x7FFFFFFF, v8  }
0x343: {  	v16 =	vmax.f32 v12, v13  }
0x344: {  	(erf) = vrcp.f32 v63;
	v17 =	vmax.f32 v16, $9.999999910e-38  }
0x345: {  	(erf) = vrcp.f32 v17;
	_ =	sdelay $0x7  }
0x346: {  	v18 =	vpop (erf)  }
0x347: {  	v19 =	vmin.f32 v12, v13;
	v20 =	vpop (erf)  }
0x348: {  	v14 =	vmul.f32 v20, v19;
	_ =	sdelay $0x1  }
0x349: {  	v15 =	vadd.f32 $1.000000000e+00, v14;
	_ =	sdelay $0x1  }
0x34a: {  	(erf) = vrcp.f32 v15;
	_ =	sdelay $0x5  }
0x34b: {  	v21 =	vadd.f32 $-1.000000000e+00, v10;
	_ =	sdelay $0x1  }
0x34c: {  	v9 =	vmul.f32 v18, v21;
	v22 =	vadd.f32 $-1.000000000e+00, v14  }
0x34d: {  	vm2 =	vgt.f32 v10, $4.142135680e-01;
	v23 =	vpop (erf)  }
0x34e: {  	v9 =	vsel vm2, v9, v10;
	v24 =	vmul.f32 v23, v22  }
0x34f: {  	v25 =	vmul.f32 v9, v9;
	vm1 =	vgt.f32 v14, $4.142135680e-01  }
0x350: {  	v10 =	vsel vm1, v24, v14  }
0x351: {  	v26 =	vmul.f32 $8.053744580e-02, v25;
	v27 =	vmul.f32 v10, v10  }
0x352: {  	v4 =	vadd.f32 $1.997771110e-01, v4  }
0x353: {  	v14 =	vadd.f32 $-1.387768540e-01, v26;
	v56 =	vmul.f32 $8.053744580e-02, v27  }
0x354: {  	v4 =	vmul.f32 v4, v60  }
0x355: {  	v14 =	vmul.f32 v14, v25;
	v17 =	vadd.f32 $-1.387768540e-01, v56  }
0x356: {  	v4 =	vadd.f32 $-3.333294990e-01, v4  }
0x357: {  	v14 =	vadd.f32 $1.997771110e-01, v14;
	v17 =	vmul.f32 v17, v27  }
0x358: {  	v4 =	vmul.f32 v4, v60  }
0x359: {  	v14 =	vmul.f32 v14, v25;
	v17 =	vadd.f32 $1.997771110e-01, v17  }
0x35a: {  	v4 =	vmul.f32 v4, v57  }
0x35b: {  	v14 =	vadd.f32 $-3.333294990e-01, v14;
	v17 =	vmul.f32 v17, v27  }
0x35c: {  	v58 =	vadd.f32 v4, v57;
	v59 =	vadd.s32 $0x4, v53  }
0x35d: {  	v60 =	vadd.s32 v59, v43;
	v14 =	vmul.f32 v14, v25;
	v61 =	vadd.f32 $-3.333294990e-01, v17  }
0x35e: {  	v62 =	vadd.f32 $7.853981850e-01, v58;
	v63 =	vadd.s32 $0x4, v52  }
0x35f: {  	v4 =	vld.idx.msk [tilespmem:v3+s12+$0x0], $0xffff;
	v23 =	vadd.s32 v63, v50;
	v3 =	vmul.f32 v14, v9;
	v15 =	vmul.f32 v61, v27;
	_ =	sdelay $0x1  }
0x360: {  	v24 =	vsel vm0, v62, v58;
	v9 =	vadd.f32 v3, v9;
	v3 =	vmul.f32 v15, v10  }
0x361: {  	v43 =	vld.idx.msk [tilespmem:v60+s12+$0x0], $0xffff;
	v25 =	vsub.f32 $1.570796370e+00, v24  }
0x362: {  	v26 =	vadd.f32 $7.853981850e-01, v9;
	v10 =	vadd.f32 v3, v10  }
0x363: {  	vm12 =	vgt.f32 v49, v47;
	v3 =	vld.idx.msk [tilespmem:v23+s12+$0x0], $0xffff  }
0x364: {  	v27 =	vsel vm12, v25, v24;
	v9 =	vsel vm2, v26, v9;
	v47 =	vadd.f32 $7.853981850e-01, v10  }
0x365: {  	v16 =	vsub.f32 $3.141592740e+00, v27;
	v17 =	vsub.f32 $1.570796370e+00, v9  }
0x366: {  	vm13 =	vlt.f32 v46, $0.0e+00;
	vm14 =	vgt.f32 v48, v7;
	v49 =	vld.idx.msk [tilespmem:v4+s20+$0x0], $0xffff;
	v10 =	vsel vm1, v47, v10  }
0x367: {  	v50 =	vsel vm13, v16, v27;
	v9 =	vsel vm14, v17, v9;
	v52 =	vsub.f32 $1.570796370e+00, v10  }
0x368: {  	vm15 =	vgt.f32 v13, v12;
	v53 =	vld.idx.msk [tilespmem:v4+s21+$0x0], $0xffff;
	v16 =	vsub.f32 $0.0e+00, v50;
	v17 =	vsub.f32 $3.141592740e+00, v9  }
0x369: {  	vm4 =	vlt.f32 v45, $0.0e+00;
	vm5 =	vlt.f32 v6, $0.0e+00;
	v56 =	vld.idx.msk [tilespmem:v43+s20+$0x0], $0xffff;
	v10 =	vsel vm15, v52, v10  }
0x36a: {  	v59 =	vld.idx.msk [tilespmem:v43+s21+$0x0], $0xffff;
	v57 =	vsel vm4, v16, v50;
	v58 =	vsel vm5, v17, v9;
	v60 =	vsub.f32 $3.141592740e+00, v10  }
0x36b: {  	vm6 =	vlt.f32 v11, $0.0e+00;
	v6 =	vmul.f32 v57, v49;
	v61 =	vsub.f32 $0.0e+00, v58;
	v62 =	vld.idx.msk [tilespmem:v3+s20+$0x0], $0xffff  }
0x36c: {  	vm7 =	vlt.f32 v5, $0.0e+00;
	v63 =	vsel vm6, v60, v10  }
0x36d: {  	v6 =	vsub.f32 v6, v53;
	v7 =	vsel vm7, v61, v58;
	v13 =	vld.idx.msk [tilespmem:v3+s21+$0x0], $0xffff;
	v14 =	vsub.f32 $0.0e+00, v63  }
0x36e: {  	vm8 =	vlt.f32 v8, $0.0e+00;
	v7 =	vmul.f32 v7, v56  }
0x36f: {  	v15 =	vmul.f32 $3.183098730e-01, v6;
	v5 =	vsel vm8, v14, v63  }
0x370: {  	v7 =	vsub.f32 v7, v59;
	v5 =	vmul.f32 v5, v62  }
0x371: {  	vm9 =	vge.f32 v15, $0.0e+00  }
0x372: {  	v17 =	vsel vm9, $0x3F000000, v41;
	v18 =	vmul.f32 $3.183098730e-01, v7;
	v5 =	vsub.f32 v5, v13  }
0x373: {  	v8 =	vadd.f32 v17, v15  }
0x374: {  	vm10 =	vge.f32 v18, $0.0e+00;
	v19 =	vmul.f32 $3.183098730e-01, v5  }
0x375: {  	v8 =	vtrunc.f32 v8;
	v20 =	vsel vm10, $0x3F000000, v41  }
0x376: {  	v8 =	vcvt.f32.s32 v8;
	v10 =	vadd.f32 v20, v18;
	vm11 =	vge.f32 v19, $0.0e+00  }
0x377: {  	v21 =	vsel vm11, $0x3F000000, v41  }
0x378: {  	v22 =	vcvt.s32.f32 v8;
	v10 =	vtrunc.f32 v10;
	v9 =	vadd.f32 v21, v19  }
0x379: {  	v10 =	vcvt.f32.s32 v10  }
0x37a: {  	v23 =	vmul.f32 $-3.140625000e+00, v22;
	v9 =	vtrunc.f32 v9  }
0x37b: {  	v24 =	vcvt.s32.f32 v10;
	v9 =	vcvt.f32.s32 v9  }
0x37c: {  	v25 =	vmul.f32 $-9.676535840e-04, v22;
	v6 =	vadd.f32 v23, v6  }
0x37d: {  	v26 =	vmul.f32 $-3.140625000e+00, v24;
	v27 =	vcvt.s32.f32 v9  }
0x37e: {  	v6 =	vadd.f32 v25, v6  }
0x37f: {  	v45 =	vmul.f32 $-9.676535840e-04, v24;
	v7 =	vadd.f32 v26, v7;
	v46 =	vmul.f32 $-3.140625000e+00, v27  }
0x380: {  	v6 =	vmul.f32 v6, v6  }
0x381: {  	v7 =	vadd.f32 v45, v7;
	v47 =	vmul.f32 $-9.676535840e-04, v27;
	v5 =	vadd.f32 v46, v5;
	_ =	sdelay $0x1  }
0x382: {  	v48 =	vmul.f32 $-2.755732000e-07, v6;
	v7 =	vmul.f32 v7, v7;
	v5 =	vadd.f32 v47, v5  }
0x383: {  	v50 =	vadd.f32 $-1.388888920e-03, v55  }
0x384: {  	v49 =	vadd.f32 $2.480158760e-05, v48;
	v52 =	vmul.f32 $-2.755732000e-07, v7;
	v5 =	vmul.f32 v5, v5  }
0x385: {  	v12 =	vmul.f32 v50, v54  }
0x386: {  	v11 =	vmul.f32 v49, v6;
	v13 =	vadd.f32 $2.480158760e-05, v52;
	v53 =	vmul.f32 $-2.755732000e-07, v5  }
0x387: {  	v12 =	vadd.f32 $4.166666790e-02, v12  }
0x388: {  	v11 =	vadd.f32 $-1.388888920e-03, v11;
	v13 =	vmul.f32 v13, v7;
	v14 =	vadd.f32 $2.480158760e-05, v53  }
0x389: {  	v12 =	vmul.f32 v12, v54  }
0x38a: {  	v11 =	vmul.f32 v11, v6;
	v13 =	vadd.f32 $-1.388888920e-03, v13;
	v14 =	vmul.f32 v14, v5  }
0x38b: {  	v12 =	vadd.f32 $-5.000000000e-01, v12  }
0x38c: {  	v11 =	vadd.f32 $4.166666790e-02, v11;
	v13 =	vmul.f32 v13, v7;
	v14 =	vadd.f32 $-1.388888920e-03, v14  }
0x38d: {  	v12 =	vmul.f32 v12, v54  }
0x38e: {  	v11 =	vmul.f32 v11, v6;
	v13 =	vadd.f32 $4.166666790e-02, v13;
	v14 =	vmul.f32 v14, v5  }
0x38f: {  	v54 =	vand.u32 $0x1, v51;
	v12 =	vadd.f32 $1.000000000e+00, v12  }
0x390: {  	v11 =	vadd.f32 $-5.000000000e-01, v11;
	v13 =	vmul.f32 v13, v7;
	v14 =	vadd.f32 $4.166666790e-02, v14  }
0x391: {  	vm12 =	veq.s32 v54, $0x0;
	v56 =	vsub.f32 $0.0e+00, v12  }
0x392: {  	v55 =	vld.idx.msk [tilespmem:v42+s19+$0x0], $0xffff;
	v6 =	vmul.f32 v11, v6;
	v13 =	vadd.f32 $-5.000000000e-01, v13;
	v14 =	vmul.f32 v14, v5  }
0x393: {  	v12 =	vsel vm12, v12, v56  }
0x394: {  	v6 =	vadd.f32 $1.000000000e+00, v6;
	v7 =	vmul.f32 v13, v7;
	v57 =	vadd.f32 $-5.000000000e-01, v14  }
0x395: {  	v8 =	vand.u32 $0x1, v8;
	v12 =	vadd.f32 $1.000000000e+00, v12  }
0x396: {  	v4 =	vld.idx.msk [tilespmem:v4+s19+$0x0], $0xffff;
	v58 =	vsub.f32 $0.0e+00, v6;
	v7 =	vadd.f32 $1.000000000e+00, v7;
	v5 =	vmul.f32 v57, v5  }
0x397: {  	vm13 =	veq.s32 v8, $0x0;
	v59 =	vmul.f32 v12, v55;
	v10 =	vand.u32 $0x1, v10  }
0x398: {  	v60 =	vld.idx.msk [tilespmem:v43+s19+$0x0], $0xffff;
	v6 =	vsel vm13, v6, v58;
	v61 =	vsub.f32 $0.0e+00, v7;
	v5 =	vadd.f32 $1.000000000e+00, v5  }
0x399: {  	v8 =	vadd.f32 v59, v44;
	vm14 =	veq.s32 v10, $0x0;
	v6 =	vadd.f32 $1.000000000e+00, v6  }
0x39a: {  	v3 =	vld.idx.msk [tilespmem:v3+s19+$0x0], $0xffff;
	v9 =	vand.u32 $0x1, v9;
	v7 =	vsel vm14, v7, v61;
	v62 =	vsub.f32 $0.0e+00, v5  }
0x39b: {  	vm15 =	veq.s32 v9, $0x0;
	v4 =	vmul.f32 v6, v4;
	v63 =	vadd.f32 $1.000000000e+00, v7  }
0x39c: {  	v5 =	vsel vm15, v5, v62  }
0x39d: {  	v4 =	vadd.f32 v4, v8;
	v6 =	vmul.f32 v63, v60;
	v5 =	vadd.f32 $1.000000000e+00, v5;
	_ =	sdelay $0x1  }
0x39e: {  	v4 =	vadd.f32 v6, v4;
	v3 =	vmul.f32 v5, v3;
	_ =	sdelay $0x1  }
0x39f: {  	s24 =	sadd.s32 $0x1, s24;
	v3 =	vadd.f32 v3, v4  }
0x3a0: {  	p0 =	sne.s32 s24, s9  }
.Ltmp3:
0x3a1: {  	s0 =	simm.s32 $0x2E00;
	[tilespmem:$0x2E00] =	vst v3;
	(pc) =	sbr.rel @p0 .LBB2_1-.Ltmp3, $4  }
0x3a2: {  	[hbm4b:s8+s2] =	stream.linear.scatter [tilespmem:s0], [sflag:$0x2], $0x80, $0x38;
	[tilespmem:$0x2E80] =	vst v63  }
0x3a3: {  	_ =	swait.ge [sflag:s23], $0x80  }
0x3a4: {  	[sflag:s23] =	ssyncset.done $0x0  }
0x3a5: {  	[sflag:s23] =	ssyncadd.s32 $0xFFFFFF80  }
0x3a6: {  	_ =	sfence.sel $0x180000  }
0x3a7: {  	[bflag:$0x0] =	sbarrier.arrive $0xFFFF  }
0x3a8: {  	_ =	strace $0x90000047  }
0x3a9: {  	s0 =	stileid.u32;
	[bflag:$0x2] =	sbarrier.arrive $0xFFFF  }
0x3aa: {  	p0 =	sne.s32 s0, $0x0;
	s0 =	rddreg [dreg:$0x1]  }
0x3ab: {  	s0 =	sadd.s32 @!p0 $0x100000, s0  }
0x3ac: {  	[sflag:s0] =	ssyncadd.tile.s32 @!p0 $0x1;
	_ =	shalt  }
.Lfunc_end2:
_tile_overlayer_lowered:
.L_overlay_start_2:
0x3ad: {  	(tag) =	ssettag $0x2  }
0x3ae: {  	s0 =	rddreg [dreg:$0x0];
	s2 =	stileid.u32  }
0x3af: {  	s1 =	rddreg [dreg:$0x1];
	p0 =	sne.s32 s2, $0x0  }
0x3b0: {  	s3 =	rddreg [dreg:$0x2];
	[bflag:$0x3] =	sbarrier.arrive $0xFFFF;
	s2 =	simm.s32 @!p0 $0x1C02  }
0x3b1: {  	[timem:s3], [sflag:s2] =	dma.local @!p0 [hbm:s0], s1  }
0x3b2: {  	s0 =	simm.s32 @!p0 $0x2  }
0x3b3: {  	_ =	swait.ge @!p0 [sflag:s0], s1  }
0x3b4: {  	s1 =	ssub.s32 @!p0 $0x0, s1;
	[sflag:s0] =	ssyncset.done @!p0 $0x0  }
0x3b5: {  	[sflag:s0] =	ssyncadd.s32 @!p0 s1  }
0x3b6: {  	[bflag:$0x3] =	sbarrier.arrive $0xFFFF  }
0x3b7: {  	_ =	shalt  }

</sc_bundles>
